<compile_context>
chip_gen: v7x
topology: tpu7x:2x2x1
jax: 0.10.2.dev20260603
libtpu: 0.0.44.dev20260713+nightly
codegen_flags: <defaults>
</compile_context>

<pallas_src>
import dataclasses
import functools

import jax
import jax.numpy as jnp
from jax import lax
from jax.experimental import pallas as pl
from jax.experimental.pallas import tpu as pltpu
from jax.experimental.pallas import tpu_sc as plsc

_B = 1024
_DA = 32
_DB = 32
_K = 32
_H = 128
_EPS = float(jnp.finfo(jnp.float32).eps)

_TDOT = (((0,), (0,)), ((), ()))


def _tables_body(xT, w1h, b1h, w2h, b2h, w3h, b3h, w1w, b1w, w2w, b2w, w3w,
                 b3w, bins_o, v_o, csum_o, aux_o):
    f32 = jnp.float32
    xa = xT[:_DA, :]
    xb = xT[_DA:, :]

    def mlp(w1, b1, w2, b2, w3):
        a = jnp.maximum(
            jax.lax.dot_general(w1[...], xa, _TDOT,
                                preferred_element_type=f32)
            + b1[...].T, 0.0)
        a = jnp.maximum(
            jax.lax.dot_general(w2[...], a, _TDOT,
                                preferred_element_type=f32)
            + b2[...].T, 0.0)
        return jnp.dot(w3[...], a, preferred_element_type=f32)

    zh = mlp(w1h, b1h, w2h, b2h, w3h)
    zw = mlp(w1w, b1w, w2w, b2w, w3w)

    def softplus(t):
        return jnp.maximum(t, 0.0) + jnp.log1p(jnp.exp(-jnp.abs(t))) + _EPS

    v = [softplus(zh[k * _DB:(k + 1) * _DB, :] + b3h[:, k:k + 1])
         for k in range(_K + 1)]

    zwk = [zw[k * _DB:(k + 1) * _DB, :] + b3w[:, k:k + 1]
           for k in range(_K)]
    mx = zwk[0]
    for k in range(1, _K):
        mx = jnp.maximum(mx, zwk[k])
    ek = [jnp.exp(z - mx) for z in zwk]
    s = ek[0]
    for k in range(1, _K):
        s = s + ek[k]
    bins = [jnp.zeros_like(mx)]
    acc = ek[0]
    for k in range(1, _K + 1):
        bins.append(acc)
        if k < _K:
            acc = acc + ek[k]

    areas = [(v[k] + v[k + 1]) * ek[k] for k in range(_K)]
    tot = areas[0]
    for k in range(1, _K):
        tot = tot + areas[k]
    csum = [jnp.zeros_like(mx)]
    acc = areas[0]
    for k in range(2, _K):
        csum.append(acc)
        acc = acc + areas[k - 1]
    csum.append(acc)

    for k in range(_K + 1):
        bins_o[k] = bins[k]
        v_o[k] = v[k]
        csum_o[k] = csum[k] if k < _K else tot
    aux_o[0] = xb * s
    aux_o[1] = jnp.full_like(mx, _EPS) * s


def _sc_eval(bins_h, v_h, csum_h, aux_h, y_h, bins_v, v_v, csum_v, aux_v,
             y_v, sem):
    w = lax.axis_index("s") * 2 + lax.axis_index("c")
    c1 = pltpu.async_copy(bins_h.at[:, w, :], bins_v, sem)
    c2 = pltpu.async_copy(v_h.at[:, w, :], v_v, sem)
    c3 = pltpu.async_copy(csum_h.at[:, w, :], csum_v, sem)
    c4 = pltpu.async_copy(aux_h.at[:, w, :], aux_v, sem)
    c1.wait()
    c2.wait()
    c3.wait()
    c4.wait()

    iota = lax.iota(jnp.int32, 16)
    _U = 8

    @pl.loop(0, _B, step=16 * _U)
    def _(c0):
        cs = [c0 + 16 * u for u in range(_U)]
        cols = [iota + c for c in cs]
        xqs = [aux_v[0, pl.ds(c, 16)] for c in cs]
        iv = [jnp.zeros((16,), jnp.int32) for _ in range(_U)]
        for b in (16, 8, 4, 2, 1):
            for u in range(_U):
                t = iv[u] + b
                g = plsc.load_gather(bins_v, [t, cols[u]])
                iv[u] = jnp.where(g <= xqs[u], t, iv[u])
        for u in range(_U):
            c, col, i, xq = cs[u], cols[u], iv[u], xqs[u]
            epss = aux_v[1, pl.ds(c, 16)]
            tot = csum_v[_K, pl.ds(c, 16)]
            ip1 = i + 1
            xl = plsc.load_gather(bins_v, [i, col])
            xr = plsc.load_gather(bins_v, [ip1, col])
            vl = plsc.load_gather(v_v, [i, col])
            vr = plsc.load_gather(v_v, [ip1, col])
            cl = plsc.load_gather(csum_v, [i, col])
            wb = xr - xl
            alpha = (xq - xl) / (wb + epss)
            y = (cl + alpha * (alpha * (vr - vl) + vl + vl) * wb) / tot
            y_v[pl.ds(c, 16)] = y

    pltpu.async_copy(y_v, y_h.at[w], sem).wait()


@functools.partial(jax.jit, static_argnums=())
def kernel(x, hw1, hb1, hw2, hb2, hw3, hb3, ww1, wb1, ww2, wb2, ww3, wb3):
    f32 = jnp.float32
    xT = x.T
    w3h = hw3.reshape(_H, _DB, _K + 1).transpose(2, 1, 0).reshape(-1, _H)
    b3h = hb3.reshape(_DB, _K + 1)
    w3w = ww3.reshape(_H, _DB, _K).transpose(2, 1, 0).reshape(-1, _H)
    b3w = wb3.reshape(_DB, _K)

    bins_o, v_o, csum_o, aux_o = pl.pallas_call(
        _tables_body,
        out_shape=[
            jax.ShapeDtypeStruct((_K + 1, _DB, _B), f32),
            jax.ShapeDtypeStruct((_K + 1, _DB, _B), f32),
            jax.ShapeDtypeStruct((_K + 1, _DB, _B), f32),
            jax.ShapeDtypeStruct((2, _DB, _B), f32),
        ],
    )(xT, hw1, hb1.reshape(1, _H), hw2, hb2.reshape(1, _H), w3h, b3h,
      ww1, wb1.reshape(1, _H), ww2, wb2.reshape(1, _H), w3w, b3w)

    mesh = plsc.VectorSubcoreMesh(core_axis_name="c", subcore_axis_name="s")
    cp = pltpu.CompilerParams()
    if "needs_layout_passes" in pltpu.CompilerParams.__dataclass_fields__:
        cp = dataclasses.replace(cp, needs_layout_passes=False)
    yB = pl.kernel(
        _sc_eval,
        out_type=jax.ShapeDtypeStruct((_DB, _B), f32),
        mesh=mesh,
        compiler_params=cp,
        scratch_types=[
            pltpu.VMEM((_K + 1, _B), f32),
            pltpu.VMEM((_K + 1, _B), f32),
            pltpu.VMEM((_K + 1, _B), f32),
            pltpu.VMEM((2, _B), f32),
            pltpu.VMEM((_B,), f32),
            pltpu.SemaphoreType.DMA,
        ],
    )(bins_o, v_o, csum_o, aux_o)

    return jnp.concatenate([xT[:_DA, :], yB], axis=0).T

# --- scband reference (transcript-rebuilt; emitter-appended) ---
"""Pipeline reference for scband-pwq-layer-9405978378840 (READ-ONLY COPY).

The authoritative reference and input builder live on the scoring server;
editing this copy changes nothing except your own understanding.
"""

import jax, jax.numpy as jnp
import numpy as np

B = 1024
D_A = 32
D_B = 32
K = 32
H = 128


def _mlp(x, w1, b1, w2, b2, w3, b3):
    h = jax.nn.relu(x @ w1 + b1)
    h = jax.nn.relu(h @ w2 + b2)
    return h @ w3 + b3


def setup_inputs(seed: int = 0):
    key = jax.random.key(seed)
    ks = jax.random.split(key, 8)
    x = jax.random.uniform(ks[0], (B, D_A + D_B), dtype=jnp.float32)

    def lin(k, fi, fo):
        return jax.random.normal(k, (fi, fo), dtype=jnp.float32) * (1.0 / np.sqrt(fi))

    return {
        "x": x,
        "hw1": lin(ks[1], D_A, H), "hb1": jnp.zeros((H,), jnp.float32),
        "hw2": lin(ks[2], H, H), "hb2": jnp.zeros((H,), jnp.float32),
        "hw3": lin(ks[3], H, D_B * (K + 1)), "hb3": jnp.zeros((D_B * (K + 1),), jnp.float32),
        "ww1": lin(ks[4], D_A, H), "wb1": jnp.zeros((H,), jnp.float32),
        "ww2": lin(ks[5], H, H), "wb2": jnp.zeros((H,), jnp.float32),
        "ww3": lin(ks[6], H, D_B * K), "wb3": jnp.zeros((D_B * K,), jnp.float32),
    }


def reference(x, hw1, hb1, hw2, hb2, hw3, hb3, ww1, wb1, ww2, wb2, ww3, wb3):
    eps = jnp.finfo(jnp.float32).eps
    n = x.shape[0]
    x_A = x[:, :D_A]
    x_B = x[:, D_A:]
    # heights net + softplus
    raw_h = _mlp(x_A, hw1, hb1, hw2, hb2, hw3, hb3).reshape(n, D_B, K + 1)
    heights = jax.nn.softplus(raw_h) + eps
    # widths net -> bins via softmax + cumsum (raw_widths_to_bins)
    raw_w = _mlp(x_A, ww1, wb1, ww2, wb2, ww3, wb3).reshape(n, D_B, K)
    widths = jax.nn.softmax(raw_w, axis=-1)
    edges = jnp.cumsum(widths, axis=-1)
    bins = jnp.concatenate([jnp.zeros((n, D_B, 1), jnp.float32), edges], axis=-1)
    # preprocess_params_2
    v = heights
    bw = bins[:, :, 1:] - bins[:, :, :-1]
    areas = 0.5 * (v[:, :, :-1] + v[:, :, 1:]) * bw
    tot = jnp.sum(areas, axis=-1, keepdims=True)
    v = v / tot
    areas = areas / tot
    # bin search: count of edges <= x_B
    i_val = jnp.sum((x_B[:, :, None] >= bins).astype(jnp.int32), axis=-1) - 1
    i_val = jnp.clip(i_val, 0, K - 1)
    iu = i_val[:, :, None]
    x_left = jnp.take_along_axis(bins, iu, axis=2)[:, :, 0]
    x_right = jnp.take_along_axis(bins, iu + 1, axis=2)[:, :, 0]
    w_b = x_right - x_left
    v_left = jnp.take_along_axis(v, iu, axis=2)[:, :, 0]
    v_right = jnp.take_along_axis(v, iu + 1, axis=2)[:, :, 0]
    w_v = v_right - v_left
    alpha = (x_B - x_left) / (w_b + eps)
    # cum_areas[i,d] = sum(areas[i,d,:i_val[i,d]]) == exclusive cumsum gathered at i_val
    csum = jnp.concatenate(
        [jnp.zeros((n, D_B, 1), jnp.float32), jnp.cumsum(areas, axis=-1)], axis=-1
    )
    c_left = jnp.take_along_axis(csum, iu, axis=2)[:, :, 0]
    y_B = c_left + 0.5 * alpha ** 2 * w_v * w_b + alpha * v_left * w_b
    y = x.at[:, D_A:].set(y_B)
    return y

if __name__ == "__main__":
    import jax
    _d = setup_inputs()
    print(jax.jit(kernel)(*tuple(_d.values())))

</pallas_src>

<mosaic_0001>
#map = affine_map<(d0, d1) -> (0, 0, 0)>
#map1 = affine_map<(d0, d1) -> (0, 0)>
module attributes {stable_mosaic.version = 14 : i64} {
  func.func @_sc_eval(%arg0: i32, %arg1: i32, %arg2: memref<33x32x1024xf32, #tpu.memory_space<hbm>>, %arg3: memref<33x32x1024xf32, #tpu.memory_space<hbm>>, %arg4: memref<33x32x1024xf32, #tpu.memory_space<hbm>>, %arg5: memref<2x32x1024xf32, #tpu.memory_space<hbm>>, %arg6: memref<32x1024xf32, #tpu.memory_space<hbm>>, %arg7: memref<33x1024xf32, #tpu.memory_space<vmem>>, %arg8: memref<33x1024xf32, #tpu.memory_space<vmem>>, %arg9: memref<33x1024xf32, #tpu.memory_space<vmem>>, %arg10: memref<2x1024xf32, #tpu.memory_space<vmem>>, %arg11: memref<1024xf32, #tpu.memory_space<vmem>>, %arg12: memref<!tpu.dma_semaphore, #tpu.memory_space<semaphore_mem>>) attributes {dimension_semantics = [#tpu.dimension_semantics<core_parallel>, #tpu.dimension_semantics<subcore_parallel>], iteration_bounds = array<i64: 2, 16>, scalar_prefetch = 0 : i64, scratch_operands = 6 : i64, tpu.core_type = #tpu.core_type<sc_vector_subcore>, window_params = [{transform_indices = #map}, {transform_indices = #map}, {transform_indices = #map}, {transform_indices = #map}, {transform_indices = #map1}]} {
    %mul3A = arith.constant 2 : i32
    %mul3A_0 = arith.muli %arg1, %mul3A : i32
    %add3A = arith.addi %mul3A_0, %arg0 : i32
    %dma_start3A = arith.constant 0 : i32
    %dma_start3A_1 = arith.constant 0 : i32
    %dma_start3A_2 = tpu.memref_slice %arg2[%dma_start3A, %add3A, %dma_start3A_1] : memref<33x32x1024xf32, #tpu.memory_space<hbm>> -> memref<33x1x1024xf32, #tpu.memory_space<hbm>>
    %dma_start3A_3 = tpu.memref_squeeze %dma_start3A_2 : memref<33x1x1024xf32, #tpu.memory_space<hbm>> -> memref<33x1024xf32, #tpu.memory_space<hbm>>
    %dma_start3A_4 = arith.constant 0 : i32
    %dma_start3A_5 = arith.constant 0 : i32
    %dma_start3A_6 = tpu.memref_slice %arg2[%dma_start3A_4, %add3A, %dma_start3A_5] : memref<33x32x1024xf32, #tpu.memory_space<hbm>> -> memref<33x1x1024xf32, #tpu.memory_space<hbm>>
    %dma_start3A_7 = tpu.memref_squeeze %dma_start3A_6 : memref<33x1x1024xf32, #tpu.memory_space<hbm>> -> memref<33x1024xf32, #tpu.memory_space<hbm>>
    tpu.enqueue_dma source(%dma_start3A_7 : memref<33x1024xf32, #tpu.memory_space<hbm>>) target(%arg7 : memref<33x1024xf32, #tpu.memory_space<vmem>>) target_semaphore(%arg12 : memref<!tpu.dma_semaphore, #tpu.memory_space<semaphore_mem>>)
    %dma_start3A_8 = arith.constant 0 : i32
    %dma_start3A_9 = arith.constant 0 : i32
    %dma_start3A_10 = tpu.memref_slice %arg3[%dma_start3A_8, %add3A, %dma_start3A_9] : memref<33x32x1024xf32, #tpu.memory_space<hbm>> -> memref<33x1x1024xf32, #tpu.memory_space<hbm>>
    %dma_start3A_11 = tpu.memref_squeeze %dma_start3A_10 : memref<33x1x1024xf32, #tpu.memory_space<hbm>> -> memref<33x1024xf32, #tpu.memory_space<hbm>>
    %dma_start3A_12 = arith.constant 0 : i32
    %dma_start3A_13 = arith.constant 0 : i32
    %dma_start3A_14 = tpu.memref_slice %arg3[%dma_start3A_12, %add3A, %dma_start3A_13] : memref<33x32x1024xf32, #tpu.memory_space<hbm>> -> memref<33x1x1024xf32, #tpu.memory_space<hbm>>
    %dma_start3A_15 = tpu.memref_squeeze %dma_start3A_14 : memref<33x1x1024xf32, #tpu.memory_space<hbm>> -> memref<33x1024xf32, #tpu.memory_space<hbm>>
    tpu.enqueue_dma source(%dma_start3A_15 : memref<33x1024xf32, #tpu.memory_space<hbm>>) target(%arg8 : memref<33x1024xf32, #tpu.memory_space<vmem>>) target_semaphore(%arg12 : memref<!tpu.dma_semaphore, #tpu.memory_space<semaphore_mem>>)
    %dma_start3A_16 = arith.constant 0 : i32
    %dma_start3A_17 = arith.constant 0 : i32
    %dma_start3A_18 = tpu.memref_slice %arg4[%dma_start3A_16, %add3A, %dma_start3A_17] : memref<33x32x1024xf32, #tpu.memory_space<hbm>> -> memref<33x1x1024xf32, #tpu.memory_space<hbm>>
    %dma_start3A_19 = tpu.memref_squeeze %dma_start3A_18 : memref<33x1x1024xf32, #tpu.memory_space<hbm>> -> memref<33x1024xf32, #tpu.memory_space<hbm>>
    %dma_start3A_20 = arith.constant 0 : i32
    %dma_start3A_21 = arith.constant 0 : i32
    %dma_start3A_22 = tpu.memref_slice %arg4[%dma_start3A_20, %add3A, %dma_start3A_21] : memref<33x32x1024xf32, #tpu.memory_space<hbm>> -> memref<33x1x1024xf32, #tpu.memory_space<hbm>>
    %dma_start3A_23 = tpu.memref_squeeze %dma_start3A_22 : memref<33x1x1024xf32, #tpu.memory_space<hbm>> -> memref<33x1024xf32, #tpu.memory_space<hbm>>
    tpu.enqueue_dma source(%dma_start3A_23 : memref<33x1024xf32, #tpu.memory_space<hbm>>) target(%arg9 : memref<33x1024xf32, #tpu.memory_space<vmem>>) target_semaphore(%arg12 : memref<!tpu.dma_semaphore, #tpu.memory_space<semaphore_mem>>)
    %dma_start3A_24 = arith.constant 0 : i32
    %dma_start3A_25 = arith.constant 0 : i32
    %dma_start3A_26 = tpu.memref_slice %arg5[%dma_start3A_24, %add3A, %dma_start3A_25] : memref<2x32x1024xf32, #tpu.memory_space<hbm>> -> memref<2x1x1024xf32, #tpu.memory_space<hbm>>
    %dma_start3A_27 = tpu.memref_squeeze %dma_start3A_26 : memref<2x1x1024xf32, #tpu.memory_space<hbm>> -> memref<2x1024xf32, #tpu.memory_space<hbm>>
    %dma_start3A_28 = arith.constant 0 : i32
    %dma_start3A_29 = arith.constant 0 : i32
    %dma_start3A_30 = tpu.memref_slice %arg5[%dma_start3A_28, %add3A, %dma_start3A_29] : memref<2x32x1024xf32, #tpu.memory_space<hbm>> -> memref<2x1x1024xf32, #tpu.memory_space<hbm>>
    %dma_start3A_31 = tpu.memref_squeeze %dma_start3A_30 : memref<2x1x1024xf32, #tpu.memory_space<hbm>> -> memref<2x1024xf32, #tpu.memory_space<hbm>>
    tpu.enqueue_dma source(%dma_start3A_31 : memref<2x1024xf32, #tpu.memory_space<hbm>>) target(%arg10 : memref<2x1024xf32, #tpu.memory_space<vmem>>) target_semaphore(%arg12 : memref<!tpu.dma_semaphore, #tpu.memory_space<semaphore_mem>>)
    %dma_wait3A = arith.constant 0 : i32
    %dma_wait3A_32 = arith.constant 0 : i32
    %dma_wait3A_33 = tpu.memref_slice %arg2[%dma_wait3A, %add3A, %dma_wait3A_32] : memref<33x32x1024xf32, #tpu.memory_space<hbm>> -> memref<33x1x1024xf32, #tpu.memory_space<hbm>>
    %dma_wait3A_34 = tpu.memref_squeeze %dma_wait3A_33 : memref<33x1x1024xf32, #tpu.memory_space<hbm>> -> memref<33x1024xf32, #tpu.memory_space<hbm>>
    %dma_wait3A_35 = arith.constant 0 : i32
    %dma_wait3A_36 = arith.constant 0 : i32
    %dma_wait3A_37 = tpu.memref_slice %arg2[%dma_wait3A_35, %add3A, %dma_wait3A_36] : memref<33x32x1024xf32, #tpu.memory_space<hbm>> -> memref<33x1x1024xf32, #tpu.memory_space<hbm>>
    %dma_wait3A_38 = tpu.memref_squeeze %dma_wait3A_37 : memref<33x1x1024xf32, #tpu.memory_space<hbm>> -> memref<33x1024xf32, #tpu.memory_space<hbm>>
    tpu.wait_dma2 semaphore(%arg12 : memref<!tpu.dma_semaphore, #tpu.memory_space<semaphore_mem>>) src(%dma_wait3A_38 : memref<33x1024xf32, #tpu.memory_space<hbm>>) dst(%arg7 : memref<33x1024xf32, #tpu.memory_space<vmem>>)
    %dma_wait3A_39 = arith.constant 0 : i32
    %dma_wait3A_40 = arith.constant 0 : i32
    %dma_wait3A_41 = tpu.memref_slice %arg3[%dma_wait3A_39, %add3A, %dma_wait3A_40] : memref<33x32x1024xf32, #tpu.memory_space<hbm>> -> memref<33x1x1024xf32, #tpu.memory_space<hbm>>
    %dma_wait3A_42 = tpu.memref_squeeze %dma_wait3A_41 : memref<33x1x1024xf32, #tpu.memory_space<hbm>> -> memref<33x1024xf32, #tpu.memory_space<hbm>>
    %dma_wait3A_43 = arith.constant 0 : i32
    %dma_wait3A_44 = arith.constant 0 : i32
    %dma_wait3A_45 = tpu.memref_slice %arg3[%dma_wait3A_43, %add3A, %dma_wait3A_44] : memref<33x32x1024xf32, #tpu.memory_space<hbm>> -> memref<33x1x1024xf32, #tpu.memory_space<hbm>>
    %dma_wait3A_46 = tpu.memref_squeeze %dma_wait3A_45 : memref<33x1x1024xf32, #tpu.memory_space<hbm>> -> memref<33x1024xf32, #tpu.memory_space<hbm>>
    tpu.wait_dma2 semaphore(%arg12 : memref<!tpu.dma_semaphore, #tpu.memory_space<semaphore_mem>>) src(%dma_wait3A_46 : memref<33x1024xf32, #tpu.memory_space<hbm>>) dst(%arg8 : memref<33x1024xf32, #tpu.memory_space<vmem>>)
    %dma_wait3A_47 = arith.constant 0 : i32
    %dma_wait3A_48 = arith.constant 0 : i32
    %dma_wait3A_49 = tpu.memref_slice %arg4[%dma_wait3A_47, %add3A, %dma_wait3A_48] : memref<33x32x1024xf32, #tpu.memory_space<hbm>> -> memref<33x1x1024xf32, #tpu.memory_space<hbm>>
    %dma_wait3A_50 = tpu.memref_squeeze %dma_wait3A_49 : memref<33x1x1024xf32, #tpu.memory_space<hbm>> -> memref<33x1024xf32, #tpu.memory_space<hbm>>
    %dma_wait3A_51 = arith.constant 0 : i32
    %dma_wait3A_52 = arith.constant 0 : i32
    %dma_wait3A_53 = tpu.memref_slice %arg4[%dma_wait3A_51, %add3A, %dma_wait3A_52] : memref<33x32x1024xf32, #tpu.memory_space<hbm>> -> memref<33x1x1024xf32, #tpu.memory_space<hbm>>
    %dma_wait3A_54 = tpu.memref_squeeze %dma_wait3A_53 : memref<33x1x1024xf32, #tpu.memory_space<hbm>> -> memref<33x1024xf32, #tpu.memory_space<hbm>>
    tpu.wait_dma2 semaphore(%arg12 : memref<!tpu.dma_semaphore, #tpu.memory_space<semaphore_mem>>) src(%dma_wait3A_54 : memref<33x1024xf32, #tpu.memory_space<hbm>>) dst(%arg9 : memref<33x1024xf32, #tpu.memory_space<vmem>>)
    %dma_wait3A_55 = arith.constant 0 : i32
    %dma_wait3A_56 = arith.constant 0 : i32
    %dma_wait3A_57 = tpu.memref_slice %arg5[%dma_wait3A_55, %add3A, %dma_wait3A_56] : memref<2x32x1024xf32, #tpu.memory_space<hbm>> -> memref<2x1x1024xf32, #tpu.memory_space<hbm>>
    %dma_wait3A_58 = tpu.memref_squeeze %dma_wait3A_57 : memref<2x1x1024xf32, #tpu.memory_space<hbm>> -> memref<2x1024xf32, #tpu.memory_space<hbm>>
    %dma_wait3A_59 = arith.constant 0 : i32
    %dma_wait3A_60 = arith.constant 0 : i32
    %dma_wait3A_61 = tpu.memref_slice %arg5[%dma_wait3A_59, %add3A, %dma_wait3A_60] : memref<2x32x1024xf32, #tpu.memory_space<hbm>> -> memref<2x1x1024xf32, #tpu.memory_space<hbm>>
    %dma_wait3A_62 = tpu.memref_squeeze %dma_wait3A_61 : memref<2x1x1024xf32, #tpu.memory_space<hbm>> -> memref<2x1024xf32, #tpu.memory_space<hbm>>
    tpu.wait_dma2 semaphore(%arg12 : memref<!tpu.dma_semaphore, #tpu.memory_space<semaphore_mem>>) src(%dma_wait3A_62 : memref<2x1024xf32, #tpu.memory_space<hbm>>) dst(%arg10 : memref<2x1024xf32, #tpu.memory_space<vmem>>)
    %iota3A = tpu.iota {dimensions = array<i32: 0>} : vector<16xi32>
    %scan3A = arith.constant 0 : i32
    %scan3A_63 = arith.constant 8 : i32
    %scan3A_64 = arith.addi %scan3A, %scan3A_63 : i32
    %scan3A_65 = arith.constant 1 : i32
    scf.for %scan3A_79 = %scan3A to %scan3A_64 step %scan3A_65  : i32 {
      %mul3A_80 = arith.constant 128 : i32
      %mul3A_81 = arith.muli %scan3A_79, %mul3A_80 : i32
      %add3A_82 = arith.constant 0 : i32
      %add3A_83 = arith.addi %add3A_82, %mul3A_81 : i32
      %add3A_84 = arith.constant 0 : i32
      %add3A_85 = arith.addi %add3A_83, %add3A_84 : i32
      %add3A_86 = arith.constant 16 : i32
      %add3A_87 = arith.addi %add3A_83, %add3A_86 : i32
      %add3A_88 = arith.constant 32 : i32
      %add3A_89 = arith.addi %add3A_83, %add3A_88 : i32
      %add3A_90 = arith.constant 48 : i32
      %add3A_91 = arith.addi %add3A_83, %add3A_90 : i32
      %add3A_92 = arith.constant 64 : i32
      %add3A_93 = arith.addi %add3A_83, %add3A_92 : i32
      %add3A_94 = arith.constant 80 : i32
      %add3A_95 = arith.addi %add3A_83, %add3A_94 : i32
      %add3A_96 = arith.constant 96 : i32
      %add3A_97 = arith.addi %add3A_83, %add3A_96 : i32
      %add3A_98 = arith.constant 112 : i32
      %add3A_99 = arith.addi %add3A_83, %add3A_98 : i32
      %add3A_100 = vector.broadcast %add3A_85 : i32 to vector<16xi32>
      %add3A_101 = arith.addi %iota3A, %add3A_100 : vector<16xi32>
      %add3A_102 = vector.broadcast %add3A_87 : i32 to vector<16xi32>
      %add3A_103 = arith.addi %iota3A, %add3A_102 : vector<16xi32>
      %add3A_104 = vector.broadcast %add3A_89 : i32 to vector<16xi32>
      %add3A_105 = arith.addi %iota3A, %add3A_104 : vector<16xi32>
      %add3A_106 = vector.broadcast %add3A_91 : i32 to vector<16xi32>
      %add3A_107 = arith.addi %iota3A, %add3A_106 : vector<16xi32>
      %add3A_108 = vector.broadcast %add3A_93 : i32 to vector<16xi32>
      %add3A_109 = arith.addi %iota3A, %add3A_108 : vector<16xi32>
      %add3A_110 = vector.broadcast %add3A_95 : i32 to vector<16xi32>
      %add3A_111 = arith.addi %iota3A, %add3A_110 : vector<16xi32>
      %add3A_112 = vector.broadcast %add3A_97 : i32 to vector<16xi32>
      %add3A_113 = arith.addi %iota3A, %add3A_112 : vector<16xi32>
      %add3A_114 = vector.broadcast %add3A_99 : i32 to vector<16xi32>
      %add3A_115 = arith.addi %iota3A, %add3A_114 : vector<16xi32>
      %get3A = arith.constant 0 : i32
      %get3A_116 = arith.index_cast %get3A : i32 to index
      %get3A_117 = arith.index_cast %add3A_85 : i32 to index
      %get3A_118 = tpu.vector_load %arg10[%get3A_116, %get3A_117] {strides = array<i32>} : memref<2x1024xf32, #tpu.memory_space<vmem>>, vector<16xf32>,
      %get3A_119 = arith.constant 0 : i32
      %get3A_120 = arith.index_cast %get3A_119 : i32 to index
      %get3A_121 = arith.index_cast %add3A_87 : i32 to index
      %get3A_122 = tpu.vector_load %arg10[%get3A_120, %get3A_121] {strides = array<i32>} : memref<2x1024xf32, #tpu.memory_space<vmem>>, vector<16xf32>,
      %get3A_123 = arith.constant 0 : i32
      %get3A_124 = arith.index_cast %get3A_123 : i32 to index
      %get3A_125 = arith.index_cast %add3A_89 : i32 to index
      %get3A_126 = tpu.vector_load %arg10[%get3A_124, %get3A_125] {strides = array<i32>} : memref<2x1024xf32, #tpu.memory_space<vmem>>, vector<16xf32>,
      %get3A_127 = arith.constant 0 : i32
      %get3A_128 = arith.index_cast %get3A_127 : i32 to index
      %get3A_129 = arith.index_cast %add3A_91 : i32 to index
      %get3A_130 = tpu.vector_load %arg10[%get3A_128, %get3A_129] {strides = array<i32>} : memref<2x1024xf32, #tpu.memory_space<vmem>>, vector<16xf32>,
      %get3A_131 = arith.constant 0 : i32
      %get3A_132 = arith.index_cast %get3A_131 : i32 to index
      %get3A_133 = arith.index_cast %add3A_93 : i32 to index
      %get3A_134 = tpu.vector_load %arg10[%get3A_132, %get3A_133] {strides = array<i32>} : memref<2x1024xf32, #tpu.memory_space<vmem>>, vector<16xf32>,
      %get3A_135 = arith.constant 0 : i32
      %get3A_136 = arith.index_cast %get3A_135 : i32 to index
      %get3A_137 = arith.index_cast %add3A_95 : i32 to index
      %get3A_138 = tpu.vector_load %arg10[%get3A_136, %get3A_137] {strides = array<i32>} : memref<2x1024xf32, #tpu.memory_space<vmem>>, vector<16xf32>,
      %get3A_139 = arith.constant 0 : i32
      %get3A_140 = arith.index_cast %get3A_139 : i32 to index
      %get3A_141 = arith.index_cast %add3A_97 : i32 to index
      %get3A_142 = tpu.vector_load %arg10[%get3A_140, %get3A_141] {strides = array<i32>} : memref<2x1024xf32, #tpu.memory_space<vmem>>, vector<16xf32>,
      %get3A_143 = arith.constant 0 : i32
      %get3A_144 = arith.index_cast %get3A_143 : i32 to index
      %get3A_145 = arith.index_cast %add3A_99 : i32 to index
      %get3A_146 = tpu.vector_load %arg10[%get3A_144, %get3A_145] {strides = array<i32>} : memref<2x1024xf32, #tpu.memory_space<vmem>>, vector<16xf32>,
      %broadcast_in_dim3A = arith.constant 0 : i32
      %broadcast_in_dim3A_147 = vector.broadcast %broadcast_in_dim3A : i32 to vector<16xi32>
      %broadcast_in_dim3A_148 = arith.constant 0 : i32
      %broadcast_in_dim3A_149 = vector.broadcast %broadcast_in_dim3A_148 : i32 to vector<16xi32>
      %broadcast_in_dim3A_150 = arith.constant 0 : i32
      %broadcast_in_dim3A_151 = vector.broadcast %broadcast_in_dim3A_150 : i32 to vector<16xi32>
      %broadcast_in_dim3A_152 = arith.constant 0 : i32
      %broadcast_in_dim3A_153 = vector.broadcast %broadcast_in_dim3A_152 : i32 to vector<16xi32>
      %broadcast_in_dim3A_154 = arith.constant 0 : i32
      %broadcast_in_dim3A_155 = vector.broadcast %broadcast_in_dim3A_154 : i32 to vector<16xi32>
      %broadcast_in_dim3A_156 = arith.constant 0 : i32
      %broadcast_in_dim3A_157 = vector.broadcast %broadcast_in_dim3A_156 : i32 to vector<16xi32>
      %broadcast_in_dim3A_158 = arith.constant 0 : i32
      %broadcast_in_dim3A_159 = vector.broadcast %broadcast_in_dim3A_158 : i32 to vector<16xi32>
      %broadcast_in_dim3A_160 = arith.constant 0 : i32
      %broadcast_in_dim3A_161 = vector.broadcast %broadcast_in_dim3A_160 : i32 to vector<16xi32>
      %add3A_162 = arith.constant 16 : i32
      %add3A_163 = vector.broadcast %add3A_162 : i32 to vector<16xi32>
      %add3A_164 = arith.addi %broadcast_in_dim3A_147, %add3A_163 : vector<16xi32>
      %gather3A = tpu.vector_load_idx %arg7[%add3A_164, %add3A_101] : memref<33x1024xf32, #tpu.memory_space<vmem>>[vector<16xi32>, vector<16xi32>], vector<16xf32>,
      %le3A = arith.cmpf ole, %gather3A, %get3A_118 : vector<16xf32>
      %select_n3A = arith.select %le3A, %add3A_164, %broadcast_in_dim3A_147 : vector<16xi1>, vector<16xi32>
      %add3A_165 = arith.constant 16 : i32
      %add3A_166 = vector.broadcast %add3A_165 : i32 to vector<16xi32>
      %add3A_167 = arith.addi %broadcast_in_dim3A_149, %add3A_166 : vector<16xi32>
      %gather3A_168 = tpu.vector_load_idx %arg7[%add3A_167, %add3A_103] : memref<33x1024xf32, #tpu.memory_space<vmem>>[vector<16xi32>, vector<16xi32>], vector<16xf32>,
      %le3A_169 = arith.cmpf ole, %gather3A_168, %get3A_122 : vector<16xf32>
      %select_n3A_170 = arith.select %le3A_169, %add3A_167, %broadcast_in_dim3A_149 : vector<16xi1>, vector<16xi32>
      %add3A_171 = arith.constant 16 : i32
      %add3A_172 = vector.broadcast %add3A_171 : i32 to vector<16xi32>
      %add3A_173 = arith.addi %broadcast_in_dim3A_151, %add3A_172 : vector<16xi32>
      %gather3A_174 = tpu.vector_load_idx %arg7[%add3A_173, %add3A_105] : memref<33x1024xf32, #tpu.memory_space<vmem>>[vector<16xi32>, vector<16xi32>], vector<16xf32>,
      %le3A_175 = arith.cmpf ole, %gather3A_174, %get3A_126 : vector<16xf32>
      %select_n3A_176 = arith.select %le3A_175, %add3A_173, %broadcast_in_dim3A_151 : vector<16xi1>, vector<16xi32>
      %add3A_177 = arith.constant 16 : i32
      %add3A_178 = vector.broadcast %add3A_177 : i32 to vector<16xi32>
      %add3A_179 = arith.addi %broadcast_in_dim3A_153, %add3A_178 : vector<16xi32>
      %gather3A_180 = tpu.vector_load_idx %arg7[%add3A_179, %add3A_107] : memref<33x1024xf32, #tpu.memory_space<vmem>>[vector<16xi32>, vector<16xi32>], vector<16xf32>,
      %le3A_181 = arith.cmpf ole, %gather3A_180, %get3A_130 : vector<16xf32>
      %select_n3A_182 = arith.select %le3A_181, %add3A_179, %broadcast_in_dim3A_153 : vector<16xi1>, vector<16xi32>
      %add3A_183 = arith.constant 16 : i32
      %add3A_184 = vector.broadcast %add3A_183 : i32 to vector<16xi32>
      %add3A_185 = arith.addi %broadcast_in_dim3A_155, %add3A_184 : vector<16xi32>
      %gather3A_186 = tpu.vector_load_idx %arg7[%add3A_185, %add3A_109] : memref<33x1024xf32, #tpu.memory_space<vmem>>[vector<16xi32>, vector<16xi32>], vector<16xf32>,
      %le3A_187 = arith.cmpf ole, %gather3A_186, %get3A_134 : vector<16xf32>
      %select_n3A_188 = arith.select %le3A_187, %add3A_185, %broadcast_in_dim3A_155 : vector<16xi1>, vector<16xi32>
      %add3A_189 = arith.constant 16 : i32
      %add3A_190 = vector.broadcast %add3A_189 : i32 to vector<16xi32>
      %add3A_191 = arith.addi %broadcast_in_dim3A_157, %add3A_190 : vector<16xi32>
      %gather3A_192 = tpu.vector_load_idx %arg7[%add3A_191, %add3A_111] : memref<33x1024xf32, #tpu.memory_space<vmem>>[vector<16xi32>, vector<16xi32>], vector<16xf32>,
      %le3A_193 = arith.cmpf ole, %gather3A_192, %get3A_138 : vector<16xf32>
      %select_n3A_194 = arith.select %le3A_193, %add3A_191, %broadcast_in_dim3A_157 : vector<16xi1>, vector<16xi32>
      %add3A_195 = arith.constant 16 : i32
      %add3A_196 = vector.broadcast %add3A_195 : i32 to vector<16xi32>
      %add3A_197 = arith.addi %broadcast_in_dim3A_159, %add3A_196 : vector<16xi32>
      %gather3A_198 = tpu.vector_load_idx %arg7[%add3A_197, %add3A_113] : memref<33x1024xf32, #tpu.memory_space<vmem>>[vector<16xi32>, vector<16xi32>], vector<16xf32>,
      %le3A_199 = arith.cmpf ole, %gather3A_198, %get3A_142 : vector<16xf32>
      %select_n3A_200 = arith.select %le3A_199, %add3A_197, %broadcast_in_dim3A_159 : vector<16xi1>, vector<16xi32>
      %add3A_201 = arith.constant 16 : i32
      %add3A_202 = vector.broadcast %add3A_201 : i32 to vector<16xi32>
      %add3A_203 = arith.addi %broadcast_in_dim3A_161, %add3A_202 : vector<16xi32>
      %gather3A_204 = tpu.vector_load_idx %arg7[%add3A_203, %add3A_115] : memref<33x1024xf32, #tpu.memory_space<vmem>>[vector<16xi32>, vector<16xi32>], vector<16xf32>,
      %le3A_205 = arith.cmpf ole, %gather3A_204, %get3A_146 : vector<16xf32>
      %select_n3A_206 = arith.select %le3A_205, %add3A_203, %broadcast_in_dim3A_161 : vector<16xi1>, vector<16xi32>
      %add3A_207 = arith.constant 8 : i32
      %add3A_208 = vector.broadcast %add3A_207 : i32 to vector<16xi32>
      %add3A_209 = arith.addi %select_n3A, %add3A_208 : vector<16xi32>
      %gather3A_210 = tpu.vector_load_idx %arg7[%add3A_209, %add3A_101] : memref<33x1024xf32, #tpu.memory_space<vmem>>[vector<16xi32>, vector<16xi32>], vector<16xf32>,
      %le3A_211 = arith.cmpf ole, %gather3A_210, %get3A_118 : vector<16xf32>
      %select_n3A_212 = arith.select %le3A_211, %add3A_209, %select_n3A : vector<16xi1>, vector<16xi32>
      %add3A_213 = arith.constant 8 : i32
      %add3A_214 = vector.broadcast %add3A_213 : i32 to vector<16xi32>
      %add3A_215 = arith.addi %select_n3A_170, %add3A_214 : vector<16xi32>
      %gather3A_216 = tpu.vector_load_idx %arg7[%add3A_215, %add3A_103] : memref<33x1024xf32, #tpu.memory_space<vmem>>[vector<16xi32>, vector<16xi32>], vector<16xf32>,
      %le3A_217 = arith.cmpf ole, %gather3A_216, %get3A_122 : vector<16xf32>
      %select_n3A_218 = arith.select %le3A_217, %add3A_215, %select_n3A_170 : vector<16xi1>, vector<16xi32>
      %add3A_219 = arith.constant 8 : i32
      %add3A_220 = vector.broadcast %add3A_219 : i32 to vector<16xi32>
      %add3A_221 = arith.addi %select_n3A_176, %add3A_220 : vector<16xi32>
      %gather3A_222 = tpu.vector_load_idx %arg7[%add3A_221, %add3A_105] : memref<33x1024xf32, #tpu.memory_space<vmem>>[vector<16xi32>, vector<16xi32>], vector<16xf32>,
      %le3A_223 = arith.cmpf ole, %gather3A_222, %get3A_126 : vector<16xf32>
      %select_n3A_224 = arith.select %le3A_223, %add3A_221, %select_n3A_176 : vector<16xi1>, vector<16xi32>
      %add3A_225 = arith.constant 8 : i32
      %add3A_226 = vector.broadcast %add3A_225 : i32 to vector<16xi32>
      %add3A_227 = arith.addi %select_n3A_182, %add3A_226 : vector<16xi32>
      %gather3A_228 = tpu.vector_load_idx %arg7[%add3A_227, %add3A_107] : memref<33x1024xf32, #tpu.memory_space<vmem>>[vector<16xi32>, vector<16xi32>], vector<16xf32>,
      %le3A_229 = arith.cmpf ole, %gather3A_228, %get3A_130 : vector<16xf32>
      %select_n3A_230 = arith.select %le3A_229, %add3A_227, %select_n3A_182 : vector<16xi1>, vector<16xi32>
      %add3A_231 = arith.constant 8 : i32
      %add3A_232 = vector.broadcast %add3A_231 : i32 to vector<16xi32>
      %add3A_233 = arith.addi %select_n3A_188, %add3A_232 : vector<16xi32>
      %gather3A_234 = tpu.vector_load_idx %arg7[%add3A_233, %add3A_109] : memref<33x1024xf32, #tpu.memory_space<vmem>>[vector<16xi32>, vector<16xi32>], vector<16xf32>,
      %le3A_235 = arith.cmpf ole, %gather3A_234, %get3A_134 : vector<16xf32>
      %select_n3A_236 = arith.select %le3A_235, %add3A_233, %select_n3A_188 : vector<16xi1>, vector<16xi32>
      %add3A_237 = arith.constant 8 : i32
      %add3A_238 = vector.broadcast %add3A_237 : i32 to vector<16xi32>
      %add3A_239 = arith.addi %select_n3A_194, %add3A_238 : vector<16xi32>
      %gather3A_240 = tpu.vector_load_idx %arg7[%add3A_239, %add3A_111] : memref<33x1024xf32, #tpu.memory_space<vmem>>[vector<16xi32>, vector<16xi32>], vector<16xf32>,
      %le3A_241 = arith.cmpf ole, %gather3A_240, %get3A_138 : vector<16xf32>
      %select_n3A_242 = arith.select %le3A_241, %add3A_239, %select_n3A_194 : vector<16xi1>, vector<16xi32>
      %add3A_243 = arith.constant 8 : i32
      %add3A_244 = vector.broadcast %add3A_243 : i32 to vector<16xi32>
      %add3A_245 = arith.addi %select_n3A_200, %add3A_244 : vector<16xi32>
      %gather3A_246 = tpu.vector_load_idx %arg7[%add3A_245, %add3A_113] : memref<33x1024xf32, #tpu.memory_space<vmem>>[vector<16xi32>, vector<16xi32>], vector<16xf32>,
      %le3A_247 = arith.cmpf ole, %gather3A_246, %get3A_142 : vector<16xf32>
      %select_n3A_248 = arith.select %le3A_247, %add3A_245, %select_n3A_200 : vector<16xi1>, vector<16xi32>
      %add3A_249 = arith.constant 8 : i32
      %add3A_250 = vector.broadcast %add3A_249 : i32 to vector<16xi32>
      %add3A_251 = arith.addi %select_n3A_206, %add3A_250 : vector<16xi32>
      %gather3A_252 = tpu.vector_load_idx %arg7[%add3A_251, %add3A_115] : memref<33x1024xf32, #tpu.memory_space<vmem>>[vector<16xi32>, vector<16xi32>], vector<16xf32>,
      %le3A_253 = arith.cmpf ole, %gather3A_252, %get3A_146 : vector<16xf32>
      %select_n3A_254 = arith.select %le3A_253, %add3A_251, %select_n3A_206 : vector<16xi1>, vector<16xi32>
      %add3A_255 = arith.constant 4 : i32
      %add3A_256 = vector.broadcast %add3A_255 : i32 to vector<16xi32>
      %add3A_257 = arith.addi %select_n3A_212, %add3A_256 : vector<16xi32>
      %gather3A_258 = tpu.vector_load_idx %arg7[%add3A_257, %add3A_101] : memref<33x1024xf32, #tpu.memory_space<vmem>>[vector<16xi32>, vector<16xi32>], vector<16xf32>,
      %le3A_259 = arith.cmpf ole, %gather3A_258, %get3A_118 : vector<16xf32>
      %select_n3A_260 = arith.select %le3A_259, %add3A_257, %select_n3A_212 : vector<16xi1>, vector<16xi32>
      %add3A_261 = arith.constant 4 : i32
      %add3A_262 = vector.broadcast %add3A_261 : i32 to vector<16xi32>
      %add3A_263 = arith.addi %select_n3A_218, %add3A_262 : vector<16xi32>
      %gather3A_264 = tpu.vector_load_idx %arg7[%add3A_263, %add3A_103] : memref<33x1024xf32, #tpu.memory_space<vmem>>[vector<16xi32>, vector<16xi32>], vector<16xf32>,
      %le3A_265 = arith.cmpf ole, %gather3A_264, %get3A_122 : vector<16xf32>
      %select_n3A_266 = arith.select %le3A_265, %add3A_263, %select_n3A_218 : vector<16xi1>, vector<16xi32>
      %add3A_267 = arith.constant 4 : i32
      %add3A_268 = vector.broadcast %add3A_267 : i32 to vector<16xi32>
      %add3A_269 = arith.addi %select_n3A_224, %add3A_268 : vector<16xi32>
      %gather3A_270 = tpu.vector_load_idx %arg7[%add3A_269, %add3A_105] : memref<33x1024xf32, #tpu.memory_space<vmem>>[vector<16xi32>, vector<16xi32>], vector<16xf32>,
      %le3A_271 = arith.cmpf ole, %gather3A_270, %get3A_126 : vector<16xf32>
      %select_n3A_272 = arith.select %le3A_271, %add3A_269, %select_n3A_224 : vector<16xi1>, vector<16xi32>
      %add3A_273 = arith.constant 4 : i32
      %add3A_274 = vector.broadcast %add3A_273 : i32 to vector<16xi32>
      %add3A_275 = arith.addi %select_n3A_230, %add3A_274 : vector<16xi32>
      %gather3A_276 = tpu.vector_load_idx %arg7[%add3A_275, %add3A_107] : memref<33x1024xf32, #tpu.memory_space<vmem>>[vector<16xi32>, vector<16xi32>], vector<16xf32>,
      %le3A_277 = arith.cmpf ole, %gather3A_276, %get3A_130 : vector<16xf32>
      %select_n3A_278 = arith.select %le3A_277, %add3A_275, %select_n3A_230 : vector<16xi1>, vector<16xi32>
      %add3A_279 = arith.constant 4 : i32
      %add3A_280 = vector.broadcast %add3A_279 : i32 to vector<16xi32>
      %add3A_281 = arith.addi %select_n3A_236, %add3A_280 : vector<16xi32>
      %gather3A_282 = tpu.vector_load_idx %arg7[%add3A_281, %add3A_109] : memref<33x1024xf32, #tpu.memory_space<vmem>>[vector<16xi32>, vector<16xi32>], vector<16xf32>,
      %le3A_283 = arith.cmpf ole, %gather3A_282, %get3A_134 : vector<16xf32>
      %select_n3A_284 = arith.select %le3A_283, %add3A_281, %select_n3A_236 : vector<16xi1>, vector<16xi32>
      %add3A_285 = arith.constant 4 : i32
      %add3A_286 = vector.broadcast %add3A_285 : i32 to vector<16xi32>
      %add3A_287 = arith.addi %select_n3A_242, %add3A_286 : vector<16xi32>
      %gather3A_288 = tpu.vector_load_idx %arg7[%add3A_287, %add3A_111] : memref<33x1024xf32, #tpu.memory_space<vmem>>[vector<16xi32>, vector<16xi32>], vector<16xf32>,
      %le3A_289 = arith.cmpf ole, %gather3A_288, %get3A_138 : vector<16xf32>
      %select_n3A_290 = arith.select %le3A_289, %add3A_287, %select_n3A_242 : vector<16xi1>, vector<16xi32>
      %add3A_291 = arith.constant 4 : i32
      %add3A_292 = vector.broadcast %add3A_291 : i32 to vector<16xi32>
      %add3A_293 = arith.addi %select_n3A_248, %add3A_292 : vector<16xi32>
      %gather3A_294 = tpu.vector_load_idx %arg7[%add3A_293, %add3A_113] : memref<33x1024xf32, #tpu.memory_space<vmem>>[vector<16xi32>, vector<16xi32>], vector<16xf32>,
      %le3A_295 = arith.cmpf ole, %gather3A_294, %get3A_142 : vector<16xf32>
      %select_n3A_296 = arith.select %le3A_295, %add3A_293, %select_n3A_248 : vector<16xi1>, vector<16xi32>
      %add3A_297 = arith.constant 4 : i32
      %add3A_298 = vector.broadcast %add3A_297 : i32 to vector<16xi32>
      %add3A_299 = arith.addi %select_n3A_254, %add3A_298 : vector<16xi32>
      %gather3A_300 = tpu.vector_load_idx %arg7[%add3A_299, %add3A_115] : memref<33x1024xf32, #tpu.memory_space<vmem>>[vector<16xi32>, vector<16xi32>], vector<16xf32>,
      %le3A_301 = arith.cmpf ole, %gather3A_300, %get3A_146 : vector<16xf32>
      %select_n3A_302 = arith.select %le3A_301, %add3A_299, %select_n3A_254 : vector<16xi1>, vector<16xi32>
      %add3A_303 = arith.constant 2 : i32
      %add3A_304 = vector.broadcast %add3A_303 : i32 to vector<16xi32>
      %add3A_305 = arith.addi %select_n3A_260, %add3A_304 : vector<16xi32>
      %gather3A_306 = tpu.vector_load_idx %arg7[%add3A_305, %add3A_101] : memref<33x1024xf32, #tpu.memory_space<vmem>>[vector<16xi32>, vector<16xi32>], vector<16xf32>,
      %le3A_307 = arith.cmpf ole, %gather3A_306, %get3A_118 : vector<16xf32>
      %select_n3A_308 = arith.select %le3A_307, %add3A_305, %select_n3A_260 : vector<16xi1>, vector<16xi32>
      %add3A_309 = arith.constant 2 : i32
      %add3A_310 = vector.broadcast %add3A_309 : i32 to vector<16xi32>
      %add3A_311 = arith.addi %select_n3A_266, %add3A_310 : vector<16xi32>
      %gather3A_312 = tpu.vector_load_idx %arg7[%add3A_311, %add3A_103] : memref<33x1024xf32, #tpu.memory_space<vmem>>[vector<16xi32>, vector<16xi32>], vector<16xf32>,
      %le3A_313 = arith.cmpf ole, %gather3A_312, %get3A_122 : vector<16xf32>
      %select_n3A_314 = arith.select %le3A_313, %add3A_311, %select_n3A_266 : vector<16xi1>, vector<16xi32>
      %add3A_315 = arith.constant 2 : i32
      %add3A_316 = vector.broadcast %add3A_315 : i32 to vector<16xi32>
      %add3A_317 = arith.addi %select_n3A_272, %add3A_316 : vector<16xi32>
      %gather3A_318 = tpu.vector_load_idx %arg7[%add3A_317, %add3A_105] : memref<33x1024xf32, #tpu.memory_space<vmem>>[vector<16xi32>, vector<16xi32>], vector<16xf32>,
      %le3A_319 = arith.cmpf ole, %gather3A_318, %get3A_126 : vector<16xf32>
      %select_n3A_320 = arith.select %le3A_319, %add3A_317, %select_n3A_272 : vector<16xi1>, vector<16xi32>
      %add3A_321 = arith.constant 2 : i32
      %add3A_322 = vector.broadcast %add3A_321 : i32 to vector<16xi32>
      %add3A_323 = arith.addi %select_n3A_278, %add3A_322 : vector<16xi32>
      %gather3A_324 = tpu.vector_load_idx %arg7[%add3A_323, %add3A_107] : memref<33x1024xf32, #tpu.memory_space<vmem>>[vector<16xi32>, vector<16xi32>], vector<16xf32>,
      %le3A_325 = arith.cmpf ole, %gather3A_324, %get3A_130 : vector<16xf32>
      %select_n3A_326 = arith.select %le3A_325, %add3A_323, %select_n3A_278 : vector<16xi1>, vector<16xi32>
      %add3A_327 = arith.constant 2 : i32
      %add3A_328 = vector.broadcast %add3A_327 : i32 to vector<16xi32>
      %add3A_329 = arith.addi %select_n3A_284, %add3A_328 : vector<16xi32>
      %gather3A_330 = tpu.vector_load_idx %arg7[%add3A_329, %add3A_109] : memref<33x1024xf32, #tpu.memory_space<vmem>>[vector<16xi32>, vector<16xi32>], vector<16xf32>,
      %le3A_331 = arith.cmpf ole, %gather3A_330, %get3A_134 : vector<16xf32>
      %select_n3A_332 = arith.select %le3A_331, %add3A_329, %select_n3A_284 : vector<16xi1>, vector<16xi32>
      %add3A_333 = arith.constant 2 : i32
      %add3A_334 = vector.broadcast %add3A_333 : i32 to vector<16xi32>
      %add3A_335 = arith.addi %select_n3A_290, %add3A_334 : vector<16xi32>
      %gather3A_336 = tpu.vector_load_idx %arg7[%add3A_335, %add3A_111] : memref<33x1024xf32, #tpu.memory_space<vmem>>[vector<16xi32>, vector<16xi32>], vector<16xf32>,
      %le3A_337 = arith.cmpf ole, %gather3A_336, %get3A_138 : vector<16xf32>
      %select_n3A_338 = arith.select %le3A_337, %add3A_335, %select_n3A_290 : vector<16xi1>, vector<16xi32>
      %add3A_339 = arith.constant 2 : i32
      %add3A_340 = vector.broadcast %add3A_339 : i32 to vector<16xi32>
      %add3A_341 = arith.addi %select_n3A_296, %add3A_340 : vector<16xi32>
      %gather3A_342 = tpu.vector_load_idx %arg7[%add3A_341, %add3A_113] : memref<33x1024xf32, #tpu.memory_space<vmem>>[vector<16xi32>, vector<16xi32>], vector<16xf32>,
      %le3A_343 = arith.cmpf ole, %gather3A_342, %get3A_142 : vector<16xf32>
      %select_n3A_344 = arith.select %le3A_343, %add3A_341, %select_n3A_296 : vector<16xi1>, vector<16xi32>
      %add3A_345 = arith.constant 2 : i32
      %add3A_346 = vector.broadcast %add3A_345 : i32 to vector<16xi32>
      %add3A_347 = arith.addi %select_n3A_302, %add3A_346 : vector<16xi32>
      %gather3A_348 = tpu.vector_load_idx %arg7[%add3A_347, %add3A_115] : memref<33x1024xf32, #tpu.memory_space<vmem>>[vector<16xi32>, vector<16xi32>], vector<16xf32>,
      %le3A_349 = arith.cmpf ole, %gather3A_348, %get3A_146 : vector<16xf32>
      %select_n3A_350 = arith.select %le3A_349, %add3A_347, %select_n3A_302 : vector<16xi1>, vector<16xi32>
      %add3A_351 = arith.constant 1 : i32
      %add3A_352 = vector.broadcast %add3A_351 : i32 to vector<16xi32>
      %add3A_353 = arith.addi %select_n3A_308, %add3A_352 : vector<16xi32>
      %gather3A_354 = tpu.vector_load_idx %arg7[%add3A_353, %add3A_101] : memref<33x1024xf32, #tpu.memory_space<vmem>>[vector<16xi32>, vector<16xi32>], vector<16xf32>,
      %le3A_355 = arith.cmpf ole, %gather3A_354, %get3A_118 : vector<16xf32>
      %select_n3A_356 = arith.select %le3A_355, %add3A_353, %select_n3A_308 : vector<16xi1>, vector<16xi32>
      %add3A_357 = arith.constant 1 : i32
      %add3A_358 = vector.broadcast %add3A_357 : i32 to vector<16xi32>
      %add3A_359 = arith.addi %select_n3A_314, %add3A_358 : vector<16xi32>
      %gather3A_360 = tpu.vector_load_idx %arg7[%add3A_359, %add3A_103] : memref<33x1024xf32, #tpu.memory_space<vmem>>[vector<16xi32>, vector<16xi32>], vector<16xf32>,
      %le3A_361 = arith.cmpf ole, %gather3A_360, %get3A_122 : vector<16xf32>
      %select_n3A_362 = arith.select %le3A_361, %add3A_359, %select_n3A_314 : vector<16xi1>, vector<16xi32>
      %add3A_363 = arith.constant 1 : i32
      %add3A_364 = vector.broadcast %add3A_363 : i32 to vector<16xi32>
      %add3A_365 = arith.addi %select_n3A_320, %add3A_364 : vector<16xi32>
      %gather3A_366 = tpu.vector_load_idx %arg7[%add3A_365, %add3A_105] : memref<33x1024xf32, #tpu.memory_space<vmem>>[vector<16xi32>, vector<16xi32>], vector<16xf32>,
      %le3A_367 = arith.cmpf ole, %gather3A_366, %get3A_126 : vector<16xf32>
      %select_n3A_368 = arith.select %le3A_367, %add3A_365, %select_n3A_320 : vector<16xi1>, vector<16xi32>
      %add3A_369 = arith.constant 1 : i32
      %add3A_370 = vector.broadcast %add3A_369 : i32 to vector<16xi32>
      %add3A_371 = arith.addi %select_n3A_326, %add3A_370 : vector<16xi32>
      %gather3A_372 = tpu.vector_load_idx %arg7[%add3A_371, %add3A_107] : memref<33x1024xf32, #tpu.memory_space<vmem>>[vector<16xi32>, vector<16xi32>], vector<16xf32>,
      %le3A_373 = arith.cmpf ole, %gather3A_372, %get3A_130 : vector<16xf32>
      %select_n3A_374 = arith.select %le3A_373, %add3A_371, %select_n3A_326 : vector<16xi1>, vector<16xi32>
      %add3A_375 = arith.constant 1 : i32
      %add3A_376 = vector.broadcast %add3A_375 : i32 to vector<16xi32>
      %add3A_377 = arith.addi %select_n3A_332, %add3A_376 : vector<16xi32>
      %gather3A_378 = tpu.vector_load_idx %arg7[%add3A_377, %add3A_109] : memref<33x1024xf32, #tpu.memory_space<vmem>>[vector<16xi32>, vector<16xi32>], vector<16xf32>,
      %le3A_379 = arith.cmpf ole, %gather3A_378, %get3A_134 : vector<16xf32>
      %select_n3A_380 = arith.select %le3A_379, %add3A_377, %select_n3A_332 : vector<16xi1>, vector<16xi32>
      %add3A_381 = arith.constant 1 : i32
      %add3A_382 = vector.broadcast %add3A_381 : i32 to vector<16xi32>
      %add3A_383 = arith.addi %select_n3A_338, %add3A_382 : vector<16xi32>
      %gather3A_384 = tpu.vector_load_idx %arg7[%add3A_383, %add3A_111] : memref<33x1024xf32, #tpu.memory_space<vmem>>[vector<16xi32>, vector<16xi32>], vector<16xf32>,
      %le3A_385 = arith.cmpf ole, %gather3A_384, %get3A_138 : vector<16xf32>
      %select_n3A_386 = arith.select %le3A_385, %add3A_383, %select_n3A_338 : vector<16xi1>, vector<16xi32>
      %add3A_387 = arith.constant 1 : i32
      %add3A_388 = vector.broadcast %add3A_387 : i32 to vector<16xi32>
      %add3A_389 = arith.addi %select_n3A_344, %add3A_388 : vector<16xi32>
      %gather3A_390 = tpu.vector_load_idx %arg7[%add3A_389, %add3A_113] : memref<33x1024xf32, #tpu.memory_space<vmem>>[vector<16xi32>, vector<16xi32>], vector<16xf32>,
      %le3A_391 = arith.cmpf ole, %gather3A_390, %get3A_142 : vector<16xf32>
      %select_n3A_392 = arith.select %le3A_391, %add3A_389, %select_n3A_344 : vector<16xi1>, vector<16xi32>
      %add3A_393 = arith.constant 1 : i32
      %add3A_394 = vector.broadcast %add3A_393 : i32 to vector<16xi32>
      %add3A_395 = arith.addi %select_n3A_350, %add3A_394 : vector<16xi32>
      %gather3A_396 = tpu.vector_load_idx %arg7[%add3A_395, %add3A_115] : memref<33x1024xf32, #tpu.memory_space<vmem>>[vector<16xi32>, vector<16xi32>], vector<16xf32>,
      %le3A_397 = arith.cmpf ole, %gather3A_396, %get3A_146 : vector<16xf32>
      %select_n3A_398 = arith.select %le3A_397, %add3A_395, %select_n3A_350 : vector<16xi1>, vector<16xi32>
      %get3A_399 = arith.constant 1 : i32
      %get3A_400 = arith.index_cast %get3A_399 : i32 to index
      %get3A_401 = arith.index_cast %add3A_85 : i32 to index
      %get3A_402 = tpu.vector_load %arg10[%get3A_400, %get3A_401] {strides = array<i32>} : memref<2x1024xf32, #tpu.memory_space<vmem>>, vector<16xf32>,
      %get3A_403 = arith.constant 32 : i32
      %get3A_404 = arith.index_cast %get3A_403 : i32 to index
      %get3A_405 = arith.index_cast %add3A_85 : i32 to index
      %get3A_406 = tpu.vector_load %arg9[%get3A_404, %get3A_405] {strides = array<i32>} : memref<33x1024xf32, #tpu.memory_space<vmem>>, vector<16xf32>,
      %add3A_407 = arith.constant 1 : i32
      %add3A_408 = vector.broadcast %add3A_407 : i32 to vector<16xi32>
      %add3A_409 = arith.addi %select_n3A_356, %add3A_408 : vector<16xi32>
      %gather3A_410 = tpu.vector_load_idx %arg7[%select_n3A_356, %add3A_101] : memref<33x1024xf32, #tpu.memory_space<vmem>>[vector<16xi32>, vector<16xi32>], vector<16xf32>,
      %gather3A_411 = tpu.vector_load_idx %arg7[%add3A_409, %add3A_101] : memref<33x1024xf32, #tpu.memory_space<vmem>>[vector<16xi32>, vector<16xi32>], vector<16xf32>,
      %gather3A_412 = tpu.vector_load_idx %arg8[%select_n3A_356, %add3A_101] : memref<33x1024xf32, #tpu.memory_space<vmem>>[vector<16xi32>, vector<16xi32>], vector<16xf32>,
      %gather3A_413 = tpu.vector_load_idx %arg8[%add3A_409, %add3A_101] : memref<33x1024xf32, #tpu.memory_space<vmem>>[vector<16xi32>, vector<16xi32>], vector<16xf32>,
      %gather3A_414 = tpu.vector_load_idx %arg9[%select_n3A_356, %add3A_101] : memref<33x1024xf32, #tpu.memory_space<vmem>>[vector<16xi32>, vector<16xi32>], vector<16xf32>,
      %sub3A = arith.subf %gather3A_411, %gather3A_410 : vector<16xf32>
      %sub3A_415 = arith.subf %get3A_118, %gather3A_410 : vector<16xf32>
      %add3A_416 = arith.addf %sub3A, %get3A_402 : vector<16xf32>
      %div3A = arith.divf %sub3A_415, %add3A_416 : vector<16xf32>
      %sub3A_417 = arith.subf %gather3A_413, %gather3A_412 : vector<16xf32>
      %mul3A_418 = arith.mulf %div3A, %sub3A_417 : vector<16xf32>
      %add3A_419 = arith.addf %mul3A_418, %gather3A_412 : vector<16xf32>
      %add3A_420 = arith.addf %add3A_419, %gather3A_412 : vector<16xf32>
      %mul3A_421 = arith.mulf %div3A, %add3A_420 : vector<16xf32>
      %mul3A_422 = arith.mulf %mul3A_421, %sub3A : vector<16xf32>
      %add3A_423 = arith.addf %gather3A_414, %mul3A_422 : vector<16xf32>
      %div3A_424 = arith.divf %add3A_423, %get3A_406 : vector<16xf32>
      %swap3A = arith.index_cast %add3A_85 : i32 to index
      %swap3A_425 = tpu.vector_load %arg11[%swap3A] {strides = array<i32>} : memref<1024xf32, #tpu.memory_space<vmem>>, vector<16xf32>,
      tpu.vector_store %arg11[%swap3A], %div3A_424 {strides = array<i32>} : memref<1024xf32, #tpu.memory_space<vmem>>, vector<16xf32>,
      %get3A_426 = arith.constant 1 : i32
      %get3A_427 = arith.index_cast %get3A_426 : i32 to index
      %get3A_428 = arith.index_cast %add3A_87 : i32 to index
      %get3A_429 = tpu.vector_load %arg10[%get3A_427, %get3A_428] {strides = array<i32>} : memref<2x1024xf32, #tpu.memory_space<vmem>>, vector<16xf32>,
      %get3A_430 = arith.constant 32 : i32
      %get3A_431 = arith.index_cast %get3A_430 : i32 to index
      %get3A_432 = arith.index_cast %add3A_87 : i32 to index
      %get3A_433 = tpu.vector_load %arg9[%get3A_431, %get3A_432] {strides = array<i32>} : memref<33x1024xf32, #tpu.memory_space<vmem>>, vector<16xf32>,
      %add3A_434 = arith.constant 1 : i32
      %add3A_435 = vector.broadcast %add3A_434 : i32 to vector<16xi32>
      %add3A_436 = arith.addi %select_n3A_362, %add3A_435 : vector<16xi32>
      %gather3A_437 = tpu.vector_load_idx %arg7[%select_n3A_362, %add3A_103] : memref<33x1024xf32, #tpu.memory_space<vmem>>[vector<16xi32>, vector<16xi32>], vector<16xf32>,
      %gather3A_438 = tpu.vector_load_idx %arg7[%add3A_436, %add3A_103] : memref<33x1024xf32, #tpu.memory_space<vmem>>[vector<16xi32>, vector<16xi32>], vector<16xf32>,
      %gather3A_439 = tpu.vector_load_idx %arg8[%select_n3A_362, %add3A_103] : memref<33x1024xf32, #tpu.memory_space<vmem>>[vector<16xi32>, vector<16xi32>], vector<16xf32>,
      %gather3A_440 = tpu.vector_load_idx %arg8[%add3A_436, %add3A_103] : memref<33x1024xf32, #tpu.memory_space<vmem>>[vector<16xi32>, vector<16xi32>], vector<16xf32>,
      %gather3A_441 = tpu.vector_load_idx %arg9[%select_n3A_362, %add3A_103] : memref<33x1024xf32, #tpu.memory_space<vmem>>[vector<16xi32>, vector<16xi32>], vector<16xf32>,
      %sub3A_442 = arith.subf %gather3A_438, %gather3A_437 : vector<16xf32>
      %sub3A_443 = arith.subf %get3A_122, %gather3A_437 : vector<16xf32>
      %add3A_444 = arith.addf %sub3A_442, %get3A_429 : vector<16xf32>
      %div3A_445 = arith.divf %sub3A_443, %add3A_444 : vector<16xf32>
      %sub3A_446 = arith.subf %gather3A_440, %gather3A_439 : vector<16xf32>
      %mul3A_447 = arith.mulf %div3A_445, %sub3A_446 : vector<16xf32>
      %add3A_448 = arith.addf %mul3A_447, %gather3A_439 : vector<16xf32>
      %add3A_449 = arith.addf %add3A_448, %gather3A_439 : vector<16xf32>
      %mul3A_450 = arith.mulf %div3A_445, %add3A_449 : vector<16xf32>
      %mul3A_451 = arith.mulf %mul3A_450, %sub3A_442 : vector<16xf32>
      %add3A_452 = arith.addf %gather3A_441, %mul3A_451 : vector<16xf32>
      %div3A_453 = arith.divf %add3A_452, %get3A_433 : vector<16xf32>
      %swap3A_454 = arith.index_cast %add3A_87 : i32 to index
      %swap3A_455 = tpu.vector_load %arg11[%swap3A_454] {strides = array<i32>} : memref<1024xf32, #tpu.memory_space<vmem>>, vector<16xf32>,
      tpu.vector_store %arg11[%swap3A_454], %div3A_453 {strides = array<i32>} : memref<1024xf32, #tpu.memory_space<vmem>>, vector<16xf32>,
      %get3A_456 = arith.constant 1 : i32
      %get3A_457 = arith.index_cast %get3A_456 : i32 to index
      %get3A_458 = arith.index_cast %add3A_89 : i32 to index
      %get3A_459 = tpu.vector_load %arg10[%get3A_457, %get3A_458] {strides = array<i32>} : memref<2x1024xf32, #tpu.memory_space<vmem>>, vector<16xf32>,
      %get3A_460 = arith.constant 32 : i32
      %get3A_461 = arith.index_cast %get3A_460 : i32 to index
      %get3A_462 = arith.index_cast %add3A_89 : i32 to index
      %get3A_463 = tpu.vector_load %arg9[%get3A_461, %get3A_462] {strides = array<i32>} : memref<33x1024xf32, #tpu.memory_space<vmem>>, vector<16xf32>,
      %add3A_464 = arith.constant 1 : i32
      %add3A_465 = vector.broadcast %add3A_464 : i32 to vector<16xi32>
      %add3A_466 = arith.addi %select_n3A_368, %add3A_465 : vector<16xi32>
      %gather3A_467 = tpu.vector_load_idx %arg7[%select_n3A_368, %add3A_105] : memref<33x1024xf32, #tpu.memory_space<vmem>>[vector<16xi32>, vector<16xi32>], vector<16xf32>,
      %gather3A_468 = tpu.vector_load_idx %arg7[%add3A_466, %add3A_105] : memref<33x1024xf32, #tpu.memory_space<vmem>>[vector<16xi32>, vector<16xi32>], vector<16xf32>,
      %gather3A_469 = tpu.vector_load_idx %arg8[%select_n3A_368, %add3A_105] : memref<33x1024xf32, #tpu.memory_space<vmem>>[vector<16xi32>, vector<16xi32>], vector<16xf32>,
      %gather3A_470 = tpu.vector_load_idx %arg8[%add3A_466, %add3A_105] : memref<33x1024xf32, #tpu.memory_space<vmem>>[vector<16xi32>, vector<16xi32>], vector<16xf32>,
      %gather3A_471 = tpu.vector_load_idx %arg9[%select_n3A_368, %add3A_105] : memref<33x1024xf32, #tpu.memory_space<vmem>>[vector<16xi32>, vector<16xi32>], vector<16xf32>,
      %sub3A_472 = arith.subf %gather3A_468, %gather3A_467 : vector<16xf32>
      %sub3A_473 = arith.subf %get3A_126, %gather3A_467 : vector<16xf32>
      %add3A_474 = arith.addf %sub3A_472, %get3A_459 : vector<16xf32>
      %div3A_475 = arith.divf %sub3A_473, %add3A_474 : vector<16xf32>
      %sub3A_476 = arith.subf %gather3A_470, %gather3A_469 : vector<16xf32>
      %mul3A_477 = arith.mulf %div3A_475, %sub3A_476 : vector<16xf32>
      %add3A_478 = arith.addf %mul3A_477, %gather3A_469 : vector<16xf32>
      %add3A_479 = arith.addf %add3A_478, %gather3A_469 : vector<16xf32>
      %mul3A_480 = arith.mulf %div3A_475, %add3A_479 : vector<16xf32>
      %mul3A_481 = arith.mulf %mul3A_480, %sub3A_472 : vector<16xf32>
      %add3A_482 = arith.addf %gather3A_471, %mul3A_481 : vector<16xf32>
      %div3A_483 = arith.divf %add3A_482, %get3A_463 : vector<16xf32>
      %swap3A_484 = arith.index_cast %add3A_89 : i32 to index
      %swap3A_485 = tpu.vector_load %arg11[%swap3A_484] {strides = array<i32>} : memref<1024xf32, #tpu.memory_space<vmem>>, vector<16xf32>,
      tpu.vector_store %arg11[%swap3A_484], %div3A_483 {strides = array<i32>} : memref<1024xf32, #tpu.memory_space<vmem>>, vector<16xf32>,
      %get3A_486 = arith.constant 1 : i32
      %get3A_487 = arith.index_cast %get3A_486 : i32 to index
      %get3A_488 = arith.index_cast %add3A_91 : i32 to index
      %get3A_489 = tpu.vector_load %arg10[%get3A_487, %get3A_488] {strides = array<i32>} : memref<2x1024xf32, #tpu.memory_space<vmem>>, vector<16xf32>,
      %get3A_490 = arith.constant 32 : i32
      %get3A_491 = arith.index_cast %get3A_490 : i32 to index
      %get3A_492 = arith.index_cast %add3A_91 : i32 to index
      %get3A_493 = tpu.vector_load %arg9[%get3A_491, %get3A_492] {strides = array<i32>} : memref<33x1024xf32, #tpu.memory_space<vmem>>, vector<16xf32>,
      %add3A_494 = arith.constant 1 : i32
      %add3A_495 = vector.broadcast %add3A_494 : i32 to vector<16xi32>
      %add3A_496 = arith.addi %select_n3A_374, %add3A_495 : vector<16xi32>
      %gather3A_497 = tpu.vector_load_idx %arg7[%select_n3A_374, %add3A_107] : memref<33x1024xf32, #tpu.memory_space<vmem>>[vector<16xi32>, vector<16xi32>], vector<16xf32>,
      %gather3A_498 = tpu.vector_load_idx %arg7[%add3A_496, %add3A_107] : memref<33x1024xf32, #tpu.memory_space<vmem>>[vector<16xi32>, vector<16xi32>], vector<16xf32>,
      %gather3A_499 = tpu.vector_load_idx %arg8[%select_n3A_374, %add3A_107] : memref<33x1024xf32, #tpu.memory_space<vmem>>[vector<16xi32>, vector<16xi32>], vector<16xf32>,
      %gather3A_500 = tpu.vector_load_idx %arg8[%add3A_496, %add3A_107] : memref<33x1024xf32, #tpu.memory_space<vmem>>[vector<16xi32>, vector<16xi32>], vector<16xf32>,
      %gather3A_501 = tpu.vector_load_idx %arg9[%select_n3A_374, %add3A_107] : memref<33x1024xf32, #tpu.memory_space<vmem>>[vector<16xi32>, vector<16xi32>], vector<16xf32>,
      %sub3A_502 = arith.subf %gather3A_498, %gather3A_497 : vector<16xf32>
      %sub3A_503 = arith.subf %get3A_130, %gather3A_497 : vector<16xf32>
      %add3A_504 = arith.addf %sub3A_502, %get3A_489 : vector<16xf32>
      %div3A_505 = arith.divf %sub3A_503, %add3A_504 : vector<16xf32>
      %sub3A_506 = arith.subf %gather3A_500, %gather3A_499 : vector<16xf32>
      %mul3A_507 = arith.mulf %div3A_505, %sub3A_506 : vector<16xf32>
      %add3A_508 = arith.addf %mul3A_507, %gather3A_499 : vector<16xf32>
      %add3A_509 = arith.addf %add3A_508, %gather3A_499 : vector<16xf32>
      %mul3A_510 = arith.mulf %div3A_505, %add3A_509 : vector<16xf32>
      %mul3A_511 = arith.mulf %mul3A_510, %sub3A_502 : vector<16xf32>
      %add3A_512 = arith.addf %gather3A_501, %mul3A_511 : vector<16xf32>
      %div3A_513 = arith.divf %add3A_512, %get3A_493 : vector<16xf32>
      %swap3A_514 = arith.index_cast %add3A_91 : i32 to index
      %swap3A_515 = tpu.vector_load %arg11[%swap3A_514] {strides = array<i32>} : memref<1024xf32, #tpu.memory_space<vmem>>, vector<16xf32>,
      tpu.vector_store %arg11[%swap3A_514], %div3A_513 {strides = array<i32>} : memref<1024xf32, #tpu.memory_space<vmem>>, vector<16xf32>,
      %get3A_516 = arith.constant 1 : i32
      %get3A_517 = arith.index_cast %get3A_516 : i32 to index
      %get3A_518 = arith.index_cast %add3A_93 : i32 to index
      %get3A_519 = tpu.vector_load %arg10[%get3A_517, %get3A_518] {strides = array<i32>} : memref<2x1024xf32, #tpu.memory_space<vmem>>, vector<16xf32>,
      %get3A_520 = arith.constant 32 : i32
      %get3A_521 = arith.index_cast %get3A_520 : i32 to index
      %get3A_522 = arith.index_cast %add3A_93 : i32 to index
      %get3A_523 = tpu.vector_load %arg9[%get3A_521, %get3A_522] {strides = array<i32>} : memref<33x1024xf32, #tpu.memory_space<vmem>>, vector<16xf32>,
      %add3A_524 = arith.constant 1 : i32
      %add3A_525 = vector.broadcast %add3A_524 : i32 to vector<16xi32>
      %add3A_526 = arith.addi %select_n3A_380, %add3A_525 : vector<16xi32>
      %gather3A_527 = tpu.vector_load_idx %arg7[%select_n3A_380, %add3A_109] : memref<33x1024xf32, #tpu.memory_space<vmem>>[vector<16xi32>, vector<16xi32>], vector<16xf32>,
      %gather3A_528 = tpu.vector_load_idx %arg7[%add3A_526, %add3A_109] : memref<33x1024xf32, #tpu.memory_space<vmem>>[vector<16xi32>, vector<16xi32>], vector<16xf32>,
      %gather3A_529 = tpu.vector_load_idx %arg8[%select_n3A_380, %add3A_109] : memref<33x1024xf32, #tpu.memory_space<vmem>>[vector<16xi32>, vector<16xi32>], vector<16xf32>,
      %gather3A_530 = tpu.vector_load_idx %arg8[%add3A_526, %add3A_109] : memref<33x1024xf32, #tpu.memory_space<vmem>>[vector<16xi32>, vector<16xi32>], vector<16xf32>,
      %gather3A_531 = tpu.vector_load_idx %arg9[%select_n3A_380, %add3A_109] : memref<33x1024xf32, #tpu.memory_space<vmem>>[vector<16xi32>, vector<16xi32>], vector<16xf32>,
      %sub3A_532 = arith.subf %gather3A_528, %gather3A_527 : vector<16xf32>
      %sub3A_533 = arith.subf %get3A_134, %gather3A_527 : vector<16xf32>
      %add3A_534 = arith.addf %sub3A_532, %get3A_519 : vector<16xf32>
      %div3A_535 = arith.divf %sub3A_533, %add3A_534 : vector<16xf32>
      %sub3A_536 = arith.subf %gather3A_530, %gather3A_529 : vector<16xf32>
      %mul3A_537 = arith.mulf %div3A_535, %sub3A_536 : vector<16xf32>
      %add3A_538 = arith.addf %mul3A_537, %gather3A_529 : vector<16xf32>
      %add3A_539 = arith.addf %add3A_538, %gather3A_529 : vector<16xf32>
      %mul3A_540 = arith.mulf %div3A_535, %add3A_539 : vector<16xf32>
      %mul3A_541 = arith.mulf %mul3A_540, %sub3A_532 : vector<16xf32>
      %add3A_542 = arith.addf %gather3A_531, %mul3A_541 : vector<16xf32>
      %div3A_543 = arith.divf %add3A_542, %get3A_523 : vector<16xf32>
      %swap3A_544 = arith.index_cast %add3A_93 : i32 to index
      %swap3A_545 = tpu.vector_load %arg11[%swap3A_544] {strides = array<i32>} : memref<1024xf32, #tpu.memory_space<vmem>>, vector<16xf32>,
      tpu.vector_store %arg11[%swap3A_544], %div3A_543 {strides = array<i32>} : memref<1024xf32, #tpu.memory_space<vmem>>, vector<16xf32>,
      %get3A_546 = arith.constant 1 : i32
      %get3A_547 = arith.index_cast %get3A_546 : i32 to index
      %get3A_548 = arith.index_cast %add3A_95 : i32 to index
      %get3A_549 = tpu.vector_load %arg10[%get3A_547, %get3A_548] {strides = array<i32>} : memref<2x1024xf32, #tpu.memory_space<vmem>>, vector<16xf32>,
      %get3A_550 = arith.constant 32 : i32
      %get3A_551 = arith.index_cast %get3A_550 : i32 to index
      %get3A_552 = arith.index_cast %add3A_95 : i32 to index
      %get3A_553 = tpu.vector_load %arg9[%get3A_551, %get3A_552] {strides = array<i32>} : memref<33x1024xf32, #tpu.memory_space<vmem>>, vector<16xf32>,
      %add3A_554 = arith.constant 1 : i32
      %add3A_555 = vector.broadcast %add3A_554 : i32 to vector<16xi32>
      %add3A_556 = arith.addi %select_n3A_386, %add3A_555 : vector<16xi32>
      %gather3A_557 = tpu.vector_load_idx %arg7[%select_n3A_386, %add3A_111] : memref<33x1024xf32, #tpu.memory_space<vmem>>[vector<16xi32>, vector<16xi32>], vector<16xf32>,
      %gather3A_558 = tpu.vector_load_idx %arg7[%add3A_556, %add3A_111] : memref<33x1024xf32, #tpu.memory_space<vmem>>[vector<16xi32>, vector<16xi32>], vector<16xf32>,
      %gather3A_559 = tpu.vector_load_idx %arg8[%select_n3A_386, %add3A_111] : memref<33x1024xf32, #tpu.memory_space<vmem>>[vector<16xi32>, vector<16xi32>], vector<16xf32>,
      %gather3A_560 = tpu.vector_load_idx %arg8[%add3A_556, %add3A_111] : memref<33x1024xf32, #tpu.memory_space<vmem>>[vector<16xi32>, vector<16xi32>], vector<16xf32>,
      %gather3A_561 = tpu.vector_load_idx %arg9[%select_n3A_386, %add3A_111] : memref<33x1024xf32, #tpu.memory_space<vmem>>[vector<16xi32>, vector<16xi32>], vector<16xf32>,
      %sub3A_562 = arith.subf %gather3A_558, %gather3A_557 : vector<16xf32>
      %sub3A_563 = arith.subf %get3A_138, %gather3A_557 : vector<16xf32>
      %add3A_564 = arith.addf %sub3A_562, %get3A_549 : vector<16xf32>
      %div3A_565 = arith.divf %sub3A_563, %add3A_564 : vector<16xf32>
      %sub3A_566 = arith.subf %gather3A_560, %gather3A_559 : vector<16xf32>
      %mul3A_567 = arith.mulf %div3A_565, %sub3A_566 : vector<16xf32>
      %add3A_568 = arith.addf %mul3A_567, %gather3A_559 : vector<16xf32>
      %add3A_569 = arith.addf %add3A_568, %gather3A_559 : vector<16xf32>
      %mul3A_570 = arith.mulf %div3A_565, %add3A_569 : vector<16xf32>
      %mul3A_571 = arith.mulf %mul3A_570, %sub3A_562 : vector<16xf32>
      %add3A_572 = arith.addf %gather3A_561, %mul3A_571 : vector<16xf32>
      %div3A_573 = arith.divf %add3A_572, %get3A_553 : vector<16xf32>
      %swap3A_574 = arith.index_cast %add3A_95 : i32 to index
      %swap3A_575 = tpu.vector_load %arg11[%swap3A_574] {strides = array<i32>} : memref<1024xf32, #tpu.memory_space<vmem>>, vector<16xf32>,
      tpu.vector_store %arg11[%swap3A_574], %div3A_573 {strides = array<i32>} : memref<1024xf32, #tpu.memory_space<vmem>>, vector<16xf32>,
      %get3A_576 = arith.constant 1 : i32
      %get3A_577 = arith.index_cast %get3A_576 : i32 to index
      %get3A_578 = arith.index_cast %add3A_97 : i32 to index
      %get3A_579 = tpu.vector_load %arg10[%get3A_577, %get3A_578] {strides = array<i32>} : memref<2x1024xf32, #tpu.memory_space<vmem>>, vector<16xf32>,
      %get3A_580 = arith.constant 32 : i32
      %get3A_581 = arith.index_cast %get3A_580 : i32 to index
      %get3A_582 = arith.index_cast %add3A_97 : i32 to index
      %get3A_583 = tpu.vector_load %arg9[%get3A_581, %get3A_582] {strides = array<i32>} : memref<33x1024xf32, #tpu.memory_space<vmem>>, vector<16xf32>,
      %add3A_584 = arith.constant 1 : i32
      %add3A_585 = vector.broadcast %add3A_584 : i32 to vector<16xi32>
      %add3A_586 = arith.addi %select_n3A_392, %add3A_585 : vector<16xi32>
      %gather3A_587 = tpu.vector_load_idx %arg7[%select_n3A_392, %add3A_113] : memref<33x1024xf32, #tpu.memory_space<vmem>>[vector<16xi32>, vector<16xi32>], vector<16xf32>,
      %gather3A_588 = tpu.vector_load_idx %arg7[%add3A_586, %add3A_113] : memref<33x1024xf32, #tpu.memory_space<vmem>>[vector<16xi32>, vector<16xi32>], vector<16xf32>,
      %gather3A_589 = tpu.vector_load_idx %arg8[%select_n3A_392, %add3A_113] : memref<33x1024xf32, #tpu.memory_space<vmem>>[vector<16xi32>, vector<16xi32>], vector<16xf32>,
      %gather3A_590 = tpu.vector_load_idx %arg8[%add3A_586, %add3A_113] : memref<33x1024xf32, #tpu.memory_space<vmem>>[vector<16xi32>, vector<16xi32>], vector<16xf32>,
      %gather3A_591 = tpu.vector_load_idx %arg9[%select_n3A_392, %add3A_113] : memref<33x1024xf32, #tpu.memory_space<vmem>>[vector<16xi32>, vector<16xi32>], vector<16xf32>,
      %sub3A_592 = arith.subf %gather3A_588, %gather3A_587 : vector<16xf32>
      %sub3A_593 = arith.subf %get3A_142, %gather3A_587 : vector<16xf32>
      %add3A_594 = arith.addf %sub3A_592, %get3A_579 : vector<16xf32>
      %div3A_595 = arith.divf %sub3A_593, %add3A_594 : vector<16xf32>
      %sub3A_596 = arith.subf %gather3A_590, %gather3A_589 : vector<16xf32>
      %mul3A_597 = arith.mulf %div3A_595, %sub3A_596 : vector<16xf32>
      %add3A_598 = arith.addf %mul3A_597, %gather3A_589 : vector<16xf32>
      %add3A_599 = arith.addf %add3A_598, %gather3A_589 : vector<16xf32>
      %mul3A_600 = arith.mulf %div3A_595, %add3A_599 : vector<16xf32>
      %mul3A_601 = arith.mulf %mul3A_600, %sub3A_592 : vector<16xf32>
      %add3A_602 = arith.addf %gather3A_591, %mul3A_601 : vector<16xf32>
      %div3A_603 = arith.divf %add3A_602, %get3A_583 : vector<16xf32>
      %swap3A_604 = arith.index_cast %add3A_97 : i32 to index
      %swap3A_605 = tpu.vector_load %arg11[%swap3A_604] {strides = array<i32>} : memref<1024xf32, #tpu.memory_space<vmem>>, vector<16xf32>,
      tpu.vector_store %arg11[%swap3A_604], %div3A_603 {strides = array<i32>} : memref<1024xf32, #tpu.memory_space<vmem>>, vector<16xf32>,
      %get3A_606 = arith.constant 1 : i32
      %get3A_607 = arith.index_cast %get3A_606 : i32 to index
      %get3A_608 = arith.index_cast %add3A_99 : i32 to index
      %get3A_609 = tpu.vector_load %arg10[%get3A_607, %get3A_608] {strides = array<i32>} : memref<2x1024xf32, #tpu.memory_space<vmem>>, vector<16xf32>,
      %get3A_610 = arith.constant 32 : i32
      %get3A_611 = arith.index_cast %get3A_610 : i32 to index
      %get3A_612 = arith.index_cast %add3A_99 : i32 to index
      %get3A_613 = tpu.vector_load %arg9[%get3A_611, %get3A_612] {strides = array<i32>} : memref<33x1024xf32, #tpu.memory_space<vmem>>, vector<16xf32>,
      %add3A_614 = arith.constant 1 : i32
      %add3A_615 = vector.broadcast %add3A_614 : i32 to vector<16xi32>
      %add3A_616 = arith.addi %select_n3A_398, %add3A_615 : vector<16xi32>
      %gather3A_617 = tpu.vector_load_idx %arg7[%select_n3A_398, %add3A_115] : memref<33x1024xf32, #tpu.memory_space<vmem>>[vector<16xi32>, vector<16xi32>], vector<16xf32>,
      %gather3A_618 = tpu.vector_load_idx %arg7[%add3A_616, %add3A_115] : memref<33x1024xf32, #tpu.memory_space<vmem>>[vector<16xi32>, vector<16xi32>], vector<16xf32>,
      %gather3A_619 = tpu.vector_load_idx %arg8[%select_n3A_398, %add3A_115] : memref<33x1024xf32, #tpu.memory_space<vmem>>[vector<16xi32>, vector<16xi32>], vector<16xf32>,
      %gather3A_620 = tpu.vector_load_idx %arg8[%add3A_616, %add3A_115] : memref<33x1024xf32, #tpu.memory_space<vmem>>[vector<16xi32>, vector<16xi32>], vector<16xf32>,
      %gather3A_621 = tpu.vector_load_idx %arg9[%select_n3A_398, %add3A_115] : memref<33x1024xf32, #tpu.memory_space<vmem>>[vector<16xi32>, vector<16xi32>], vector<16xf32>,
      %sub3A_622 = arith.subf %gather3A_618, %gather3A_617 : vector<16xf32>
      %sub3A_623 = arith.subf %get3A_146, %gather3A_617 : vector<16xf32>
      %add3A_624 = arith.addf %sub3A_622, %get3A_609 : vector<16xf32>
      %div3A_625 = arith.divf %sub3A_623, %add3A_624 : vector<16xf32>
      %sub3A_626 = arith.subf %gather3A_620, %gather3A_619 : vector<16xf32>
      %mul3A_627 = arith.mulf %div3A_625, %sub3A_626 : vector<16xf32>
      %add3A_628 = arith.addf %mul3A_627, %gather3A_619 : vector<16xf32>
      %add3A_629 = arith.addf %add3A_628, %gather3A_619 : vector<16xf32>
      %mul3A_630 = arith.mulf %div3A_625, %add3A_629 : vector<16xf32>
      %mul3A_631 = arith.mulf %mul3A_630, %sub3A_622 : vector<16xf32>
      %add3A_632 = arith.addf %gather3A_621, %mul3A_631 : vector<16xf32>
      %div3A_633 = arith.divf %add3A_632, %get3A_613 : vector<16xf32>
      %swap3A_634 = arith.index_cast %add3A_99 : i32 to index
      %swap3A_635 = tpu.vector_load %arg11[%swap3A_634] {strides = array<i32>} : memref<1024xf32, #tpu.memory_space<vmem>>, vector<16xf32>,
      tpu.vector_store %arg11[%swap3A_634], %div3A_633 {strides = array<i32>} : memref<1024xf32, #tpu.memory_space<vmem>>, vector<16xf32>,
    }
    %scan3A_66 = arith.constant 8 : i32
    %dma_start3A_67 = arith.constant 0 : i32
    %dma_start3A_68 = tpu.memref_slice %arg6[%add3A, %dma_start3A_67] : memref<32x1024xf32, #tpu.memory_space<hbm>> -> memref<1x1024xf32, #tpu.memory_space<hbm>>
    %dma_start3A_69 = tpu.memref_squeeze %dma_start3A_68 : memref<1x1024xf32, #tpu.memory_space<hbm>> -> memref<1024xf32, #tpu.memory_space<hbm>>
    %dma_start3A_70 = arith.constant 0 : i32
    %dma_start3A_71 = tpu.memref_slice %arg6[%add3A, %dma_start3A_70] : memref<32x1024xf32, #tpu.memory_space<hbm>> -> memref<1x1024xf32, #tpu.memory_space<hbm>>
    %dma_start3A_72 = tpu.memref_squeeze %dma_start3A_71 : memref<1x1024xf32, #tpu.memory_space<hbm>> -> memref<1024xf32, #tpu.memory_space<hbm>>
    tpu.enqueue_dma source(%arg11 : memref<1024xf32, #tpu.memory_space<vmem>>) target(%dma_start3A_72 : memref<1024xf32, #tpu.memory_space<hbm>>) target_semaphore(%arg12 : memref<!tpu.dma_semaphore, #tpu.memory_space<semaphore_mem>>)
    %dma_wait3A_73 = arith.constant 0 : i32
    %dma_wait3A_74 = tpu.memref_slice %arg6[%add3A, %dma_wait3A_73] : memref<32x1024xf32, #tpu.memory_space<hbm>> -> memref<1x1024xf32, #tpu.memory_space<hbm>>
    %dma_wait3A_75 = tpu.memref_squeeze %dma_wait3A_74 : memref<1x1024xf32, #tpu.memory_space<hbm>> -> memref<1024xf32, #tpu.memory_space<hbm>>
    %dma_wait3A_76 = arith.constant 0 : i32
    %dma_wait3A_77 = tpu.memref_slice %arg6[%add3A, %dma_wait3A_76] : memref<32x1024xf32, #tpu.memory_space<hbm>> -> memref<1x1024xf32, #tpu.memory_space<hbm>>
    %dma_wait3A_78 = tpu.memref_squeeze %dma_wait3A_77 : memref<1x1024xf32, #tpu.memory_space<hbm>> -> memref<1024xf32, #tpu.memory_space<hbm>>
    tpu.wait_dma2 semaphore(%arg12 : memref<!tpu.dma_semaphore, #tpu.memory_space<semaphore_mem>>) src(%arg11 : memref<1024xf32, #tpu.memory_space<vmem>>) dst(%dma_wait3A_78 : memref<1024xf32, #tpu.memory_space<hbm>>)
    return
  }
}

module attributes {stable_mosaic.version = 14 : i64} {
  func.func @_tables_body(%arg0: memref<64x1024xf32, #tpu.memory_space<vmem>>, %arg1: memref<32x128xf32, #tpu.memory_space<vmem>>, %arg2: memref<1x128xf32, #tpu.memory_space<vmem>>, %arg3: memref<128x128xf32, #tpu.memory_space<vmem>>, %arg4: memref<1x128xf32, #tpu.memory_space<vmem>>, %arg5: memref<1056x128xf32, #tpu.memory_space<vmem>>, %arg6: memref<32x33xf32, #tpu.memory_space<vmem>>, %arg7: memref<32x128xf32, #tpu.memory_space<vmem>>, %arg8: memref<1x128xf32, #tpu.memory_space<vmem>>, %arg9: memref<128x128xf32, #tpu.memory_space<vmem>>, %arg10: memref<1x128xf32, #tpu.memory_space<vmem>>, %arg11: memref<1024x128xf32, #tpu.memory_space<vmem>>, %arg12: memref<32x32xf32, #tpu.memory_space<vmem>>, %arg13: memref<33x32x1024xf32, #tpu.memory_space<vmem>>, %arg14: memref<33x32x1024xf32, #tpu.memory_space<vmem>>, %arg15: memref<33x32x1024xf32, #tpu.memory_space<vmem>>, %arg16: memref<2x32x1024xf32, #tpu.memory_space<vmem>>) attributes {dimension_semantics = [], scalar_prefetch = 0 : i64, scratch_operands = 0 : i64, tpu.core_type = #tpu.core_type<tc>} {
    %get3A = arith.constant 0 : index
    %get3A_0 = arith.constant 0 : index
    %get3A_1 = vector.load %arg0[%get3A, %get3A_0] : memref<64x1024xf32, #tpu.memory_space<vmem>>, vector<32x1024xf32>
    %get3A_2 = arith.constant 32 : index
    %get3A_3 = arith.constant 0 : index
    %get3A_4 = vector.load %arg0[%get3A_2, %get3A_3] : memref<64x1024xf32, #tpu.memory_space<vmem>>, vector<32x1024xf32>
    %get3A_5 = arith.constant 0 : index
    %get3A_6 = arith.constant 0 : index
    %get3A_7 = vector.load %arg1[%get3A_5, %get3A_6] : memref<32x128xf32, #tpu.memory_space<vmem>>, vector<32x128xf32>
    %dot_general3A = arith.constant dense<0.000000e+00> : vector<128x1024xf32>
    %dot_general3A_8 = tpu.matmul %get3A_7, %get3A_1, %dot_general3A {dimension_numbers = #tpu.dot_dimension_numbers<[0], [0], [1], [1], [0, 1, 1, 1], [], []>, transpose_lhs_hint = false} : vector<32x128xf32>, vector<32x1024xf32>, vector<128x1024xf32> -> vector<128x1024xf32>
    %get3A_9 = arith.constant 0 : index
    %get3A_10 = arith.constant 0 : index
    %get3A_11 = vector.load %arg2[%get3A_9, %get3A_10] : memref<1x128xf32, #tpu.memory_space<vmem>>, vector<1x128xf32>
    %transpose3A = tpu.transpose %get3A_11, [1, 0] : vector<1x128xf32> -> vector<128x1xf32>
    %add3A = vector.broadcast %transpose3A : vector<128x1xf32> to vector<128x1024xf32>
    %add3A_12 = arith.addf %dot_general3A_8, %add3A : vector<128x1024xf32>
    %max3A = arith.constant 0.000000e+00 : f32
    %max3A_13 = vector.broadcast %max3A : f32 to vector<128x1024xf32>
    %max3A_14 = arith.maximumf %add3A_12, %max3A_13 : vector<128x1024xf32>
    %get3A_15 = arith.constant 0 : index
    %get3A_16 = arith.constant 0 : index
    %get3A_17 = vector.load %arg3[%get3A_15, %get3A_16] : memref<128x128xf32, #tpu.memory_space<vmem>>, vector<128x128xf32>
    %dot_general3A_18 = arith.constant dense<0.000000e+00> : vector<128x1024xf32>
    %dot_general3A_19 = tpu.matmul %get3A_17, %max3A_14, %dot_general3A_18 {dimension_numbers = #tpu.dot_dimension_numbers<[0], [0], [1], [1], [0, 1, 1, 1], [], []>, transpose_lhs_hint = false} : vector<128x128xf32>, vector<128x1024xf32>, vector<128x1024xf32> -> vector<128x1024xf32>
    %get3A_20 = arith.constant 0 : index
    %get3A_21 = arith.constant 0 : index
    %get3A_22 = vector.load %arg4[%get3A_20, %get3A_21] : memref<1x128xf32, #tpu.memory_space<vmem>>, vector<1x128xf32>
    %transpose3A_23 = tpu.transpose %get3A_22, [1, 0] : vector<1x128xf32> -> vector<128x1xf32>
    %add3A_24 = vector.broadcast %transpose3A_23 : vector<128x1xf32> to vector<128x1024xf32>
    %add3A_25 = arith.addf %dot_general3A_19, %add3A_24 : vector<128x1024xf32>
    %max3A_26 = arith.constant 0.000000e+00 : f32
    %max3A_27 = vector.broadcast %max3A_26 : f32 to vector<128x1024xf32>
    %max3A_28 = arith.maximumf %add3A_25, %max3A_27 : vector<128x1024xf32>
    %get3A_29 = arith.constant 0 : index
    %get3A_30 = arith.constant 0 : index
    %get3A_31 = vector.load %arg5[%get3A_29, %get3A_30] : memref<1056x128xf32, #tpu.memory_space<vmem>>, vector<1056x128xf32>
    %dot_general3A_32 = arith.constant dense<0.000000e+00> : vector<1056x1024xf32>
    %dot_general3A_33 = tpu.matmul %get3A_31, %max3A_28, %dot_general3A_32 {dimension_numbers = #tpu.dot_dimension_numbers<[1], [0], [0], [1], [0, 0, 1, 1], [], []>, transpose_lhs_hint = false} : vector<1056x128xf32>, vector<128x1024xf32>, vector<1056x1024xf32> -> vector<1056x1024xf32>
    %get3A_34 = arith.constant 0 : index
    %get3A_35 = arith.constant 0 : index
    %get3A_36 = vector.load %arg7[%get3A_34, %get3A_35] : memref<32x128xf32, #tpu.memory_space<vmem>>, vector<32x128xf32>
    %dot_general3A_37 = arith.constant dense<0.000000e+00> : vector<128x1024xf32>
    %dot_general3A_38 = tpu.matmul %get3A_36, %get3A_1, %dot_general3A_37 {dimension_numbers = #tpu.dot_dimension_numbers<[0], [0], [1], [1], [0, 1, 1, 1], [], []>, transpose_lhs_hint = false} : vector<32x128xf32>, vector<32x1024xf32>, vector<128x1024xf32> -> vector<128x1024xf32>
    %get3A_39 = arith.constant 0 : index
    %get3A_40 = arith.constant 0 : index
    %get3A_41 = vector.load %arg8[%get3A_39, %get3A_40] : memref<1x128xf32, #tpu.memory_space<vmem>>, vector<1x128xf32>
    %transpose3A_42 = tpu.transpose %get3A_41, [1, 0] : vector<1x128xf32> -> vector<128x1xf32>
    %add3A_43 = vector.broadcast %transpose3A_42 : vector<128x1xf32> to vector<128x1024xf32>
    %add3A_44 = arith.addf %dot_general3A_38, %add3A_43 : vector<128x1024xf32>
    %max3A_45 = arith.constant 0.000000e+00 : f32
    %max3A_46 = vector.broadcast %max3A_45 : f32 to vector<128x1024xf32>
    %max3A_47 = arith.maximumf %add3A_44, %max3A_46 : vector<128x1024xf32>
    %get3A_48 = arith.constant 0 : index
    %get3A_49 = arith.constant 0 : index
    %get3A_50 = vector.load %arg9[%get3A_48, %get3A_49] : memref<128x128xf32, #tpu.memory_space<vmem>>, vector<128x128xf32>
    %dot_general3A_51 = arith.constant dense<0.000000e+00> : vector<128x1024xf32>
    %dot_general3A_52 = tpu.matmul %get3A_50, %max3A_47, %dot_general3A_51 {dimension_numbers = #tpu.dot_dimension_numbers<[0], [0], [1], [1], [0, 1, 1, 1], [], []>, transpose_lhs_hint = false} : vector<128x128xf32>, vector<128x1024xf32>, vector<128x1024xf32> -> vector<128x1024xf32>
    %get3A_53 = arith.constant 0 : index
    %get3A_54 = arith.constant 0 : index
    %get3A_55 = vector.load %arg10[%get3A_53, %get3A_54] : memref<1x128xf32, #tpu.memory_space<vmem>>, vector<1x128xf32>
    %transpose3A_56 = tpu.transpose %get3A_55, [1, 0] : vector<1x128xf32> -> vector<128x1xf32>
    %add3A_57 = vector.broadcast %transpose3A_56 : vector<128x1xf32> to vector<128x1024xf32>
    %add3A_58 = arith.addf %dot_general3A_52, %add3A_57 : vector<128x1024xf32>
    %max3A_59 = arith.constant 0.000000e+00 : f32
    %max3A_60 = vector.broadcast %max3A_59 : f32 to vector<128x1024xf32>
    %max3A_61 = arith.maximumf %add3A_58, %max3A_60 : vector<128x1024xf32>
    %get3A_62 = arith.constant 0 : index
    %get3A_63 = arith.constant 0 : index
    %get3A_64 = vector.load %arg11[%get3A_62, %get3A_63] : memref<1024x128xf32, #tpu.memory_space<vmem>>, vector<1024x128xf32>
    %dot_general3A_65 = arith.constant dense<0.000000e+00> : vector<1024x1024xf32>
    %dot_general3A_66 = tpu.matmul %get3A_64, %max3A_61, %dot_general3A_65 {dimension_numbers = #tpu.dot_dimension_numbers<[1], [0], [0], [1], [0, 0, 1, 1], [], []>, transpose_lhs_hint = false} : vector<1024x128xf32>, vector<128x1024xf32>, vector<1024x1024xf32> -> vector<1024x1024xf32>
    %slice3A = vector.extract_strided_slice %dot_general3A_33 {offsets = [0, 0], sizes = [32, 1024], strides = [1, 1]} : vector<1056x1024xf32> to vector<32x1024xf32>
    %get3A_67 = arith.constant 0 : index
    %get3A_68 = arith.constant 0 : index
    %get3A_69 = vector.load %arg6[%get3A_67, %get3A_68] : memref<32x33xf32, #tpu.memory_space<vmem>>, vector<32x1xf32>
    %add3A_70 = vector.broadcast %get3A_69 : vector<32x1xf32> to vector<32x1024xf32>
    %add3A_71 = arith.addf %slice3A, %add3A_70 : vector<32x1024xf32>
    %max3A_72 = arith.constant 0.000000e+00 : f32
    %max3A_73 = vector.broadcast %max3A_72 : f32 to vector<32x1024xf32>
    %max3A_74 = arith.maximumf %add3A_71, %max3A_73 : vector<32x1024xf32>
    %abs3A = math.absf %add3A_71 : vector<32x1024xf32>
    %neg3A = arith.constant 0.000000e+00 : f32
    %neg3A_75 = vector.broadcast %neg3A : f32 to vector<32x1024xf32>
    %neg3A_76 = arith.subf %neg3A_75, %abs3A : vector<32x1024xf32>
    %exp3A = math.exp %neg3A_76 : vector<32x1024xf32>
    %log1p3A = math.log1p %exp3A : vector<32x1024xf32>
    %add3A_77 = arith.addf %max3A_74, %log1p3A : vector<32x1024xf32>
    %add3A_78 = arith.constant 1.1920929E-7 : f32
    %add3A_79 = vector.broadcast %add3A_78 : f32 to vector<32x1024xf32>
    %add3A_80 = arith.addf %add3A_77, %add3A_79 : vector<32x1024xf32>
    %slice3A_81 = vector.extract_strided_slice %dot_general3A_33 {offsets = [32, 0], sizes = [32, 1024], strides = [1, 1]} : vector<1056x1024xf32> to vector<32x1024xf32>
    %get3A_82 = arith.constant 0 : index
    %get3A_83 = arith.constant 1 : index
    %get3A_84 = vector.load %arg6[%get3A_82, %get3A_83] : memref<32x33xf32, #tpu.memory_space<vmem>>, vector<32x1xf32>
    %add3A_85 = vector.broadcast %get3A_84 : vector<32x1xf32> to vector<32x1024xf32>
    %add3A_86 = arith.addf %slice3A_81, %add3A_85 : vector<32x1024xf32>
    %max3A_87 = arith.constant 0.000000e+00 : f32
    %max3A_88 = vector.broadcast %max3A_87 : f32 to vector<32x1024xf32>
    %max3A_89 = arith.maximumf %add3A_86, %max3A_88 : vector<32x1024xf32>
    %abs3A_90 = math.absf %add3A_86 : vector<32x1024xf32>
    %neg3A_91 = arith.constant 0.000000e+00 : f32
    %neg3A_92 = vector.broadcast %neg3A_91 : f32 to vector<32x1024xf32>
    %neg3A_93 = arith.subf %neg3A_92, %abs3A_90 : vector<32x1024xf32>
    %exp3A_94 = math.exp %neg3A_93 : vector<32x1024xf32>
    %log1p3A_95 = math.log1p %exp3A_94 : vector<32x1024xf32>
    %add3A_96 = arith.addf %max3A_89, %log1p3A_95 : vector<32x1024xf32>
    %add3A_97 = arith.constant 1.1920929E-7 : f32
    %add3A_98 = vector.broadcast %add3A_97 : f32 to vector<32x1024xf32>
    %add3A_99 = arith.addf %add3A_96, %add3A_98 : vector<32x1024xf32>
    %slice3A_100 = vector.extract_strided_slice %dot_general3A_33 {offsets = [64, 0], sizes = [32, 1024], strides = [1, 1]} : vector<1056x1024xf32> to vector<32x1024xf32>
    %get3A_101 = arith.constant 0 : index
    %get3A_102 = arith.constant 2 : index
    %get3A_103 = vector.load %arg6[%get3A_101, %get3A_102] : memref<32x33xf32, #tpu.memory_space<vmem>>, vector<32x1xf32>
    %add3A_104 = vector.broadcast %get3A_103 : vector<32x1xf32> to vector<32x1024xf32>
    %add3A_105 = arith.addf %slice3A_100, %add3A_104 : vector<32x1024xf32>
    %max3A_106 = arith.constant 0.000000e+00 : f32
    %max3A_107 = vector.broadcast %max3A_106 : f32 to vector<32x1024xf32>
    %max3A_108 = arith.maximumf %add3A_105, %max3A_107 : vector<32x1024xf32>
    %abs3A_109 = math.absf %add3A_105 : vector<32x1024xf32>
    %neg3A_110 = arith.constant 0.000000e+00 : f32
    %neg3A_111 = vector.broadcast %neg3A_110 : f32 to vector<32x1024xf32>
    %neg3A_112 = arith.subf %neg3A_111, %abs3A_109 : vector<32x1024xf32>
    %exp3A_113 = math.exp %neg3A_112 : vector<32x1024xf32>
    %log1p3A_114 = math.log1p %exp3A_113 : vector<32x1024xf32>
    %add3A_115 = arith.addf %max3A_108, %log1p3A_114 : vector<32x1024xf32>
    %add3A_116 = arith.constant 1.1920929E-7 : f32
    %add3A_117 = vector.broadcast %add3A_116 : f32 to vector<32x1024xf32>
    %add3A_118 = arith.addf %add3A_115, %add3A_117 : vector<32x1024xf32>
    %slice3A_119 = vector.extract_strided_slice %dot_general3A_33 {offsets = [96, 0], sizes = [32, 1024], strides = [1, 1]} : vector<1056x1024xf32> to vector<32x1024xf32>
    %get3A_120 = arith.constant 0 : index
    %get3A_121 = arith.constant 3 : index
    %get3A_122 = vector.load %arg6[%get3A_120, %get3A_121] : memref<32x33xf32, #tpu.memory_space<vmem>>, vector<32x1xf32>
    %add3A_123 = vector.broadcast %get3A_122 : vector<32x1xf32> to vector<32x1024xf32>
    %add3A_124 = arith.addf %slice3A_119, %add3A_123 : vector<32x1024xf32>
    %max3A_125 = arith.constant 0.000000e+00 : f32
    %max3A_126 = vector.broadcast %max3A_125 : f32 to vector<32x1024xf32>
    %max3A_127 = arith.maximumf %add3A_124, %max3A_126 : vector<32x1024xf32>
    %abs3A_128 = math.absf %add3A_124 : vector<32x1024xf32>
    %neg3A_129 = arith.constant 0.000000e+00 : f32
    %neg3A_130 = vector.broadcast %neg3A_129 : f32 to vector<32x1024xf32>
    %neg3A_131 = arith.subf %neg3A_130, %abs3A_128 : vector<32x1024xf32>
    %exp3A_132 = math.exp %neg3A_131 : vector<32x1024xf32>
    %log1p3A_133 = math.log1p %exp3A_132 : vector<32x1024xf32>
    %add3A_134 = arith.addf %max3A_127, %log1p3A_133 : vector<32x1024xf32>
    %add3A_135 = arith.constant 1.1920929E-7 : f32
    %add3A_136 = vector.broadcast %add3A_135 : f32 to vector<32x1024xf32>
    %add3A_137 = arith.addf %add3A_134, %add3A_136 : vector<32x1024xf32>
    %slice3A_138 = vector.extract_strided_slice %dot_general3A_33 {offsets = [128, 0], sizes = [32, 1024], strides = [1, 1]} : vector<1056x1024xf32> to vector<32x1024xf32>
    %get3A_139 = arith.constant 0 : index
    %get3A_140 = arith.constant 4 : index
    %get3A_141 = vector.load %arg6[%get3A_139, %get3A_140] : memref<32x33xf32, #tpu.memory_space<vmem>>, vector<32x1xf32>
    %add3A_142 = vector.broadcast %get3A_141 : vector<32x1xf32> to vector<32x1024xf32>
    %add3A_143 = arith.addf %slice3A_138, %add3A_142 : vector<32x1024xf32>
    %max3A_144 = arith.constant 0.000000e+00 : f32
    %max3A_145 = vector.broadcast %max3A_144 : f32 to vector<32x1024xf32>
    %max3A_146 = arith.maximumf %add3A_143, %max3A_145 : vector<32x1024xf32>
    %abs3A_147 = math.absf %add3A_143 : vector<32x1024xf32>
    %neg3A_148 = arith.constant 0.000000e+00 : f32
    %neg3A_149 = vector.broadcast %neg3A_148 : f32 to vector<32x1024xf32>
    %neg3A_150 = arith.subf %neg3A_149, %abs3A_147 : vector<32x1024xf32>
    %exp3A_151 = math.exp %neg3A_150 : vector<32x1024xf32>
    %log1p3A_152 = math.log1p %exp3A_151 : vector<32x1024xf32>
    %add3A_153 = arith.addf %max3A_146, %log1p3A_152 : vector<32x1024xf32>
    %add3A_154 = arith.constant 1.1920929E-7 : f32
    %add3A_155 = vector.broadcast %add3A_154 : f32 to vector<32x1024xf32>
    %add3A_156 = arith.addf %add3A_153, %add3A_155 : vector<32x1024xf32>
    %slice3A_157 = vector.extract_strided_slice %dot_general3A_33 {offsets = [160, 0], sizes = [32, 1024], strides = [1, 1]} : vector<1056x1024xf32> to vector<32x1024xf32>
    %get3A_158 = arith.constant 0 : index
    %get3A_159 = arith.constant 5 : index
    %get3A_160 = vector.load %arg6[%get3A_158, %get3A_159] : memref<32x33xf32, #tpu.memory_space<vmem>>, vector<32x1xf32>
    %add3A_161 = vector.broadcast %get3A_160 : vector<32x1xf32> to vector<32x1024xf32>
    %add3A_162 = arith.addf %slice3A_157, %add3A_161 : vector<32x1024xf32>
    %max3A_163 = arith.constant 0.000000e+00 : f32
    %max3A_164 = vector.broadcast %max3A_163 : f32 to vector<32x1024xf32>
    %max3A_165 = arith.maximumf %add3A_162, %max3A_164 : vector<32x1024xf32>
    %abs3A_166 = math.absf %add3A_162 : vector<32x1024xf32>
    %neg3A_167 = arith.constant 0.000000e+00 : f32
    %neg3A_168 = vector.broadcast %neg3A_167 : f32 to vector<32x1024xf32>
    %neg3A_169 = arith.subf %neg3A_168, %abs3A_166 : vector<32x1024xf32>
    %exp3A_170 = math.exp %neg3A_169 : vector<32x1024xf32>
    %log1p3A_171 = math.log1p %exp3A_170 : vector<32x1024xf32>
    %add3A_172 = arith.addf %max3A_165, %log1p3A_171 : vector<32x1024xf32>
    %add3A_173 = arith.constant 1.1920929E-7 : f32
    %add3A_174 = vector.broadcast %add3A_173 : f32 to vector<32x1024xf32>
    %add3A_175 = arith.addf %add3A_172, %add3A_174 : vector<32x1024xf32>
    %slice3A_176 = vector.extract_strided_slice %dot_general3A_33 {offsets = [192, 0], sizes = [32, 1024], strides = [1, 1]} : vector<1056x1024xf32> to vector<32x1024xf32>
    %get3A_177 = arith.constant 0 : index
    %get3A_178 = arith.constant 6 : index
    %get3A_179 = vector.load %arg6[%get3A_177, %get3A_178] : memref<32x33xf32, #tpu.memory_space<vmem>>, vector<32x1xf32>
    %add3A_180 = vector.broadcast %get3A_179 : vector<32x1xf32> to vector<32x1024xf32>
    %add3A_181 = arith.addf %slice3A_176, %add3A_180 : vector<32x1024xf32>
    %max3A_182 = arith.constant 0.000000e+00 : f32
    %max3A_183 = vector.broadcast %max3A_182 : f32 to vector<32x1024xf32>
    %max3A_184 = arith.maximumf %add3A_181, %max3A_183 : vector<32x1024xf32>
    %abs3A_185 = math.absf %add3A_181 : vector<32x1024xf32>
    %neg3A_186 = arith.constant 0.000000e+00 : f32
    %neg3A_187 = vector.broadcast %neg3A_186 : f32 to vector<32x1024xf32>
    %neg3A_188 = arith.subf %neg3A_187, %abs3A_185 : vector<32x1024xf32>
    %exp3A_189 = math.exp %neg3A_188 : vector<32x1024xf32>
    %log1p3A_190 = math.log1p %exp3A_189 : vector<32x1024xf32>
    %add3A_191 = arith.addf %max3A_184, %log1p3A_190 : vector<32x1024xf32>
    %add3A_192 = arith.constant 1.1920929E-7 : f32
    %add3A_193 = vector.broadcast %add3A_192 : f32 to vector<32x1024xf32>
    %add3A_194 = arith.addf %add3A_191, %add3A_193 : vector<32x1024xf32>
    %slice3A_195 = vector.extract_strided_slice %dot_general3A_33 {offsets = [224, 0], sizes = [32, 1024], strides = [1, 1]} : vector<1056x1024xf32> to vector<32x1024xf32>
    %get3A_196 = arith.constant 0 : index
    %get3A_197 = arith.constant 7 : index
    %get3A_198 = vector.load %arg6[%get3A_196, %get3A_197] : memref<32x33xf32, #tpu.memory_space<vmem>>, vector<32x1xf32>
    %add3A_199 = vector.broadcast %get3A_198 : vector<32x1xf32> to vector<32x1024xf32>
    %add3A_200 = arith.addf %slice3A_195, %add3A_199 : vector<32x1024xf32>
    %max3A_201 = arith.constant 0.000000e+00 : f32
    %max3A_202 = vector.broadcast %max3A_201 : f32 to vector<32x1024xf32>
    %max3A_203 = arith.maximumf %add3A_200, %max3A_202 : vector<32x1024xf32>
    %abs3A_204 = math.absf %add3A_200 : vector<32x1024xf32>
    %neg3A_205 = arith.constant 0.000000e+00 : f32
    %neg3A_206 = vector.broadcast %neg3A_205 : f32 to vector<32x1024xf32>
    %neg3A_207 = arith.subf %neg3A_206, %abs3A_204 : vector<32x1024xf32>
    %exp3A_208 = math.exp %neg3A_207 : vector<32x1024xf32>
    %log1p3A_209 = math.log1p %exp3A_208 : vector<32x1024xf32>
    %add3A_210 = arith.addf %max3A_203, %log1p3A_209 : vector<32x1024xf32>
    %add3A_211 = arith.constant 1.1920929E-7 : f32
    %add3A_212 = vector.broadcast %add3A_211 : f32 to vector<32x1024xf32>
    %add3A_213 = arith.addf %add3A_210, %add3A_212 : vector<32x1024xf32>
    %slice3A_214 = vector.extract_strided_slice %dot_general3A_33 {offsets = [256, 0], sizes = [32, 1024], strides = [1, 1]} : vector<1056x1024xf32> to vector<32x1024xf32>
    %get3A_215 = arith.constant 0 : index
    %get3A_216 = arith.constant 8 : index
    %get3A_217 = vector.load %arg6[%get3A_215, %get3A_216] : memref<32x33xf32, #tpu.memory_space<vmem>>, vector<32x1xf32>
    %add3A_218 = vector.broadcast %get3A_217 : vector<32x1xf32> to vector<32x1024xf32>
    %add3A_219 = arith.addf %slice3A_214, %add3A_218 : vector<32x1024xf32>
    %max3A_220 = arith.constant 0.000000e+00 : f32
    %max3A_221 = vector.broadcast %max3A_220 : f32 to vector<32x1024xf32>
    %max3A_222 = arith.maximumf %add3A_219, %max3A_221 : vector<32x1024xf32>
    %abs3A_223 = math.absf %add3A_219 : vector<32x1024xf32>
    %neg3A_224 = arith.constant 0.000000e+00 : f32
    %neg3A_225 = vector.broadcast %neg3A_224 : f32 to vector<32x1024xf32>
    %neg3A_226 = arith.subf %neg3A_225, %abs3A_223 : vector<32x1024xf32>
    %exp3A_227 = math.exp %neg3A_226 : vector<32x1024xf32>
    %log1p3A_228 = math.log1p %exp3A_227 : vector<32x1024xf32>
    %add3A_229 = arith.addf %max3A_222, %log1p3A_228 : vector<32x1024xf32>
    %add3A_230 = arith.constant 1.1920929E-7 : f32
    %add3A_231 = vector.broadcast %add3A_230 : f32 to vector<32x1024xf32>
    %add3A_232 = arith.addf %add3A_229, %add3A_231 : vector<32x1024xf32>
    %slice3A_233 = vector.extract_strided_slice %dot_general3A_33 {offsets = [288, 0], sizes = [32, 1024], strides = [1, 1]} : vector<1056x1024xf32> to vector<32x1024xf32>
    %get3A_234 = arith.constant 0 : index
    %get3A_235 = arith.constant 9 : index
    %get3A_236 = vector.load %arg6[%get3A_234, %get3A_235] : memref<32x33xf32, #tpu.memory_space<vmem>>, vector<32x1xf32>
    %add3A_237 = vector.broadcast %get3A_236 : vector<32x1xf32> to vector<32x1024xf32>
    %add3A_238 = arith.addf %slice3A_233, %add3A_237 : vector<32x1024xf32>
    %max3A_239 = arith.constant 0.000000e+00 : f32
    %max3A_240 = vector.broadcast %max3A_239 : f32 to vector<32x1024xf32>
    %max3A_241 = arith.maximumf %add3A_238, %max3A_240 : vector<32x1024xf32>
    %abs3A_242 = math.absf %add3A_238 : vector<32x1024xf32>
    %neg3A_243 = arith.constant 0.000000e+00 : f32
    %neg3A_244 = vector.broadcast %neg3A_243 : f32 to vector<32x1024xf32>
    %neg3A_245 = arith.subf %neg3A_244, %abs3A_242 : vector<32x1024xf32>
    %exp3A_246 = math.exp %neg3A_245 : vector<32x1024xf32>
    %log1p3A_247 = math.log1p %exp3A_246 : vector<32x1024xf32>
    %add3A_248 = arith.addf %max3A_241, %log1p3A_247 : vector<32x1024xf32>
    %add3A_249 = arith.constant 1.1920929E-7 : f32
    %add3A_250 = vector.broadcast %add3A_249 : f32 to vector<32x1024xf32>
    %add3A_251 = arith.addf %add3A_248, %add3A_250 : vector<32x1024xf32>
    %slice3A_252 = vector.extract_strided_slice %dot_general3A_33 {offsets = [320, 0], sizes = [32, 1024], strides = [1, 1]} : vector<1056x1024xf32> to vector<32x1024xf32>
    %get3A_253 = arith.constant 0 : index
    %get3A_254 = arith.constant 10 : index
    %get3A_255 = vector.load %arg6[%get3A_253, %get3A_254] : memref<32x33xf32, #tpu.memory_space<vmem>>, vector<32x1xf32>
    %add3A_256 = vector.broadcast %get3A_255 : vector<32x1xf32> to vector<32x1024xf32>
    %add3A_257 = arith.addf %slice3A_252, %add3A_256 : vector<32x1024xf32>
    %max3A_258 = arith.constant 0.000000e+00 : f32
    %max3A_259 = vector.broadcast %max3A_258 : f32 to vector<32x1024xf32>
    %max3A_260 = arith.maximumf %add3A_257, %max3A_259 : vector<32x1024xf32>
    %abs3A_261 = math.absf %add3A_257 : vector<32x1024xf32>
    %neg3A_262 = arith.constant 0.000000e+00 : f32
    %neg3A_263 = vector.broadcast %neg3A_262 : f32 to vector<32x1024xf32>
    %neg3A_264 = arith.subf %neg3A_263, %abs3A_261 : vector<32x1024xf32>
    %exp3A_265 = math.exp %neg3A_264 : vector<32x1024xf32>
    %log1p3A_266 = math.log1p %exp3A_265 : vector<32x1024xf32>
    %add3A_267 = arith.addf %max3A_260, %log1p3A_266 : vector<32x1024xf32>
    %add3A_268 = arith.constant 1.1920929E-7 : f32
    %add3A_269 = vector.broadcast %add3A_268 : f32 to vector<32x1024xf32>
    %add3A_270 = arith.addf %add3A_267, %add3A_269 : vector<32x1024xf32>
    %slice3A_271 = vector.extract_strided_slice %dot_general3A_33 {offsets = [352, 0], sizes = [32, 1024], strides = [1, 1]} : vector<1056x1024xf32> to vector<32x1024xf32>
    %get3A_272 = arith.constant 0 : index
    %get3A_273 = arith.constant 11 : index
    %get3A_274 = vector.load %arg6[%get3A_272, %get3A_273] : memref<32x33xf32, #tpu.memory_space<vmem>>, vector<32x1xf32>
    %add3A_275 = vector.broadcast %get3A_274 : vector<32x1xf32> to vector<32x1024xf32>
    %add3A_276 = arith.addf %slice3A_271, %add3A_275 : vector<32x1024xf32>
    %max3A_277 = arith.constant 0.000000e+00 : f32
    %max3A_278 = vector.broadcast %max3A_277 : f32 to vector<32x1024xf32>
    %max3A_279 = arith.maximumf %add3A_276, %max3A_278 : vector<32x1024xf32>
    %abs3A_280 = math.absf %add3A_276 : vector<32x1024xf32>
    %neg3A_281 = arith.constant 0.000000e+00 : f32
    %neg3A_282 = vector.broadcast %neg3A_281 : f32 to vector<32x1024xf32>
    %neg3A_283 = arith.subf %neg3A_282, %abs3A_280 : vector<32x1024xf32>
    %exp3A_284 = math.exp %neg3A_283 : vector<32x1024xf32>
    %log1p3A_285 = math.log1p %exp3A_284 : vector<32x1024xf32>
    %add3A_286 = arith.addf %max3A_279, %log1p3A_285 : vector<32x1024xf32>
    %add3A_287 = arith.constant 1.1920929E-7 : f32
    %add3A_288 = vector.broadcast %add3A_287 : f32 to vector<32x1024xf32>
    %add3A_289 = arith.addf %add3A_286, %add3A_288 : vector<32x1024xf32>
    %slice3A_290 = vector.extract_strided_slice %dot_general3A_33 {offsets = [384, 0], sizes = [32, 1024], strides = [1, 1]} : vector<1056x1024xf32> to vector<32x1024xf32>
    %get3A_291 = arith.constant 0 : index
    %get3A_292 = arith.constant 12 : index
    %get3A_293 = vector.load %arg6[%get3A_291, %get3A_292] : memref<32x33xf32, #tpu.memory_space<vmem>>, vector<32x1xf32>
    %add3A_294 = vector.broadcast %get3A_293 : vector<32x1xf32> to vector<32x1024xf32>
    %add3A_295 = arith.addf %slice3A_290, %add3A_294 : vector<32x1024xf32>
    %max3A_296 = arith.constant 0.000000e+00 : f32
    %max3A_297 = vector.broadcast %max3A_296 : f32 to vector<32x1024xf32>
    %max3A_298 = arith.maximumf %add3A_295, %max3A_297 : vector<32x1024xf32>
    %abs3A_299 = math.absf %add3A_295 : vector<32x1024xf32>
    %neg3A_300 = arith.constant 0.000000e+00 : f32
    %neg3A_301 = vector.broadcast %neg3A_300 : f32 to vector<32x1024xf32>
    %neg3A_302 = arith.subf %neg3A_301, %abs3A_299 : vector<32x1024xf32>
    %exp3A_303 = math.exp %neg3A_302 : vector<32x1024xf32>
    %log1p3A_304 = math.log1p %exp3A_303 : vector<32x1024xf32>
    %add3A_305 = arith.addf %max3A_298, %log1p3A_304 : vector<32x1024xf32>
    %add3A_306 = arith.constant 1.1920929E-7 : f32
    %add3A_307 = vector.broadcast %add3A_306 : f32 to vector<32x1024xf32>
    %add3A_308 = arith.addf %add3A_305, %add3A_307 : vector<32x1024xf32>
    %slice3A_309 = vector.extract_strided_slice %dot_general3A_33 {offsets = [416, 0], sizes = [32, 1024], strides = [1, 1]} : vector<1056x1024xf32> to vector<32x1024xf32>
    %get3A_310 = arith.constant 0 : index
    %get3A_311 = arith.constant 13 : index
    %get3A_312 = vector.load %arg6[%get3A_310, %get3A_311] : memref<32x33xf32, #tpu.memory_space<vmem>>, vector<32x1xf32>
    %add3A_313 = vector.broadcast %get3A_312 : vector<32x1xf32> to vector<32x1024xf32>
    %add3A_314 = arith.addf %slice3A_309, %add3A_313 : vector<32x1024xf32>
    %max3A_315 = arith.constant 0.000000e+00 : f32
    %max3A_316 = vector.broadcast %max3A_315 : f32 to vector<32x1024xf32>
    %max3A_317 = arith.maximumf %add3A_314, %max3A_316 : vector<32x1024xf32>
    %abs3A_318 = math.absf %add3A_314 : vector<32x1024xf32>
    %neg3A_319 = arith.constant 0.000000e+00 : f32
    %neg3A_320 = vector.broadcast %neg3A_319 : f32 to vector<32x1024xf32>
    %neg3A_321 = arith.subf %neg3A_320, %abs3A_318 : vector<32x1024xf32>
    %exp3A_322 = math.exp %neg3A_321 : vector<32x1024xf32>
    %log1p3A_323 = math.log1p %exp3A_322 : vector<32x1024xf32>
    %add3A_324 = arith.addf %max3A_317, %log1p3A_323 : vector<32x1024xf32>
    %add3A_325 = arith.constant 1.1920929E-7 : f32
    %add3A_326 = vector.broadcast %add3A_325 : f32 to vector<32x1024xf32>
    %add3A_327 = arith.addf %add3A_324, %add3A_326 : vector<32x1024xf32>
    %slice3A_328 = vector.extract_strided_slice %dot_general3A_33 {offsets = [448, 0], sizes = [32, 1024], strides = [1, 1]} : vector<1056x1024xf32> to vector<32x1024xf32>
    %get3A_329 = arith.constant 0 : index
    %get3A_330 = arith.constant 14 : index
    %get3A_331 = vector.load %arg6[%get3A_329, %get3A_330] : memref<32x33xf32, #tpu.memory_space<vmem>>, vector<32x1xf32>
    %add3A_332 = vector.broadcast %get3A_331 : vector<32x1xf32> to vector<32x1024xf32>
    %add3A_333 = arith.addf %slice3A_328, %add3A_332 : vector<32x1024xf32>
    %max3A_334 = arith.constant 0.000000e+00 : f32
    %max3A_335 = vector.broadcast %max3A_334 : f32 to vector<32x1024xf32>
    %max3A_336 = arith.maximumf %add3A_333, %max3A_335 : vector<32x1024xf32>
    %abs3A_337 = math.absf %add3A_333 : vector<32x1024xf32>
    %neg3A_338 = arith.constant 0.000000e+00 : f32
    %neg3A_339 = vector.broadcast %neg3A_338 : f32 to vector<32x1024xf32>
    %neg3A_340 = arith.subf %neg3A_339, %abs3A_337 : vector<32x1024xf32>
    %exp3A_341 = math.exp %neg3A_340 : vector<32x1024xf32>
    %log1p3A_342 = math.log1p %exp3A_341 : vector<32x1024xf32>
    %add3A_343 = arith.addf %max3A_336, %log1p3A_342 : vector<32x1024xf32>
    %add3A_344 = arith.constant 1.1920929E-7 : f32
    %add3A_345 = vector.broadcast %add3A_344 : f32 to vector<32x1024xf32>
    %add3A_346 = arith.addf %add3A_343, %add3A_345 : vector<32x1024xf32>
    %slice3A_347 = vector.extract_strided_slice %dot_general3A_33 {offsets = [480, 0], sizes = [32, 1024], strides = [1, 1]} : vector<1056x1024xf32> to vector<32x1024xf32>
    %get3A_348 = arith.constant 0 : index
    %get3A_349 = arith.constant 15 : index
    %get3A_350 = vector.load %arg6[%get3A_348, %get3A_349] : memref<32x33xf32, #tpu.memory_space<vmem>>, vector<32x1xf32>
    %add3A_351 = vector.broadcast %get3A_350 : vector<32x1xf32> to vector<32x1024xf32>
    %add3A_352 = arith.addf %slice3A_347, %add3A_351 : vector<32x1024xf32>
    %max3A_353 = arith.constant 0.000000e+00 : f32
    %max3A_354 = vector.broadcast %max3A_353 : f32 to vector<32x1024xf32>
    %max3A_355 = arith.maximumf %add3A_352, %max3A_354 : vector<32x1024xf32>
    %abs3A_356 = math.absf %add3A_352 : vector<32x1024xf32>
    %neg3A_357 = arith.constant 0.000000e+00 : f32
    %neg3A_358 = vector.broadcast %neg3A_357 : f32 to vector<32x1024xf32>
    %neg3A_359 = arith.subf %neg3A_358, %abs3A_356 : vector<32x1024xf32>
    %exp3A_360 = math.exp %neg3A_359 : vector<32x1024xf32>
    %log1p3A_361 = math.log1p %exp3A_360 : vector<32x1024xf32>
    %add3A_362 = arith.addf %max3A_355, %log1p3A_361 : vector<32x1024xf32>
    %add3A_363 = arith.constant 1.1920929E-7 : f32
    %add3A_364 = vector.broadcast %add3A_363 : f32 to vector<32x1024xf32>
    %add3A_365 = arith.addf %add3A_362, %add3A_364 : vector<32x1024xf32>
    %slice3A_366 = vector.extract_strided_slice %dot_general3A_33 {offsets = [512, 0], sizes = [32, 1024], strides = [1, 1]} : vector<1056x1024xf32> to vector<32x1024xf32>
    %get3A_367 = arith.constant 0 : index
    %get3A_368 = arith.constant 16 : index
    %get3A_369 = vector.load %arg6[%get3A_367, %get3A_368] : memref<32x33xf32, #tpu.memory_space<vmem>>, vector<32x1xf32>
    %add3A_370 = vector.broadcast %get3A_369 : vector<32x1xf32> to vector<32x1024xf32>
    %add3A_371 = arith.addf %slice3A_366, %add3A_370 : vector<32x1024xf32>
    %max3A_372 = arith.constant 0.000000e+00 : f32
    %max3A_373 = vector.broadcast %max3A_372 : f32 to vector<32x1024xf32>
    %max3A_374 = arith.maximumf %add3A_371, %max3A_373 : vector<32x1024xf32>
    %abs3A_375 = math.absf %add3A_371 : vector<32x1024xf32>
    %neg3A_376 = arith.constant 0.000000e+00 : f32
    %neg3A_377 = vector.broadcast %neg3A_376 : f32 to vector<32x1024xf32>
    %neg3A_378 = arith.subf %neg3A_377, %abs3A_375 : vector<32x1024xf32>
    %exp3A_379 = math.exp %neg3A_378 : vector<32x1024xf32>
    %log1p3A_380 = math.log1p %exp3A_379 : vector<32x1024xf32>
    %add3A_381 = arith.addf %max3A_374, %log1p3A_380 : vector<32x1024xf32>
    %add3A_382 = arith.constant 1.1920929E-7 : f32
    %add3A_383 = vector.broadcast %add3A_382 : f32 to vector<32x1024xf32>
    %add3A_384 = arith.addf %add3A_381, %add3A_383 : vector<32x1024xf32>
    %slice3A_385 = vector.extract_strided_slice %dot_general3A_33 {offsets = [544, 0], sizes = [32, 1024], strides = [1, 1]} : vector<1056x1024xf32> to vector<32x1024xf32>
    %get3A_386 = arith.constant 0 : index
    %get3A_387 = arith.constant 17 : index
    %get3A_388 = vector.load %arg6[%get3A_386, %get3A_387] : memref<32x33xf32, #tpu.memory_space<vmem>>, vector<32x1xf32>
    %add3A_389 = vector.broadcast %get3A_388 : vector<32x1xf32> to vector<32x1024xf32>
    %add3A_390 = arith.addf %slice3A_385, %add3A_389 : vector<32x1024xf32>
    %max3A_391 = arith.constant 0.000000e+00 : f32
    %max3A_392 = vector.broadcast %max3A_391 : f32 to vector<32x1024xf32>
    %max3A_393 = arith.maximumf %add3A_390, %max3A_392 : vector<32x1024xf32>
    %abs3A_394 = math.absf %add3A_390 : vector<32x1024xf32>
    %neg3A_395 = arith.constant 0.000000e+00 : f32
    %neg3A_396 = vector.broadcast %neg3A_395 : f32 to vector<32x1024xf32>
    %neg3A_397 = arith.subf %neg3A_396, %abs3A_394 : vector<32x1024xf32>
    %exp3A_398 = math.exp %neg3A_397 : vector<32x1024xf32>
    %log1p3A_399 = math.log1p %exp3A_398 : vector<32x1024xf32>
    %add3A_400 = arith.addf %max3A_393, %log1p3A_399 : vector<32x1024xf32>
    %add3A_401 = arith.constant 1.1920929E-7 : f32
    %add3A_402 = vector.broadcast %add3A_401 : f32 to vector<32x1024xf32>
    %add3A_403 = arith.addf %add3A_400, %add3A_402 : vector<32x1024xf32>
    %slice3A_404 = vector.extract_strided_slice %dot_general3A_33 {offsets = [576, 0], sizes = [32, 1024], strides = [1, 1]} : vector<1056x1024xf32> to vector<32x1024xf32>
    %get3A_405 = arith.constant 0 : index
    %get3A_406 = arith.constant 18 : index
    %get3A_407 = vector.load %arg6[%get3A_405, %get3A_406] : memref<32x33xf32, #tpu.memory_space<vmem>>, vector<32x1xf32>
    %add3A_408 = vector.broadcast %get3A_407 : vector<32x1xf32> to vector<32x1024xf32>
    %add3A_409 = arith.addf %slice3A_404, %add3A_408 : vector<32x1024xf32>
    %max3A_410 = arith.constant 0.000000e+00 : f32
    %max3A_411 = vector.broadcast %max3A_410 : f32 to vector<32x1024xf32>
    %max3A_412 = arith.maximumf %add3A_409, %max3A_411 : vector<32x1024xf32>
    %abs3A_413 = math.absf %add3A_409 : vector<32x1024xf32>
    %neg3A_414 = arith.constant 0.000000e+00 : f32
    %neg3A_415 = vector.broadcast %neg3A_414 : f32 to vector<32x1024xf32>
    %neg3A_416 = arith.subf %neg3A_415, %abs3A_413 : vector<32x1024xf32>
    %exp3A_417 = math.exp %neg3A_416 : vector<32x1024xf32>
    %log1p3A_418 = math.log1p %exp3A_417 : vector<32x1024xf32>
    %add3A_419 = arith.addf %max3A_412, %log1p3A_418 : vector<32x1024xf32>
    %add3A_420 = arith.constant 1.1920929E-7 : f32
    %add3A_421 = vector.broadcast %add3A_420 : f32 to vector<32x1024xf32>
    %add3A_422 = arith.addf %add3A_419, %add3A_421 : vector<32x1024xf32>
    %slice3A_423 = vector.extract_strided_slice %dot_general3A_33 {offsets = [608, 0], sizes = [32, 1024], strides = [1, 1]} : vector<1056x1024xf32> to vector<32x1024xf32>
    %get3A_424 = arith.constant 0 : index
    %get3A_425 = arith.constant 19 : index
    %get3A_426 = vector.load %arg6[%get3A_424, %get3A_425] : memref<32x33xf32, #tpu.memory_space<vmem>>, vector<32x1xf32>
    %add3A_427 = vector.broadcast %get3A_426 : vector<32x1xf32> to vector<32x1024xf32>
    %add3A_428 = arith.addf %slice3A_423, %add3A_427 : vector<32x1024xf32>
    %max3A_429 = arith.constant 0.000000e+00 : f32
    %max3A_430 = vector.broadcast %max3A_429 : f32 to vector<32x1024xf32>
    %max3A_431 = arith.maximumf %add3A_428, %max3A_430 : vector<32x1024xf32>
    %abs3A_432 = math.absf %add3A_428 : vector<32x1024xf32>
    %neg3A_433 = arith.constant 0.000000e+00 : f32
    %neg3A_434 = vector.broadcast %neg3A_433 : f32 to vector<32x1024xf32>
    %neg3A_435 = arith.subf %neg3A_434, %abs3A_432 : vector<32x1024xf32>
    %exp3A_436 = math.exp %neg3A_435 : vector<32x1024xf32>
    %log1p3A_437 = math.log1p %exp3A_436 : vector<32x1024xf32>
    %add3A_438 = arith.addf %max3A_431, %log1p3A_437 : vector<32x1024xf32>
    %add3A_439 = arith.constant 1.1920929E-7 : f32
    %add3A_440 = vector.broadcast %add3A_439 : f32 to vector<32x1024xf32>
    %add3A_441 = arith.addf %add3A_438, %add3A_440 : vector<32x1024xf32>
    %slice3A_442 = vector.extract_strided_slice %dot_general3A_33 {offsets = [640, 0], sizes = [32, 1024], strides = [1, 1]} : vector<1056x1024xf32> to vector<32x1024xf32>
    %get3A_443 = arith.constant 0 : index
    %get3A_444 = arith.constant 20 : index
    %get3A_445 = vector.load %arg6[%get3A_443, %get3A_444] : memref<32x33xf32, #tpu.memory_space<vmem>>, vector<32x1xf32>
    %add3A_446 = vector.broadcast %get3A_445 : vector<32x1xf32> to vector<32x1024xf32>
    %add3A_447 = arith.addf %slice3A_442, %add3A_446 : vector<32x1024xf32>
    %max3A_448 = arith.constant 0.000000e+00 : f32
    %max3A_449 = vector.broadcast %max3A_448 : f32 to vector<32x1024xf32>
    %max3A_450 = arith.maximumf %add3A_447, %max3A_449 : vector<32x1024xf32>
    %abs3A_451 = math.absf %add3A_447 : vector<32x1024xf32>
    %neg3A_452 = arith.constant 0.000000e+00 : f32
    %neg3A_453 = vector.broadcast %neg3A_452 : f32 to vector<32x1024xf32>
    %neg3A_454 = arith.subf %neg3A_453, %abs3A_451 : vector<32x1024xf32>
    %exp3A_455 = math.exp %neg3A_454 : vector<32x1024xf32>
    %log1p3A_456 = math.log1p %exp3A_455 : vector<32x1024xf32>
    %add3A_457 = arith.addf %max3A_450, %log1p3A_456 : vector<32x1024xf32>
    %add3A_458 = arith.constant 1.1920929E-7 : f32
    %add3A_459 = vector.broadcast %add3A_458 : f32 to vector<32x1024xf32>
    %add3A_460 = arith.addf %add3A_457, %add3A_459 : vector<32x1024xf32>
    %slice3A_461 = vector.extract_strided_slice %dot_general3A_33 {offsets = [672, 0], sizes = [32, 1024], strides = [1, 1]} : vector<1056x1024xf32> to vector<32x1024xf32>
    %get3A_462 = arith.constant 0 : index
    %get3A_463 = arith.constant 21 : index
    %get3A_464 = vector.load %arg6[%get3A_462, %get3A_463] : memref<32x33xf32, #tpu.memory_space<vmem>>, vector<32x1xf32>
    %add3A_465 = vector.broadcast %get3A_464 : vector<32x1xf32> to vector<32x1024xf32>
    %add3A_466 = arith.addf %slice3A_461, %add3A_465 : vector<32x1024xf32>
    %max3A_467 = arith.constant 0.000000e+00 : f32
    %max3A_468 = vector.broadcast %max3A_467 : f32 to vector<32x1024xf32>
    %max3A_469 = arith.maximumf %add3A_466, %max3A_468 : vector<32x1024xf32>
    %abs3A_470 = math.absf %add3A_466 : vector<32x1024xf32>
    %neg3A_471 = arith.constant 0.000000e+00 : f32
    %neg3A_472 = vector.broadcast %neg3A_471 : f32 to vector<32x1024xf32>
    %neg3A_473 = arith.subf %neg3A_472, %abs3A_470 : vector<32x1024xf32>
    %exp3A_474 = math.exp %neg3A_473 : vector<32x1024xf32>
    %log1p3A_475 = math.log1p %exp3A_474 : vector<32x1024xf32>
    %add3A_476 = arith.addf %max3A_469, %log1p3A_475 : vector<32x1024xf32>
    %add3A_477 = arith.constant 1.1920929E-7 : f32
    %add3A_478 = vector.broadcast %add3A_477 : f32 to vector<32x1024xf32>
    %add3A_479 = arith.addf %add3A_476, %add3A_478 : vector<32x1024xf32>
    %slice3A_480 = vector.extract_strided_slice %dot_general3A_33 {offsets = [704, 0], sizes = [32, 1024], strides = [1, 1]} : vector<1056x1024xf32> to vector<32x1024xf32>
    %get3A_481 = arith.constant 0 : index
    %get3A_482 = arith.constant 22 : index
    %get3A_483 = vector.load %arg6[%get3A_481, %get3A_482] : memref<32x33xf32, #tpu.memory_space<vmem>>, vector<32x1xf32>
    %add3A_484 = vector.broadcast %get3A_483 : vector<32x1xf32> to vector<32x1024xf32>
    %add3A_485 = arith.addf %slice3A_480, %add3A_484 : vector<32x1024xf32>
    %max3A_486 = arith.constant 0.000000e+00 : f32
    %max3A_487 = vector.broadcast %max3A_486 : f32 to vector<32x1024xf32>
    %max3A_488 = arith.maximumf %add3A_485, %max3A_487 : vector<32x1024xf32>
    %abs3A_489 = math.absf %add3A_485 : vector<32x1024xf32>
    %neg3A_490 = arith.constant 0.000000e+00 : f32
    %neg3A_491 = vector.broadcast %neg3A_490 : f32 to vector<32x1024xf32>
    %neg3A_492 = arith.subf %neg3A_491, %abs3A_489 : vector<32x1024xf32>
    %exp3A_493 = math.exp %neg3A_492 : vector<32x1024xf32>
    %log1p3A_494 = math.log1p %exp3A_493 : vector<32x1024xf32>
    %add3A_495 = arith.addf %max3A_488, %log1p3A_494 : vector<32x1024xf32>
    %add3A_496 = arith.constant 1.1920929E-7 : f32
    %add3A_497 = vector.broadcast %add3A_496 : f32 to vector<32x1024xf32>
    %add3A_498 = arith.addf %add3A_495, %add3A_497 : vector<32x1024xf32>
    %slice3A_499 = vector.extract_strided_slice %dot_general3A_33 {offsets = [736, 0], sizes = [32, 1024], strides = [1, 1]} : vector<1056x1024xf32> to vector<32x1024xf32>
    %get3A_500 = arith.constant 0 : index
    %get3A_501 = arith.constant 23 : index
    %get3A_502 = vector.load %arg6[%get3A_500, %get3A_501] : memref<32x33xf32, #tpu.memory_space<vmem>>, vector<32x1xf32>
    %add3A_503 = vector.broadcast %get3A_502 : vector<32x1xf32> to vector<32x1024xf32>
    %add3A_504 = arith.addf %slice3A_499, %add3A_503 : vector<32x1024xf32>
    %max3A_505 = arith.constant 0.000000e+00 : f32
    %max3A_506 = vector.broadcast %max3A_505 : f32 to vector<32x1024xf32>
    %max3A_507 = arith.maximumf %add3A_504, %max3A_506 : vector<32x1024xf32>
    %abs3A_508 = math.absf %add3A_504 : vector<32x1024xf32>
    %neg3A_509 = arith.constant 0.000000e+00 : f32
    %neg3A_510 = vector.broadcast %neg3A_509 : f32 to vector<32x1024xf32>
    %neg3A_511 = arith.subf %neg3A_510, %abs3A_508 : vector<32x1024xf32>
    %exp3A_512 = math.exp %neg3A_511 : vector<32x1024xf32>
    %log1p3A_513 = math.log1p %exp3A_512 : vector<32x1024xf32>
    %add3A_514 = arith.addf %max3A_507, %log1p3A_513 : vector<32x1024xf32>
    %add3A_515 = arith.constant 1.1920929E-7 : f32
    %add3A_516 = vector.broadcast %add3A_515 : f32 to vector<32x1024xf32>
    %add3A_517 = arith.addf %add3A_514, %add3A_516 : vector<32x1024xf32>
    %slice3A_518 = vector.extract_strided_slice %dot_general3A_33 {offsets = [768, 0], sizes = [32, 1024], strides = [1, 1]} : vector<1056x1024xf32> to vector<32x1024xf32>
    %get3A_519 = arith.constant 0 : index
    %get3A_520 = arith.constant 24 : index
    %get3A_521 = vector.load %arg6[%get3A_519, %get3A_520] : memref<32x33xf32, #tpu.memory_space<vmem>>, vector<32x1xf32>
    %add3A_522 = vector.broadcast %get3A_521 : vector<32x1xf32> to vector<32x1024xf32>
    %add3A_523 = arith.addf %slice3A_518, %add3A_522 : vector<32x1024xf32>
    %max3A_524 = arith.constant 0.000000e+00 : f32
    %max3A_525 = vector.broadcast %max3A_524 : f32 to vector<32x1024xf32>
    %max3A_526 = arith.maximumf %add3A_523, %max3A_525 : vector<32x1024xf32>
    %abs3A_527 = math.absf %add3A_523 : vector<32x1024xf32>
    %neg3A_528 = arith.constant 0.000000e+00 : f32
    %neg3A_529 = vector.broadcast %neg3A_528 : f32 to vector<32x1024xf32>
    %neg3A_530 = arith.subf %neg3A_529, %abs3A_527 : vector<32x1024xf32>
    %exp3A_531 = math.exp %neg3A_530 : vector<32x1024xf32>
    %log1p3A_532 = math.log1p %exp3A_531 : vector<32x1024xf32>
    %add3A_533 = arith.addf %max3A_526, %log1p3A_532 : vector<32x1024xf32>
    %add3A_534 = arith.constant 1.1920929E-7 : f32
    %add3A_535 = vector.broadcast %add3A_534 : f32 to vector<32x1024xf32>
    %add3A_536 = arith.addf %add3A_533, %add3A_535 : vector<32x1024xf32>
    %slice3A_537 = vector.extract_strided_slice %dot_general3A_33 {offsets = [800, 0], sizes = [32, 1024], strides = [1, 1]} : vector<1056x1024xf32> to vector<32x1024xf32>
    %get3A_538 = arith.constant 0 : index
    %get3A_539 = arith.constant 25 : index
    %get3A_540 = vector.load %arg6[%get3A_538, %get3A_539] : memref<32x33xf32, #tpu.memory_space<vmem>>, vector<32x1xf32>
    %add3A_541 = vector.broadcast %get3A_540 : vector<32x1xf32> to vector<32x1024xf32>
    %add3A_542 = arith.addf %slice3A_537, %add3A_541 : vector<32x1024xf32>
    %max3A_543 = arith.constant 0.000000e+00 : f32
    %max3A_544 = vector.broadcast %max3A_543 : f32 to vector<32x1024xf32>
    %max3A_545 = arith.maximumf %add3A_542, %max3A_544 : vector<32x1024xf32>
    %abs3A_546 = math.absf %add3A_542 : vector<32x1024xf32>
    %neg3A_547 = arith.constant 0.000000e+00 : f32
    %neg3A_548 = vector.broadcast %neg3A_547 : f32 to vector<32x1024xf32>
    %neg3A_549 = arith.subf %neg3A_548, %abs3A_546 : vector<32x1024xf32>
    %exp3A_550 = math.exp %neg3A_549 : vector<32x1024xf32>
    %log1p3A_551 = math.log1p %exp3A_550 : vector<32x1024xf32>
    %add3A_552 = arith.addf %max3A_545, %log1p3A_551 : vector<32x1024xf32>
    %add3A_553 = arith.constant 1.1920929E-7 : f32
    %add3A_554 = vector.broadcast %add3A_553 : f32 to vector<32x1024xf32>
    %add3A_555 = arith.addf %add3A_552, %add3A_554 : vector<32x1024xf32>
    %slice3A_556 = vector.extract_strided_slice %dot_general3A_33 {offsets = [832, 0], sizes = [32, 1024], strides = [1, 1]} : vector<1056x1024xf32> to vector<32x1024xf32>
    %get3A_557 = arith.constant 0 : index
    %get3A_558 = arith.constant 26 : index
    %get3A_559 = vector.load %arg6[%get3A_557, %get3A_558] : memref<32x33xf32, #tpu.memory_space<vmem>>, vector<32x1xf32>
    %add3A_560 = vector.broadcast %get3A_559 : vector<32x1xf32> to vector<32x1024xf32>
    %add3A_561 = arith.addf %slice3A_556, %add3A_560 : vector<32x1024xf32>
    %max3A_562 = arith.constant 0.000000e+00 : f32
    %max3A_563 = vector.broadcast %max3A_562 : f32 to vector<32x1024xf32>
    %max3A_564 = arith.maximumf %add3A_561, %max3A_563 : vector<32x1024xf32>
    %abs3A_565 = math.absf %add3A_561 : vector<32x1024xf32>
    %neg3A_566 = arith.constant 0.000000e+00 : f32
    %neg3A_567 = vector.broadcast %neg3A_566 : f32 to vector<32x1024xf32>
    %neg3A_568 = arith.subf %neg3A_567, %abs3A_565 : vector<32x1024xf32>
    %exp3A_569 = math.exp %neg3A_568 : vector<32x1024xf32>
    %log1p3A_570 = math.log1p %exp3A_569 : vector<32x1024xf32>
    %add3A_571 = arith.addf %max3A_564, %log1p3A_570 : vector<32x1024xf32>
    %add3A_572 = arith.constant 1.1920929E-7 : f32
    %add3A_573 = vector.broadcast %add3A_572 : f32 to vector<32x1024xf32>
    %add3A_574 = arith.addf %add3A_571, %add3A_573 : vector<32x1024xf32>
    %slice3A_575 = vector.extract_strided_slice %dot_general3A_33 {offsets = [864, 0], sizes = [32, 1024], strides = [1, 1]} : vector<1056x1024xf32> to vector<32x1024xf32>
    %get3A_576 = arith.constant 0 : index
    %get3A_577 = arith.constant 27 : index
    %get3A_578 = vector.load %arg6[%get3A_576, %get3A_577] : memref<32x33xf32, #tpu.memory_space<vmem>>, vector<32x1xf32>
    %add3A_579 = vector.broadcast %get3A_578 : vector<32x1xf32> to vector<32x1024xf32>
    %add3A_580 = arith.addf %slice3A_575, %add3A_579 : vector<32x1024xf32>
    %max3A_581 = arith.constant 0.000000e+00 : f32
    %max3A_582 = vector.broadcast %max3A_581 : f32 to vector<32x1024xf32>
    %max3A_583 = arith.maximumf %add3A_580, %max3A_582 : vector<32x1024xf32>
    %abs3A_584 = math.absf %add3A_580 : vector<32x1024xf32>
    %neg3A_585 = arith.constant 0.000000e+00 : f32
    %neg3A_586 = vector.broadcast %neg3A_585 : f32 to vector<32x1024xf32>
    %neg3A_587 = arith.subf %neg3A_586, %abs3A_584 : vector<32x1024xf32>
    %exp3A_588 = math.exp %neg3A_587 : vector<32x1024xf32>
    %log1p3A_589 = math.log1p %exp3A_588 : vector<32x1024xf32>
    %add3A_590 = arith.addf %max3A_583, %log1p3A_589 : vector<32x1024xf32>
    %add3A_591 = arith.constant 1.1920929E-7 : f32
    %add3A_592 = vector.broadcast %add3A_591 : f32 to vector<32x1024xf32>
    %add3A_593 = arith.addf %add3A_590, %add3A_592 : vector<32x1024xf32>
    %slice3A_594 = vector.extract_strided_slice %dot_general3A_33 {offsets = [896, 0], sizes = [32, 1024], strides = [1, 1]} : vector<1056x1024xf32> to vector<32x1024xf32>
    %get3A_595 = arith.constant 0 : index
    %get3A_596 = arith.constant 28 : index
    %get3A_597 = vector.load %arg6[%get3A_595, %get3A_596] : memref<32x33xf32, #tpu.memory_space<vmem>>, vector<32x1xf32>
    %add3A_598 = vector.broadcast %get3A_597 : vector<32x1xf32> to vector<32x1024xf32>
    %add3A_599 = arith.addf %slice3A_594, %add3A_598 : vector<32x1024xf32>
    %max3A_600 = arith.constant 0.000000e+00 : f32
    %max3A_601 = vector.broadcast %max3A_600 : f32 to vector<32x1024xf32>
    %max3A_602 = arith.maximumf %add3A_599, %max3A_601 : vector<32x1024xf32>
    %abs3A_603 = math.absf %add3A_599 : vector<32x1024xf32>
    %neg3A_604 = arith.constant 0.000000e+00 : f32
    %neg3A_605 = vector.broadcast %neg3A_604 : f32 to vector<32x1024xf32>
    %neg3A_606 = arith.subf %neg3A_605, %abs3A_603 : vector<32x1024xf32>
    %exp3A_607 = math.exp %neg3A_606 : vector<32x1024xf32>
    %log1p3A_608 = math.log1p %exp3A_607 : vector<32x1024xf32>
    %add3A_609 = arith.addf %max3A_602, %log1p3A_608 : vector<32x1024xf32>
    %add3A_610 = arith.constant 1.1920929E-7 : f32
    %add3A_611 = vector.broadcast %add3A_610 : f32 to vector<32x1024xf32>
    %add3A_612 = arith.addf %add3A_609, %add3A_611 : vector<32x1024xf32>
    %slice3A_613 = vector.extract_strided_slice %dot_general3A_33 {offsets = [928, 0], sizes = [32, 1024], strides = [1, 1]} : vector<1056x1024xf32> to vector<32x1024xf32>
    %get3A_614 = arith.constant 0 : index
    %get3A_615 = arith.constant 29 : index
    %get3A_616 = vector.load %arg6[%get3A_614, %get3A_615] : memref<32x33xf32, #tpu.memory_space<vmem>>, vector<32x1xf32>
    %add3A_617 = vector.broadcast %get3A_616 : vector<32x1xf32> to vector<32x1024xf32>
    %add3A_618 = arith.addf %slice3A_613, %add3A_617 : vector<32x1024xf32>
    %max3A_619 = arith.constant 0.000000e+00 : f32
    %max3A_620 = vector.broadcast %max3A_619 : f32 to vector<32x1024xf32>
    %max3A_621 = arith.maximumf %add3A_618, %max3A_620 : vector<32x1024xf32>
    %abs3A_622 = math.absf %add3A_618 : vector<32x1024xf32>
    %neg3A_623 = arith.constant 0.000000e+00 : f32
    %neg3A_624 = vector.broadcast %neg3A_623 : f32 to vector<32x1024xf32>
    %neg3A_625 = arith.subf %neg3A_624, %abs3A_622 : vector<32x1024xf32>
    %exp3A_626 = math.exp %neg3A_625 : vector<32x1024xf32>
    %log1p3A_627 = math.log1p %exp3A_626 : vector<32x1024xf32>
    %add3A_628 = arith.addf %max3A_621, %log1p3A_627 : vector<32x1024xf32>
    %add3A_629 = arith.constant 1.1920929E-7 : f32
    %add3A_630 = vector.broadcast %add3A_629 : f32 to vector<32x1024xf32>
    %add3A_631 = arith.addf %add3A_628, %add3A_630 : vector<32x1024xf32>
    %slice3A_632 = vector.extract_strided_slice %dot_general3A_33 {offsets = [960, 0], sizes = [32, 1024], strides = [1, 1]} : vector<1056x1024xf32> to vector<32x1024xf32>
    %get3A_633 = arith.constant 0 : index
    %get3A_634 = arith.constant 30 : index
    %get3A_635 = vector.load %arg6[%get3A_633, %get3A_634] : memref<32x33xf32, #tpu.memory_space<vmem>>, vector<32x1xf32>
    %add3A_636 = vector.broadcast %get3A_635 : vector<32x1xf32> to vector<32x1024xf32>
    %add3A_637 = arith.addf %slice3A_632, %add3A_636 : vector<32x1024xf32>
    %max3A_638 = arith.constant 0.000000e+00 : f32
    %max3A_639 = vector.broadcast %max3A_638 : f32 to vector<32x1024xf32>
    %max3A_640 = arith.maximumf %add3A_637, %max3A_639 : vector<32x1024xf32>
    %abs3A_641 = math.absf %add3A_637 : vector<32x1024xf32>
    %neg3A_642 = arith.constant 0.000000e+00 : f32
    %neg3A_643 = vector.broadcast %neg3A_642 : f32 to vector<32x1024xf32>
    %neg3A_644 = arith.subf %neg3A_643, %abs3A_641 : vector<32x1024xf32>
    %exp3A_645 = math.exp %neg3A_644 : vector<32x1024xf32>
    %log1p3A_646 = math.log1p %exp3A_645 : vector<32x1024xf32>
    %add3A_647 = arith.addf %max3A_640, %log1p3A_646 : vector<32x1024xf32>
    %add3A_648 = arith.constant 1.1920929E-7 : f32
    %add3A_649 = vector.broadcast %add3A_648 : f32 to vector<32x1024xf32>
    %add3A_650 = arith.addf %add3A_647, %add3A_649 : vector<32x1024xf32>
    %slice3A_651 = vector.extract_strided_slice %dot_general3A_33 {offsets = [992, 0], sizes = [32, 1024], strides = [1, 1]} : vector<1056x1024xf32> to vector<32x1024xf32>
    %get3A_652 = arith.constant 0 : index
    %get3A_653 = arith.constant 31 : index
    %get3A_654 = vector.load %arg6[%get3A_652, %get3A_653] : memref<32x33xf32, #tpu.memory_space<vmem>>, vector<32x1xf32>
    %add3A_655 = vector.broadcast %get3A_654 : vector<32x1xf32> to vector<32x1024xf32>
    %add3A_656 = arith.addf %slice3A_651, %add3A_655 : vector<32x1024xf32>
    %max3A_657 = arith.constant 0.000000e+00 : f32
    %max3A_658 = vector.broadcast %max3A_657 : f32 to vector<32x1024xf32>
    %max3A_659 = arith.maximumf %add3A_656, %max3A_658 : vector<32x1024xf32>
    %abs3A_660 = math.absf %add3A_656 : vector<32x1024xf32>
    %neg3A_661 = arith.constant 0.000000e+00 : f32
    %neg3A_662 = vector.broadcast %neg3A_661 : f32 to vector<32x1024xf32>
    %neg3A_663 = arith.subf %neg3A_662, %abs3A_660 : vector<32x1024xf32>
    %exp3A_664 = math.exp %neg3A_663 : vector<32x1024xf32>
    %log1p3A_665 = math.log1p %exp3A_664 : vector<32x1024xf32>
    %add3A_666 = arith.addf %max3A_659, %log1p3A_665 : vector<32x1024xf32>
    %add3A_667 = arith.constant 1.1920929E-7 : f32
    %add3A_668 = vector.broadcast %add3A_667 : f32 to vector<32x1024xf32>
    %add3A_669 = arith.addf %add3A_666, %add3A_668 : vector<32x1024xf32>
    %slice3A_670 = vector.extract_strided_slice %dot_general3A_33 {offsets = [1024, 0], sizes = [32, 1024], strides = [1, 1]} : vector<1056x1024xf32> to vector<32x1024xf32>
    %get3A_671 = arith.constant 0 : index
    %get3A_672 = arith.constant 32 : index
    %get3A_673 = vector.load %arg6[%get3A_671, %get3A_672] : memref<32x33xf32, #tpu.memory_space<vmem>>, vector<32x1xf32>
    %add3A_674 = vector.broadcast %get3A_673 : vector<32x1xf32> to vector<32x1024xf32>
    %add3A_675 = arith.addf %slice3A_670, %add3A_674 : vector<32x1024xf32>
    %max3A_676 = arith.constant 0.000000e+00 : f32
    %max3A_677 = vector.broadcast %max3A_676 : f32 to vector<32x1024xf32>
    %max3A_678 = arith.maximumf %add3A_675, %max3A_677 : vector<32x1024xf32>
    %abs3A_679 = math.absf %add3A_675 : vector<32x1024xf32>
    %neg3A_680 = arith.constant 0.000000e+00 : f32
    %neg3A_681 = vector.broadcast %neg3A_680 : f32 to vector<32x1024xf32>
    %neg3A_682 = arith.subf %neg3A_681, %abs3A_679 : vector<32x1024xf32>
    %exp3A_683 = math.exp %neg3A_682 : vector<32x1024xf32>
    %log1p3A_684 = math.log1p %exp3A_683 : vector<32x1024xf32>
    %add3A_685 = arith.addf %max3A_678, %log1p3A_684 : vector<32x1024xf32>
    %add3A_686 = arith.constant 1.1920929E-7 : f32
    %add3A_687 = vector.broadcast %add3A_686 : f32 to vector<32x1024xf32>
    %add3A_688 = arith.addf %add3A_685, %add3A_687 : vector<32x1024xf32>
    %slice3A_689 = vector.extract_strided_slice %dot_general3A_66 {offsets = [0, 0], sizes = [32, 1024], strides = [1, 1]} : vector<1024x1024xf32> to vector<32x1024xf32>
    %get3A_690 = arith.constant 0 : index
    %get3A_691 = arith.constant 0 : index
    %get3A_692 = vector.load %arg12[%get3A_690, %get3A_691] : memref<32x32xf32, #tpu.memory_space<vmem>>, vector<32x1xf32>
    %add3A_693 = vector.broadcast %get3A_692 : vector<32x1xf32> to vector<32x1024xf32>
    %add3A_694 = arith.addf %slice3A_689, %add3A_693 : vector<32x1024xf32>
    %slice3A_695 = vector.extract_strided_slice %dot_general3A_66 {offsets = [32, 0], sizes = [32, 1024], strides = [1, 1]} : vector<1024x1024xf32> to vector<32x1024xf32>
    %get3A_696 = arith.constant 0 : index
    %get3A_697 = arith.constant 1 : index
    %get3A_698 = vector.load %arg12[%get3A_696, %get3A_697] : memref<32x32xf32, #tpu.memory_space<vmem>>, vector<32x1xf32>
    %add3A_699 = vector.broadcast %get3A_698 : vector<32x1xf32> to vector<32x1024xf32>
    %add3A_700 = arith.addf %slice3A_695, %add3A_699 : vector<32x1024xf32>
    %slice3A_701 = vector.extract_strided_slice %dot_general3A_66 {offsets = [64, 0], sizes = [32, 1024], strides = [1, 1]} : vector<1024x1024xf32> to vector<32x1024xf32>
    %get3A_702 = arith.constant 0 : index
    %get3A_703 = arith.constant 2 : index
    %get3A_704 = vector.load %arg12[%get3A_702, %get3A_703] : memref<32x32xf32, #tpu.memory_space<vmem>>, vector<32x1xf32>
    %add3A_705 = vector.broadcast %get3A_704 : vector<32x1xf32> to vector<32x1024xf32>
    %add3A_706 = arith.addf %slice3A_701, %add3A_705 : vector<32x1024xf32>
    %slice3A_707 = vector.extract_strided_slice %dot_general3A_66 {offsets = [96, 0], sizes = [32, 1024], strides = [1, 1]} : vector<1024x1024xf32> to vector<32x1024xf32>
    %get3A_708 = arith.constant 0 : index
    %get3A_709 = arith.constant 3 : index
    %get3A_710 = vector.load %arg12[%get3A_708, %get3A_709] : memref<32x32xf32, #tpu.memory_space<vmem>>, vector<32x1xf32>
    %add3A_711 = vector.broadcast %get3A_710 : vector<32x1xf32> to vector<32x1024xf32>
    %add3A_712 = arith.addf %slice3A_707, %add3A_711 : vector<32x1024xf32>
    %slice3A_713 = vector.extract_strided_slice %dot_general3A_66 {offsets = [128, 0], sizes = [32, 1024], strides = [1, 1]} : vector<1024x1024xf32> to vector<32x1024xf32>
    %get3A_714 = arith.constant 0 : index
    %get3A_715 = arith.constant 4 : index
    %get3A_716 = vector.load %arg12[%get3A_714, %get3A_715] : memref<32x32xf32, #tpu.memory_space<vmem>>, vector<32x1xf32>
    %add3A_717 = vector.broadcast %get3A_716 : vector<32x1xf32> to vector<32x1024xf32>
    %add3A_718 = arith.addf %slice3A_713, %add3A_717 : vector<32x1024xf32>
    %slice3A_719 = vector.extract_strided_slice %dot_general3A_66 {offsets = [160, 0], sizes = [32, 1024], strides = [1, 1]} : vector<1024x1024xf32> to vector<32x1024xf32>
    %get3A_720 = arith.constant 0 : index
    %get3A_721 = arith.constant 5 : index
    %get3A_722 = vector.load %arg12[%get3A_720, %get3A_721] : memref<32x32xf32, #tpu.memory_space<vmem>>, vector<32x1xf32>
    %add3A_723 = vector.broadcast %get3A_722 : vector<32x1xf32> to vector<32x1024xf32>
    %add3A_724 = arith.addf %slice3A_719, %add3A_723 : vector<32x1024xf32>
    %slice3A_725 = vector.extract_strided_slice %dot_general3A_66 {offsets = [192, 0], sizes = [32, 1024], strides = [1, 1]} : vector<1024x1024xf32> to vector<32x1024xf32>
    %get3A_726 = arith.constant 0 : index
    %get3A_727 = arith.constant 6 : index
    %get3A_728 = vector.load %arg12[%get3A_726, %get3A_727] : memref<32x32xf32, #tpu.memory_space<vmem>>, vector<32x1xf32>
    %add3A_729 = vector.broadcast %get3A_728 : vector<32x1xf32> to vector<32x1024xf32>
    %add3A_730 = arith.addf %slice3A_725, %add3A_729 : vector<32x1024xf32>
    %slice3A_731 = vector.extract_strided_slice %dot_general3A_66 {offsets = [224, 0], sizes = [32, 1024], strides = [1, 1]} : vector<1024x1024xf32> to vector<32x1024xf32>
    %get3A_732 = arith.constant 0 : index
    %get3A_733 = arith.constant 7 : index
    %get3A_734 = vector.load %arg12[%get3A_732, %get3A_733] : memref<32x32xf32, #tpu.memory_space<vmem>>, vector<32x1xf32>
    %add3A_735 = vector.broadcast %get3A_734 : vector<32x1xf32> to vector<32x1024xf32>
    %add3A_736 = arith.addf %slice3A_731, %add3A_735 : vector<32x1024xf32>
    %slice3A_737 = vector.extract_strided_slice %dot_general3A_66 {offsets = [256, 0], sizes = [32, 1024], strides = [1, 1]} : vector<1024x1024xf32> to vector<32x1024xf32>
    %get3A_738 = arith.constant 0 : index
    %get3A_739 = arith.constant 8 : index
    %get3A_740 = vector.load %arg12[%get3A_738, %get3A_739] : memref<32x32xf32, #tpu.memory_space<vmem>>, vector<32x1xf32>
    %add3A_741 = vector.broadcast %get3A_740 : vector<32x1xf32> to vector<32x1024xf32>
    %add3A_742 = arith.addf %slice3A_737, %add3A_741 : vector<32x1024xf32>
    %slice3A_743 = vector.extract_strided_slice %dot_general3A_66 {offsets = [288, 0], sizes = [32, 1024], strides = [1, 1]} : vector<1024x1024xf32> to vector<32x1024xf32>
    %get3A_744 = arith.constant 0 : index
    %get3A_745 = arith.constant 9 : index
    %get3A_746 = vector.load %arg12[%get3A_744, %get3A_745] : memref<32x32xf32, #tpu.memory_space<vmem>>, vector<32x1xf32>
    %add3A_747 = vector.broadcast %get3A_746 : vector<32x1xf32> to vector<32x1024xf32>
    %add3A_748 = arith.addf %slice3A_743, %add3A_747 : vector<32x1024xf32>
    %slice3A_749 = vector.extract_strided_slice %dot_general3A_66 {offsets = [320, 0], sizes = [32, 1024], strides = [1, 1]} : vector<1024x1024xf32> to vector<32x1024xf32>
    %get3A_750 = arith.constant 0 : index
    %get3A_751 = arith.constant 10 : index
    %get3A_752 = vector.load %arg12[%get3A_750, %get3A_751] : memref<32x32xf32, #tpu.memory_space<vmem>>, vector<32x1xf32>
    %add3A_753 = vector.broadcast %get3A_752 : vector<32x1xf32> to vector<32x1024xf32>
    %add3A_754 = arith.addf %slice3A_749, %add3A_753 : vector<32x1024xf32>
    %slice3A_755 = vector.extract_strided_slice %dot_general3A_66 {offsets = [352, 0], sizes = [32, 1024], strides = [1, 1]} : vector<1024x1024xf32> to vector<32x1024xf32>
    %get3A_756 = arith.constant 0 : index
    %get3A_757 = arith.constant 11 : index
    %get3A_758 = vector.load %arg12[%get3A_756, %get3A_757] : memref<32x32xf32, #tpu.memory_space<vmem>>, vector<32x1xf32>
    %add3A_759 = vector.broadcast %get3A_758 : vector<32x1xf32> to vector<32x1024xf32>
    %add3A_760 = arith.addf %slice3A_755, %add3A_759 : vector<32x1024xf32>
    %slice3A_761 = vector.extract_strided_slice %dot_general3A_66 {offsets = [384, 0], sizes = [32, 1024], strides = [1, 1]} : vector<1024x1024xf32> to vector<32x1024xf32>
    %get3A_762 = arith.constant 0 : index
    %get3A_763 = arith.constant 12 : index
    %get3A_764 = vector.load %arg12[%get3A_762, %get3A_763] : memref<32x32xf32, #tpu.memory_space<vmem>>, vector<32x1xf32>
    %add3A_765 = vector.broadcast %get3A_764 : vector<32x1xf32> to vector<32x1024xf32>
    %add3A_766 = arith.addf %slice3A_761, %add3A_765 : vector<32x1024xf32>
    %slice3A_767 = vector.extract_strided_slice %dot_general3A_66 {offsets = [416, 0], sizes = [32, 1024], strides = [1, 1]} : vector<1024x1024xf32> to vector<32x1024xf32>
    %get3A_768 = arith.constant 0 : index
    %get3A_769 = arith.constant 13 : index
    %get3A_770 = vector.load %arg12[%get3A_768, %get3A_769] : memref<32x32xf32, #tpu.memory_space<vmem>>, vector<32x1xf32>
    %add3A_771 = vector.broadcast %get3A_770 : vector<32x1xf32> to vector<32x1024xf32>
    %add3A_772 = arith.addf %slice3A_767, %add3A_771 : vector<32x1024xf32>
    %slice3A_773 = vector.extract_strided_slice %dot_general3A_66 {offsets = [448, 0], sizes = [32, 1024], strides = [1, 1]} : vector<1024x1024xf32> to vector<32x1024xf32>
    %get3A_774 = arith.constant 0 : index
    %get3A_775 = arith.constant 14 : index
    %get3A_776 = vector.load %arg12[%get3A_774, %get3A_775] : memref<32x32xf32, #tpu.memory_space<vmem>>, vector<32x1xf32>
    %add3A_777 = vector.broadcast %get3A_776 : vector<32x1xf32> to vector<32x1024xf32>
    %add3A_778 = arith.addf %slice3A_773, %add3A_777 : vector<32x1024xf32>
    %slice3A_779 = vector.extract_strided_slice %dot_general3A_66 {offsets = [480, 0], sizes = [32, 1024], strides = [1, 1]} : vector<1024x1024xf32> to vector<32x1024xf32>
    %get3A_780 = arith.constant 0 : index
    %get3A_781 = arith.constant 15 : index
    %get3A_782 = vector.load %arg12[%get3A_780, %get3A_781] : memref<32x32xf32, #tpu.memory_space<vmem>>, vector<32x1xf32>
    %add3A_783 = vector.broadcast %get3A_782 : vector<32x1xf32> to vector<32x1024xf32>
    %add3A_784 = arith.addf %slice3A_779, %add3A_783 : vector<32x1024xf32>
    %slice3A_785 = vector.extract_strided_slice %dot_general3A_66 {offsets = [512, 0], sizes = [32, 1024], strides = [1, 1]} : vector<1024x1024xf32> to vector<32x1024xf32>
    %get3A_786 = arith.constant 0 : index
    %get3A_787 = arith.constant 16 : index
    %get3A_788 = vector.load %arg12[%get3A_786, %get3A_787] : memref<32x32xf32, #tpu.memory_space<vmem>>, vector<32x1xf32>
    %add3A_789 = vector.broadcast %get3A_788 : vector<32x1xf32> to vector<32x1024xf32>
    %add3A_790 = arith.addf %slice3A_785, %add3A_789 : vector<32x1024xf32>
    %slice3A_791 = vector.extract_strided_slice %dot_general3A_66 {offsets = [544, 0], sizes = [32, 1024], strides = [1, 1]} : vector<1024x1024xf32> to vector<32x1024xf32>
    %get3A_792 = arith.constant 0 : index
    %get3A_793 = arith.constant 17 : index
    %get3A_794 = vector.load %arg12[%get3A_792, %get3A_793] : memref<32x32xf32, #tpu.memory_space<vmem>>, vector<32x1xf32>
    %add3A_795 = vector.broadcast %get3A_794 : vector<32x1xf32> to vector<32x1024xf32>
    %add3A_796 = arith.addf %slice3A_791, %add3A_795 : vector<32x1024xf32>
    %slice3A_797 = vector.extract_strided_slice %dot_general3A_66 {offsets = [576, 0], sizes = [32, 1024], strides = [1, 1]} : vector<1024x1024xf32> to vector<32x1024xf32>
    %get3A_798 = arith.constant 0 : index
    %get3A_799 = arith.constant 18 : index
    %get3A_800 = vector.load %arg12[%get3A_798, %get3A_799] : memref<32x32xf32, #tpu.memory_space<vmem>>, vector<32x1xf32>
    %add3A_801 = vector.broadcast %get3A_800 : vector<32x1xf32> to vector<32x1024xf32>
    %add3A_802 = arith.addf %slice3A_797, %add3A_801 : vector<32x1024xf32>
    %slice3A_803 = vector.extract_strided_slice %dot_general3A_66 {offsets = [608, 0], sizes = [32, 1024], strides = [1, 1]} : vector<1024x1024xf32> to vector<32x1024xf32>
    %get3A_804 = arith.constant 0 : index
    %get3A_805 = arith.constant 19 : index
    %get3A_806 = vector.load %arg12[%get3A_804, %get3A_805] : memref<32x32xf32, #tpu.memory_space<vmem>>, vector<32x1xf32>
    %add3A_807 = vector.broadcast %get3A_806 : vector<32x1xf32> to vector<32x1024xf32>
    %add3A_808 = arith.addf %slice3A_803, %add3A_807 : vector<32x1024xf32>
    %slice3A_809 = vector.extract_strided_slice %dot_general3A_66 {offsets = [640, 0], sizes = [32, 1024], strides = [1, 1]} : vector<1024x1024xf32> to vector<32x1024xf32>
    %get3A_810 = arith.constant 0 : index
    %get3A_811 = arith.constant 20 : index
    %get3A_812 = vector.load %arg12[%get3A_810, %get3A_811] : memref<32x32xf32, #tpu.memory_space<vmem>>, vector<32x1xf32>
    %add3A_813 = vector.broadcast %get3A_812 : vector<32x1xf32> to vector<32x1024xf32>
    %add3A_814 = arith.addf %slice3A_809, %add3A_813 : vector<32x1024xf32>
    %slice3A_815 = vector.extract_strided_slice %dot_general3A_66 {offsets = [672, 0], sizes = [32, 1024], strides = [1, 1]} : vector<1024x1024xf32> to vector<32x1024xf32>
    %get3A_816 = arith.constant 0 : index
    %get3A_817 = arith.constant 21 : index
    %get3A_818 = vector.load %arg12[%get3A_816, %get3A_817] : memref<32x32xf32, #tpu.memory_space<vmem>>, vector<32x1xf32>
    %add3A_819 = vector.broadcast %get3A_818 : vector<32x1xf32> to vector<32x1024xf32>
    %add3A_820 = arith.addf %slice3A_815, %add3A_819 : vector<32x1024xf32>
    %slice3A_821 = vector.extract_strided_slice %dot_general3A_66 {offsets = [704, 0], sizes = [32, 1024], strides = [1, 1]} : vector<1024x1024xf32> to vector<32x1024xf32>
    %get3A_822 = arith.constant 0 : index
    %get3A_823 = arith.constant 22 : index
    %get3A_824 = vector.load %arg12[%get3A_822, %get3A_823] : memref<32x32xf32, #tpu.memory_space<vmem>>, vector<32x1xf32>
    %add3A_825 = vector.broadcast %get3A_824 : vector<32x1xf32> to vector<32x1024xf32>
    %add3A_826 = arith.addf %slice3A_821, %add3A_825 : vector<32x1024xf32>
    %slice3A_827 = vector.extract_strided_slice %dot_general3A_66 {offsets = [736, 0], sizes = [32, 1024], strides = [1, 1]} : vector<1024x1024xf32> to vector<32x1024xf32>
    %get3A_828 = arith.constant 0 : index
    %get3A_829 = arith.constant 23 : index
    %get3A_830 = vector.load %arg12[%get3A_828, %get3A_829] : memref<32x32xf32, #tpu.memory_space<vmem>>, vector<32x1xf32>
    %add3A_831 = vector.broadcast %get3A_830 : vector<32x1xf32> to vector<32x1024xf32>
    %add3A_832 = arith.addf %slice3A_827, %add3A_831 : vector<32x1024xf32>
    %slice3A_833 = vector.extract_strided_slice %dot_general3A_66 {offsets = [768, 0], sizes = [32, 1024], strides = [1, 1]} : vector<1024x1024xf32> to vector<32x1024xf32>
    %get3A_834 = arith.constant 0 : index
    %get3A_835 = arith.constant 24 : index
    %get3A_836 = vector.load %arg12[%get3A_834, %get3A_835] : memref<32x32xf32, #tpu.memory_space<vmem>>, vector<32x1xf32>
    %add3A_837 = vector.broadcast %get3A_836 : vector<32x1xf32> to vector<32x1024xf32>
    %add3A_838 = arith.addf %slice3A_833, %add3A_837 : vector<32x1024xf32>
    %slice3A_839 = vector.extract_strided_slice %dot_general3A_66 {offsets = [800, 0], sizes = [32, 1024], strides = [1, 1]} : vector<1024x1024xf32> to vector<32x1024xf32>
    %get3A_840 = arith.constant 0 : index
    %get3A_841 = arith.constant 25 : index
    %get3A_842 = vector.load %arg12[%get3A_840, %get3A_841] : memref<32x32xf32, #tpu.memory_space<vmem>>, vector<32x1xf32>
    %add3A_843 = vector.broadcast %get3A_842 : vector<32x1xf32> to vector<32x1024xf32>
    %add3A_844 = arith.addf %slice3A_839, %add3A_843 : vector<32x1024xf32>
    %slice3A_845 = vector.extract_strided_slice %dot_general3A_66 {offsets = [832, 0], sizes = [32, 1024], strides = [1, 1]} : vector<1024x1024xf32> to vector<32x1024xf32>
    %get3A_846 = arith.constant 0 : index
    %get3A_847 = arith.constant 26 : index
    %get3A_848 = vector.load %arg12[%get3A_846, %get3A_847] : memref<32x32xf32, #tpu.memory_space<vmem>>, vector<32x1xf32>
    %add3A_849 = vector.broadcast %get3A_848 : vector<32x1xf32> to vector<32x1024xf32>
    %add3A_850 = arith.addf %slice3A_845, %add3A_849 : vector<32x1024xf32>
    %slice3A_851 = vector.extract_strided_slice %dot_general3A_66 {offsets = [864, 0], sizes = [32, 1024], strides = [1, 1]} : vector<1024x1024xf32> to vector<32x1024xf32>
    %get3A_852 = arith.constant 0 : index
    %get3A_853 = arith.constant 27 : index
    %get3A_854 = vector.load %arg12[%get3A_852, %get3A_853] : memref<32x32xf32, #tpu.memory_space<vmem>>, vector<32x1xf32>
    %add3A_855 = vector.broadcast %get3A_854 : vector<32x1xf32> to vector<32x1024xf32>
    %add3A_856 = arith.addf %slice3A_851, %add3A_855 : vector<32x1024xf32>
    %slice3A_857 = vector.extract_strided_slice %dot_general3A_66 {offsets = [896, 0], sizes = [32, 1024], strides = [1, 1]} : vector<1024x1024xf32> to vector<32x1024xf32>
    %get3A_858 = arith.constant 0 : index
    %get3A_859 = arith.constant 28 : index
    %get3A_860 = vector.load %arg12[%get3A_858, %get3A_859] : memref<32x32xf32, #tpu.memory_space<vmem>>, vector<32x1xf32>
    %add3A_861 = vector.broadcast %get3A_860 : vector<32x1xf32> to vector<32x1024xf32>
    %add3A_862 = arith.addf %slice3A_857, %add3A_861 : vector<32x1024xf32>
    %slice3A_863 = vector.extract_strided_slice %dot_general3A_66 {offsets = [928, 0], sizes = [32, 1024], strides = [1, 1]} : vector<1024x1024xf32> to vector<32x1024xf32>
    %get3A_864 = arith.constant 0 : index
    %get3A_865 = arith.constant 29 : index
    %get3A_866 = vector.load %arg12[%get3A_864, %get3A_865] : memref<32x32xf32, #tpu.memory_space<vmem>>, vector<32x1xf32>
    %add3A_867 = vector.broadcast %get3A_866 : vector<32x1xf32> to vector<32x1024xf32>
    %add3A_868 = arith.addf %slice3A_863, %add3A_867 : vector<32x1024xf32>
    %slice3A_869 = vector.extract_strided_slice %dot_general3A_66 {offsets = [960, 0], sizes = [32, 1024], strides = [1, 1]} : vector<1024x1024xf32> to vector<32x1024xf32>
    %get3A_870 = arith.constant 0 : index
    %get3A_871 = arith.constant 30 : index
    %get3A_872 = vector.load %arg12[%get3A_870, %get3A_871] : memref<32x32xf32, #tpu.memory_space<vmem>>, vector<32x1xf32>
    %add3A_873 = vector.broadcast %get3A_872 : vector<32x1xf32> to vector<32x1024xf32>
    %add3A_874 = arith.addf %slice3A_869, %add3A_873 : vector<32x1024xf32>
    %slice3A_875 = vector.extract_strided_slice %dot_general3A_66 {offsets = [992, 0], sizes = [32, 1024], strides = [1, 1]} : vector<1024x1024xf32> to vector<32x1024xf32>
    %get3A_876 = arith.constant 0 : index
    %get3A_877 = arith.constant 31 : index
    %get3A_878 = vector.load %arg12[%get3A_876, %get3A_877] : memref<32x32xf32, #tpu.memory_space<vmem>>, vector<32x1xf32>
    %add3A_879 = vector.broadcast %get3A_878 : vector<32x1xf32> to vector<32x1024xf32>
    %add3A_880 = arith.addf %slice3A_875, %add3A_879 : vector<32x1024xf32>
    %max3A_881 = arith.maximumf %add3A_694, %add3A_700 : vector<32x1024xf32>
    %max3A_882 = arith.maximumf %max3A_881, %add3A_706 : vector<32x1024xf32>
    %max3A_883 = arith.maximumf %max3A_882, %add3A_712 : vector<32x1024xf32>
    %max3A_884 = arith.maximumf %max3A_883, %add3A_718 : vector<32x1024xf32>
    %max3A_885 = arith.maximumf %max3A_884, %add3A_724 : vector<32x1024xf32>
    %max3A_886 = arith.maximumf %max3A_885, %add3A_730 : vector<32x1024xf32>
    %max3A_887 = arith.maximumf %max3A_886, %add3A_736 : vector<32x1024xf32>
    %max3A_888 = arith.maximumf %max3A_887, %add3A_742 : vector<32x1024xf32>
    %max3A_889 = arith.maximumf %max3A_888, %add3A_748 : vector<32x1024xf32>
    %max3A_890 = arith.maximumf %max3A_889, %add3A_754 : vector<32x1024xf32>
    %max3A_891 = arith.maximumf %max3A_890, %add3A_760 : vector<32x1024xf32>
    %max3A_892 = arith.maximumf %max3A_891, %add3A_766 : vector<32x1024xf32>
    %max3A_893 = arith.maximumf %max3A_892, %add3A_772 : vector<32x1024xf32>
    %max3A_894 = arith.maximumf %max3A_893, %add3A_778 : vector<32x1024xf32>
    %max3A_895 = arith.maximumf %max3A_894, %add3A_784 : vector<32x1024xf32>
    %max3A_896 = arith.maximumf %max3A_895, %add3A_790 : vector<32x1024xf32>
    %max3A_897 = arith.maximumf %max3A_896, %add3A_796 : vector<32x1024xf32>
    %max3A_898 = arith.maximumf %max3A_897, %add3A_802 : vector<32x1024xf32>
    %max3A_899 = arith.maximumf %max3A_898, %add3A_808 : vector<32x1024xf32>
    %max3A_900 = arith.maximumf %max3A_899, %add3A_814 : vector<32x1024xf32>
    %max3A_901 = arith.maximumf %max3A_900, %add3A_820 : vector<32x1024xf32>
    %max3A_902 = arith.maximumf %max3A_901, %add3A_826 : vector<32x1024xf32>
    %max3A_903 = arith.maximumf %max3A_902, %add3A_832 : vector<32x1024xf32>
    %max3A_904 = arith.maximumf %max3A_903, %add3A_838 : vector<32x1024xf32>
    %max3A_905 = arith.maximumf %max3A_904, %add3A_844 : vector<32x1024xf32>
    %max3A_906 = arith.maximumf %max3A_905, %add3A_850 : vector<32x1024xf32>
    %max3A_907 = arith.maximumf %max3A_906, %add3A_856 : vector<32x1024xf32>
    %max3A_908 = arith.maximumf %max3A_907, %add3A_862 : vector<32x1024xf32>
    %max3A_909 = arith.maximumf %max3A_908, %add3A_868 : vector<32x1024xf32>
    %max3A_910 = arith.maximumf %max3A_909, %add3A_874 : vector<32x1024xf32>
    %max3A_911 = arith.maximumf %max3A_910, %add3A_880 : vector<32x1024xf32>
    %sub3A = arith.subf %add3A_694, %max3A_911 : vector<32x1024xf32>
    %exp3A_912 = math.exp %sub3A : vector<32x1024xf32>
    %sub3A_913 = arith.subf %add3A_700, %max3A_911 : vector<32x1024xf32>
    %exp3A_914 = math.exp %sub3A_913 : vector<32x1024xf32>
    %sub3A_915 = arith.subf %add3A_706, %max3A_911 : vector<32x1024xf32>
    %exp3A_916 = math.exp %sub3A_915 : vector<32x1024xf32>
    %sub3A_917 = arith.subf %add3A_712, %max3A_911 : vector<32x1024xf32>
    %exp3A_918 = math.exp %sub3A_917 : vector<32x1024xf32>
    %sub3A_919 = arith.subf %add3A_718, %max3A_911 : vector<32x1024xf32>
    %exp3A_920 = math.exp %sub3A_919 : vector<32x1024xf32>
    %sub3A_921 = arith.subf %add3A_724, %max3A_911 : vector<32x1024xf32>
    %exp3A_922 = math.exp %sub3A_921 : vector<32x1024xf32>
    %sub3A_923 = arith.subf %add3A_730, %max3A_911 : vector<32x1024xf32>
    %exp3A_924 = math.exp %sub3A_923 : vector<32x1024xf32>
    %sub3A_925 = arith.subf %add3A_736, %max3A_911 : vector<32x1024xf32>
    %exp3A_926 = math.exp %sub3A_925 : vector<32x1024xf32>
    %sub3A_927 = arith.subf %add3A_742, %max3A_911 : vector<32x1024xf32>
    %exp3A_928 = math.exp %sub3A_927 : vector<32x1024xf32>
    %sub3A_929 = arith.subf %add3A_748, %max3A_911 : vector<32x1024xf32>
    %exp3A_930 = math.exp %sub3A_929 : vector<32x1024xf32>
    %sub3A_931 = arith.subf %add3A_754, %max3A_911 : vector<32x1024xf32>
    %exp3A_932 = math.exp %sub3A_931 : vector<32x1024xf32>
    %sub3A_933 = arith.subf %add3A_760, %max3A_911 : vector<32x1024xf32>
    %exp3A_934 = math.exp %sub3A_933 : vector<32x1024xf32>
    %sub3A_935 = arith.subf %add3A_766, %max3A_911 : vector<32x1024xf32>
    %exp3A_936 = math.exp %sub3A_935 : vector<32x1024xf32>
    %sub3A_937 = arith.subf %add3A_772, %max3A_911 : vector<32x1024xf32>
    %exp3A_938 = math.exp %sub3A_937 : vector<32x1024xf32>
    %sub3A_939 = arith.subf %add3A_778, %max3A_911 : vector<32x1024xf32>
    %exp3A_940 = math.exp %sub3A_939 : vector<32x1024xf32>
    %sub3A_941 = arith.subf %add3A_784, %max3A_911 : vector<32x1024xf32>
    %exp3A_942 = math.exp %sub3A_941 : vector<32x1024xf32>
    %sub3A_943 = arith.subf %add3A_790, %max3A_911 : vector<32x1024xf32>
    %exp3A_944 = math.exp %sub3A_943 : vector<32x1024xf32>
    %sub3A_945 = arith.subf %add3A_796, %max3A_911 : vector<32x1024xf32>
    %exp3A_946 = math.exp %sub3A_945 : vector<32x1024xf32>
    %sub3A_947 = arith.subf %add3A_802, %max3A_911 : vector<32x1024xf32>
    %exp3A_948 = math.exp %sub3A_947 : vector<32x1024xf32>
    %sub3A_949 = arith.subf %add3A_808, %max3A_911 : vector<32x1024xf32>
    %exp3A_950 = math.exp %sub3A_949 : vector<32x1024xf32>
    %sub3A_951 = arith.subf %add3A_814, %max3A_911 : vector<32x1024xf32>
    %exp3A_952 = math.exp %sub3A_951 : vector<32x1024xf32>
    %sub3A_953 = arith.subf %add3A_820, %max3A_911 : vector<32x1024xf32>
    %exp3A_954 = math.exp %sub3A_953 : vector<32x1024xf32>
    %sub3A_955 = arith.subf %add3A_826, %max3A_911 : vector<32x1024xf32>
    %exp3A_956 = math.exp %sub3A_955 : vector<32x1024xf32>
    %sub3A_957 = arith.subf %add3A_832, %max3A_911 : vector<32x1024xf32>
    %exp3A_958 = math.exp %sub3A_957 : vector<32x1024xf32>
    %sub3A_959 = arith.subf %add3A_838, %max3A_911 : vector<32x1024xf32>
    %exp3A_960 = math.exp %sub3A_959 : vector<32x1024xf32>
    %sub3A_961 = arith.subf %add3A_844, %max3A_911 : vector<32x1024xf32>
    %exp3A_962 = math.exp %sub3A_961 : vector<32x1024xf32>
    %sub3A_963 = arith.subf %add3A_850, %max3A_911 : vector<32x1024xf32>
    %exp3A_964 = math.exp %sub3A_963 : vector<32x1024xf32>
    %sub3A_965 = arith.subf %add3A_856, %max3A_911 : vector<32x1024xf32>
    %exp3A_966 = math.exp %sub3A_965 : vector<32x1024xf32>
    %sub3A_967 = arith.subf %add3A_862, %max3A_911 : vector<32x1024xf32>
    %exp3A_968 = math.exp %sub3A_967 : vector<32x1024xf32>
    %sub3A_969 = arith.subf %add3A_868, %max3A_911 : vector<32x1024xf32>
    %exp3A_970 = math.exp %sub3A_969 : vector<32x1024xf32>
    %sub3A_971 = arith.subf %add3A_874, %max3A_911 : vector<32x1024xf32>
    %exp3A_972 = math.exp %sub3A_971 : vector<32x1024xf32>
    %sub3A_973 = arith.subf %add3A_880, %max3A_911 : vector<32x1024xf32>
    %exp3A_974 = math.exp %sub3A_973 : vector<32x1024xf32>
    %add3A_975 = arith.addf %exp3A_912, %exp3A_914 : vector<32x1024xf32>
    %add3A_976 = arith.addf %add3A_975, %exp3A_916 : vector<32x1024xf32>
    %add3A_977 = arith.addf %add3A_976, %exp3A_918 : vector<32x1024xf32>
    %add3A_978 = arith.addf %add3A_977, %exp3A_920 : vector<32x1024xf32>
    %add3A_979 = arith.addf %add3A_978, %exp3A_922 : vector<32x1024xf32>
    %add3A_980 = arith.addf %add3A_979, %exp3A_924 : vector<32x1024xf32>
    %add3A_981 = arith.addf %add3A_980, %exp3A_926 : vector<32x1024xf32>
    %add3A_982 = arith.addf %add3A_981, %exp3A_928 : vector<32x1024xf32>
    %add3A_983 = arith.addf %add3A_982, %exp3A_930 : vector<32x1024xf32>
    %add3A_984 = arith.addf %add3A_983, %exp3A_932 : vector<32x1024xf32>
    %add3A_985 = arith.addf %add3A_984, %exp3A_934 : vector<32x1024xf32>
    %add3A_986 = arith.addf %add3A_985, %exp3A_936 : vector<32x1024xf32>
    %add3A_987 = arith.addf %add3A_986, %exp3A_938 : vector<32x1024xf32>
    %add3A_988 = arith.addf %add3A_987, %exp3A_940 : vector<32x1024xf32>
    %add3A_989 = arith.addf %add3A_988, %exp3A_942 : vector<32x1024xf32>
    %add3A_990 = arith.addf %add3A_989, %exp3A_944 : vector<32x1024xf32>
    %add3A_991 = arith.addf %add3A_990, %exp3A_946 : vector<32x1024xf32>
    %add3A_992 = arith.addf %add3A_991, %exp3A_948 : vector<32x1024xf32>
    %add3A_993 = arith.addf %add3A_992, %exp3A_950 : vector<32x1024xf32>
    %add3A_994 = arith.addf %add3A_993, %exp3A_952 : vector<32x1024xf32>
    %add3A_995 = arith.addf %add3A_994, %exp3A_954 : vector<32x1024xf32>
    %add3A_996 = arith.addf %add3A_995, %exp3A_956 : vector<32x1024xf32>
    %add3A_997 = arith.addf %add3A_996, %exp3A_958 : vector<32x1024xf32>
    %add3A_998 = arith.addf %add3A_997, %exp3A_960 : vector<32x1024xf32>
    %add3A_999 = arith.addf %add3A_998, %exp3A_962 : vector<32x1024xf32>
    %add3A_1000 = arith.addf %add3A_999, %exp3A_964 : vector<32x1024xf32>
    %add3A_1001 = arith.addf %add3A_1000, %exp3A_966 : vector<32x1024xf32>
    %add3A_1002 = arith.addf %add3A_1001, %exp3A_968 : vector<32x1024xf32>
    %add3A_1003 = arith.addf %add3A_1002, %exp3A_970 : vector<32x1024xf32>
    %add3A_1004 = arith.addf %add3A_1003, %exp3A_972 : vector<32x1024xf32>
    %add3A_1005 = arith.addf %add3A_1004, %exp3A_974 : vector<32x1024xf32>
    %broadcast_in_dim3A = arith.constant 0.000000e+00 : f32
    %broadcast_in_dim3A_1006 = vector.broadcast %broadcast_in_dim3A : f32 to vector<32x1024xf32>
    %add3A_1007 = arith.addf %exp3A_912, %exp3A_914 : vector<32x1024xf32>
    %add3A_1008 = arith.addf %add3A_1007, %exp3A_916 : vector<32x1024xf32>
    %add3A_1009 = arith.addf %add3A_1008, %exp3A_918 : vector<32x1024xf32>
    %add3A_1010 = arith.addf %add3A_1009, %exp3A_920 : vector<32x1024xf32>
    %add3A_1011 = arith.addf %add3A_1010, %exp3A_922 : vector<32x1024xf32>
    %add3A_1012 = arith.addf %add3A_1011, %exp3A_924 : vector<32x1024xf32>
    %add3A_1013 = arith.addf %add3A_1012, %exp3A_926 : vector<32x1024xf32>
    %add3A_1014 = arith.addf %add3A_1013, %exp3A_928 : vector<32x1024xf32>
    %add3A_1015 = arith.addf %add3A_1014, %exp3A_930 : vector<32x1024xf32>
    %add3A_1016 = arith.addf %add3A_1015, %exp3A_932 : vector<32x1024xf32>
    %add3A_1017 = arith.addf %add3A_1016, %exp3A_934 : vector<32x1024xf32>
    %add3A_1018 = arith.addf %add3A_1017, %exp3A_936 : vector<32x1024xf32>
    %add3A_1019 = arith.addf %add3A_1018, %exp3A_938 : vector<32x1024xf32>
    %add3A_1020 = arith.addf %add3A_1019, %exp3A_940 : vector<32x1024xf32>
    %add3A_1021 = arith.addf %add3A_1020, %exp3A_942 : vector<32x1024xf32>
    %add3A_1022 = arith.addf %add3A_1021, %exp3A_944 : vector<32x1024xf32>
    %add3A_1023 = arith.addf %add3A_1022, %exp3A_946 : vector<32x1024xf32>
    %add3A_1024 = arith.addf %add3A_1023, %exp3A_948 : vector<32x1024xf32>
    %add3A_1025 = arith.addf %add3A_1024, %exp3A_950 : vector<32x1024xf32>
    %add3A_1026 = arith.addf %add3A_1025, %exp3A_952 : vector<32x1024xf32>
    %add3A_1027 = arith.addf %add3A_1026, %exp3A_954 : vector<32x1024xf32>
    %add3A_1028 = arith.addf %add3A_1027, %exp3A_956 : vector<32x1024xf32>
    %add3A_1029 = arith.addf %add3A_1028, %exp3A_958 : vector<32x1024xf32>
    %add3A_1030 = arith.addf %add3A_1029, %exp3A_960 : vector<32x1024xf32>
    %add3A_1031 = arith.addf %add3A_1030, %exp3A_962 : vector<32x1024xf32>
    %add3A_1032 = arith.addf %add3A_1031, %exp3A_964 : vector<32x1024xf32>
    %add3A_1033 = arith.addf %add3A_1032, %exp3A_966 : vector<32x1024xf32>
    %add3A_1034 = arith.addf %add3A_1033, %exp3A_968 : vector<32x1024xf32>
    %add3A_1035 = arith.addf %add3A_1034, %exp3A_970 : vector<32x1024xf32>
    %add3A_1036 = arith.addf %add3A_1035, %exp3A_972 : vector<32x1024xf32>
    %add3A_1037 = arith.addf %add3A_1036, %exp3A_974 : vector<32x1024xf32>
    %add3A_1038 = arith.addf %add3A_80, %add3A_99 : vector<32x1024xf32>
    %mul3A = arith.mulf %add3A_1038, %exp3A_912 : vector<32x1024xf32>
    %add3A_1039 = arith.addf %add3A_99, %add3A_118 : vector<32x1024xf32>
    %mul3A_1040 = arith.mulf %add3A_1039, %exp3A_914 : vector<32x1024xf32>
    %add3A_1041 = arith.addf %add3A_118, %add3A_137 : vector<32x1024xf32>
    %mul3A_1042 = arith.mulf %add3A_1041, %exp3A_916 : vector<32x1024xf32>
    %add3A_1043 = arith.addf %add3A_137, %add3A_156 : vector<32x1024xf32>
    %mul3A_1044 = arith.mulf %add3A_1043, %exp3A_918 : vector<32x1024xf32>
    %add3A_1045 = arith.addf %add3A_156, %add3A_175 : vector<32x1024xf32>
    %mul3A_1046 = arith.mulf %add3A_1045, %exp3A_920 : vector<32x1024xf32>
    %add3A_1047 = arith.addf %add3A_175, %add3A_194 : vector<32x1024xf32>
    %mul3A_1048 = arith.mulf %add3A_1047, %exp3A_922 : vector<32x1024xf32>
    %add3A_1049 = arith.addf %add3A_194, %add3A_213 : vector<32x1024xf32>
    %mul3A_1050 = arith.mulf %add3A_1049, %exp3A_924 : vector<32x1024xf32>
    %add3A_1051 = arith.addf %add3A_213, %add3A_232 : vector<32x1024xf32>
    %mul3A_1052 = arith.mulf %add3A_1051, %exp3A_926 : vector<32x1024xf32>
    %add3A_1053 = arith.addf %add3A_232, %add3A_251 : vector<32x1024xf32>
    %mul3A_1054 = arith.mulf %add3A_1053, %exp3A_928 : vector<32x1024xf32>
    %add3A_1055 = arith.addf %add3A_251, %add3A_270 : vector<32x1024xf32>
    %mul3A_1056 = arith.mulf %add3A_1055, %exp3A_930 : vector<32x1024xf32>
    %add3A_1057 = arith.addf %add3A_270, %add3A_289 : vector<32x1024xf32>
    %mul3A_1058 = arith.mulf %add3A_1057, %exp3A_932 : vector<32x1024xf32>
    %add3A_1059 = arith.addf %add3A_289, %add3A_308 : vector<32x1024xf32>
    %mul3A_1060 = arith.mulf %add3A_1059, %exp3A_934 : vector<32x1024xf32>
    %add3A_1061 = arith.addf %add3A_308, %add3A_327 : vector<32x1024xf32>
    %mul3A_1062 = arith.mulf %add3A_1061, %exp3A_936 : vector<32x1024xf32>
    %add3A_1063 = arith.addf %add3A_327, %add3A_346 : vector<32x1024xf32>
    %mul3A_1064 = arith.mulf %add3A_1063, %exp3A_938 : vector<32x1024xf32>
    %add3A_1065 = arith.addf %add3A_346, %add3A_365 : vector<32x1024xf32>
    %mul3A_1066 = arith.mulf %add3A_1065, %exp3A_940 : vector<32x1024xf32>
    %add3A_1067 = arith.addf %add3A_365, %add3A_384 : vector<32x1024xf32>
    %mul3A_1068 = arith.mulf %add3A_1067, %exp3A_942 : vector<32x1024xf32>
    %add3A_1069 = arith.addf %add3A_384, %add3A_403 : vector<32x1024xf32>
    %mul3A_1070 = arith.mulf %add3A_1069, %exp3A_944 : vector<32x1024xf32>
    %add3A_1071 = arith.addf %add3A_403, %add3A_422 : vector<32x1024xf32>
    %mul3A_1072 = arith.mulf %add3A_1071, %exp3A_946 : vector<32x1024xf32>
    %add3A_1073 = arith.addf %add3A_422, %add3A_441 : vector<32x1024xf32>
    %mul3A_1074 = arith.mulf %add3A_1073, %exp3A_948 : vector<32x1024xf32>
    %add3A_1075 = arith.addf %add3A_441, %add3A_460 : vector<32x1024xf32>
    %mul3A_1076 = arith.mulf %add3A_1075, %exp3A_950 : vector<32x1024xf32>
    %add3A_1077 = arith.addf %add3A_460, %add3A_479 : vector<32x1024xf32>
    %mul3A_1078 = arith.mulf %add3A_1077, %exp3A_952 : vector<32x1024xf32>
    %add3A_1079 = arith.addf %add3A_479, %add3A_498 : vector<32x1024xf32>
    %mul3A_1080 = arith.mulf %add3A_1079, %exp3A_954 : vector<32x1024xf32>
    %add3A_1081 = arith.addf %add3A_498, %add3A_517 : vector<32x1024xf32>
    %mul3A_1082 = arith.mulf %add3A_1081, %exp3A_956 : vector<32x1024xf32>
    %add3A_1083 = arith.addf %add3A_517, %add3A_536 : vector<32x1024xf32>
    %mul3A_1084 = arith.mulf %add3A_1083, %exp3A_958 : vector<32x1024xf32>
    %add3A_1085 = arith.addf %add3A_536, %add3A_555 : vector<32x1024xf32>
    %mul3A_1086 = arith.mulf %add3A_1085, %exp3A_960 : vector<32x1024xf32>
    %add3A_1087 = arith.addf %add3A_555, %add3A_574 : vector<32x1024xf32>
    %mul3A_1088 = arith.mulf %add3A_1087, %exp3A_962 : vector<32x1024xf32>
    %add3A_1089 = arith.addf %add3A_574, %add3A_593 : vector<32x1024xf32>
    %mul3A_1090 = arith.mulf %add3A_1089, %exp3A_964 : vector<32x1024xf32>
    %add3A_1091 = arith.addf %add3A_593, %add3A_612 : vector<32x1024xf32>
    %mul3A_1092 = arith.mulf %add3A_1091, %exp3A_966 : vector<32x1024xf32>
    %add3A_1093 = arith.addf %add3A_612, %add3A_631 : vector<32x1024xf32>
    %mul3A_1094 = arith.mulf %add3A_1093, %exp3A_968 : vector<32x1024xf32>
    %add3A_1095 = arith.addf %add3A_631, %add3A_650 : vector<32x1024xf32>
    %mul3A_1096 = arith.mulf %add3A_1095, %exp3A_970 : vector<32x1024xf32>
    %add3A_1097 = arith.addf %add3A_650, %add3A_669 : vector<32x1024xf32>
    %mul3A_1098 = arith.mulf %add3A_1097, %exp3A_972 : vector<32x1024xf32>
    %add3A_1099 = arith.addf %add3A_669, %add3A_688 : vector<32x1024xf32>
    %mul3A_1100 = arith.mulf %add3A_1099, %exp3A_974 : vector<32x1024xf32>
    %add3A_1101 = arith.addf %mul3A, %mul3A_1040 : vector<32x1024xf32>
    %add3A_1102 = arith.addf %add3A_1101, %mul3A_1042 : vector<32x1024xf32>
    %add3A_1103 = arith.addf %add3A_1102, %mul3A_1044 : vector<32x1024xf32>
    %add3A_1104 = arith.addf %add3A_1103, %mul3A_1046 : vector<32x1024xf32>
    %add3A_1105 = arith.addf %add3A_1104, %mul3A_1048 : vector<32x1024xf32>
    %add3A_1106 = arith.addf %add3A_1105, %mul3A_1050 : vector<32x1024xf32>
    %add3A_1107 = arith.addf %add3A_1106, %mul3A_1052 : vector<32x1024xf32>
    %add3A_1108 = arith.addf %add3A_1107, %mul3A_1054 : vector<32x1024xf32>
    %add3A_1109 = arith.addf %add3A_1108, %mul3A_1056 : vector<32x1024xf32>
    %add3A_1110 = arith.addf %add3A_1109, %mul3A_1058 : vector<32x1024xf32>
    %add3A_1111 = arith.addf %add3A_1110, %mul3A_1060 : vector<32x1024xf32>
    %add3A_1112 = arith.addf %add3A_1111, %mul3A_1062 : vector<32x1024xf32>
    %add3A_1113 = arith.addf %add3A_1112, %mul3A_1064 : vector<32x1024xf32>
    %add3A_1114 = arith.addf %add3A_1113, %mul3A_1066 : vector<32x1024xf32>
    %add3A_1115 = arith.addf %add3A_1114, %mul3A_1068 : vector<32x1024xf32>
    %add3A_1116 = arith.addf %add3A_1115, %mul3A_1070 : vector<32x1024xf32>
    %add3A_1117 = arith.addf %add3A_1116, %mul3A_1072 : vector<32x1024xf32>
    %add3A_1118 = arith.addf %add3A_1117, %mul3A_1074 : vector<32x1024xf32>
    %add3A_1119 = arith.addf %add3A_1118, %mul3A_1076 : vector<32x1024xf32>
    %add3A_1120 = arith.addf %add3A_1119, %mul3A_1078 : vector<32x1024xf32>
    %add3A_1121 = arith.addf %add3A_1120, %mul3A_1080 : vector<32x1024xf32>
    %add3A_1122 = arith.addf %add3A_1121, %mul3A_1082 : vector<32x1024xf32>
    %add3A_1123 = arith.addf %add3A_1122, %mul3A_1084 : vector<32x1024xf32>
    %add3A_1124 = arith.addf %add3A_1123, %mul3A_1086 : vector<32x1024xf32>
    %add3A_1125 = arith.addf %add3A_1124, %mul3A_1088 : vector<32x1024xf32>
    %add3A_1126 = arith.addf %add3A_1125, %mul3A_1090 : vector<32x1024xf32>
    %add3A_1127 = arith.addf %add3A_1126, %mul3A_1092 : vector<32x1024xf32>
    %add3A_1128 = arith.addf %add3A_1127, %mul3A_1094 : vector<32x1024xf32>
    %add3A_1129 = arith.addf %add3A_1128, %mul3A_1096 : vector<32x1024xf32>
    %add3A_1130 = arith.addf %add3A_1129, %mul3A_1098 : vector<32x1024xf32>
    %add3A_1131 = arith.addf %add3A_1130, %mul3A_1100 : vector<32x1024xf32>
    %broadcast_in_dim3A_1132 = arith.constant 0.000000e+00 : f32
    %broadcast_in_dim3A_1133 = vector.broadcast %broadcast_in_dim3A_1132 : f32 to vector<32x1024xf32>
    %add3A_1134 = arith.addf %mul3A, %mul3A_1040 : vector<32x1024xf32>
    %add3A_1135 = arith.addf %add3A_1134, %mul3A_1042 : vector<32x1024xf32>
    %add3A_1136 = arith.addf %add3A_1135, %mul3A_1044 : vector<32x1024xf32>
    %add3A_1137 = arith.addf %add3A_1136, %mul3A_1046 : vector<32x1024xf32>
    %add3A_1138 = arith.addf %add3A_1137, %mul3A_1048 : vector<32x1024xf32>
    %add3A_1139 = arith.addf %add3A_1138, %mul3A_1050 : vector<32x1024xf32>
    %add3A_1140 = arith.addf %add3A_1139, %mul3A_1052 : vector<32x1024xf32>
    %add3A_1141 = arith.addf %add3A_1140, %mul3A_1054 : vector<32x1024xf32>
    %add3A_1142 = arith.addf %add3A_1141, %mul3A_1056 : vector<32x1024xf32>
    %add3A_1143 = arith.addf %add3A_1142, %mul3A_1058 : vector<32x1024xf32>
    %add3A_1144 = arith.addf %add3A_1143, %mul3A_1060 : vector<32x1024xf32>
    %add3A_1145 = arith.addf %add3A_1144, %mul3A_1062 : vector<32x1024xf32>
    %add3A_1146 = arith.addf %add3A_1145, %mul3A_1064 : vector<32x1024xf32>
    %add3A_1147 = arith.addf %add3A_1146, %mul3A_1066 : vector<32x1024xf32>
    %add3A_1148 = arith.addf %add3A_1147, %mul3A_1068 : vector<32x1024xf32>
    %add3A_1149 = arith.addf %add3A_1148, %mul3A_1070 : vector<32x1024xf32>
    %add3A_1150 = arith.addf %add3A_1149, %mul3A_1072 : vector<32x1024xf32>
    %add3A_1151 = arith.addf %add3A_1150, %mul3A_1074 : vector<32x1024xf32>
    %add3A_1152 = arith.addf %add3A_1151, %mul3A_1076 : vector<32x1024xf32>
    %add3A_1153 = arith.addf %add3A_1152, %mul3A_1078 : vector<32x1024xf32>
    %add3A_1154 = arith.addf %add3A_1153, %mul3A_1080 : vector<32x1024xf32>
    %add3A_1155 = arith.addf %add3A_1154, %mul3A_1082 : vector<32x1024xf32>
    %add3A_1156 = arith.addf %add3A_1155, %mul3A_1084 : vector<32x1024xf32>
    %add3A_1157 = arith.addf %add3A_1156, %mul3A_1086 : vector<32x1024xf32>
    %add3A_1158 = arith.addf %add3A_1157, %mul3A_1088 : vector<32x1024xf32>
    %add3A_1159 = arith.addf %add3A_1158, %mul3A_1090 : vector<32x1024xf32>
    %add3A_1160 = arith.addf %add3A_1159, %mul3A_1092 : vector<32x1024xf32>
    %add3A_1161 = arith.addf %add3A_1160, %mul3A_1094 : vector<32x1024xf32>
    %add3A_1162 = arith.addf %add3A_1161, %mul3A_1096 : vector<32x1024xf32>
    %add3A_1163 = arith.addf %add3A_1162, %mul3A_1098 : vector<32x1024xf32>
    %swap3A = arith.constant 0 : index
    %swap3A_1164 = arith.constant 0 : index
    %swap3A_1165 = arith.constant 0 : index
    %swap3A_1166 = vector.load %arg13[%swap3A, %swap3A_1164, %swap3A_1165] : memref<33x32x1024xf32, #tpu.memory_space<vmem>>, vector<1x32x1024xf32>
    %swap3A_1167 = vector.shape_cast %swap3A_1166 : vector<1x32x1024xf32> to vector<32x1024xf32>
    %swap3A_1168 = vector.shape_cast %broadcast_in_dim3A_1006 : vector<32x1024xf32> to vector<1x32x1024xf32>
    tpu.vector_store %arg13[%swap3A, %swap3A_1164, %swap3A_1165], %swap3A_1168 {strides = array<i32>} : memref<33x32x1024xf32, #tpu.memory_space<vmem>>, vector<1x32x1024xf32>,
    %swap3A_1169 = arith.constant 0 : index
    %swap3A_1170 = arith.constant 0 : index
    %swap3A_1171 = arith.constant 0 : index
    %swap3A_1172 = vector.load %arg14[%swap3A_1169, %swap3A_1170, %swap3A_1171] : memref<33x32x1024xf32, #tpu.memory_space<vmem>>, vector<1x32x1024xf32>
    %swap3A_1173 = vector.shape_cast %swap3A_1172 : vector<1x32x1024xf32> to vector<32x1024xf32>
    %swap3A_1174 = vector.shape_cast %add3A_80 : vector<32x1024xf32> to vector<1x32x1024xf32>
    tpu.vector_store %arg14[%swap3A_1169, %swap3A_1170, %swap3A_1171], %swap3A_1174 {strides = array<i32>} : memref<33x32x1024xf32, #tpu.memory_space<vmem>>, vector<1x32x1024xf32>,
    %swap3A_1175 = arith.constant 0 : index
    %swap3A_1176 = arith.constant 0 : index
    %swap3A_1177 = arith.constant 0 : index
    %swap3A_1178 = vector.load %arg15[%swap3A_1175, %swap3A_1176, %swap3A_1177] : memref<33x32x1024xf32, #tpu.memory_space<vmem>>, vector<1x32x1024xf32>
    %swap3A_1179 = vector.shape_cast %swap3A_1178 : vector<1x32x1024xf32> to vector<32x1024xf32>
    %swap3A_1180 = vector.shape_cast %broadcast_in_dim3A_1133 : vector<32x1024xf32> to vector<1x32x1024xf32>
    tpu.vector_store %arg15[%swap3A_1175, %swap3A_1176, %swap3A_1177], %swap3A_1180 {strides = array<i32>} : memref<33x32x1024xf32, #tpu.memory_space<vmem>>, vector<1x32x1024xf32>,
    %swap3A_1181 = arith.constant 1 : index
    %swap3A_1182 = arith.constant 0 : index
    %swap3A_1183 = arith.constant 0 : index
    %swap3A_1184 = vector.load %arg13[%swap3A_1181, %swap3A_1182, %swap3A_1183] : memref<33x32x1024xf32, #tpu.memory_space<vmem>>, vector<1x32x1024xf32>
    %swap3A_1185 = vector.shape_cast %swap3A_1184 : vector<1x32x1024xf32> to vector<32x1024xf32>
    %swap3A_1186 = vector.shape_cast %exp3A_912 : vector<32x1024xf32> to vector<1x32x1024xf32>
    tpu.vector_store %arg13[%swap3A_1181, %swap3A_1182, %swap3A_1183], %swap3A_1186 {strides = array<i32>} : memref<33x32x1024xf32, #tpu.memory_space<vmem>>, vector<1x32x1024xf32>,
    %swap3A_1187 = arith.constant 1 : index
    %swap3A_1188 = arith.constant 0 : index
    %swap3A_1189 = arith.constant 0 : index
    %swap3A_1190 = vector.load %arg14[%swap3A_1187, %swap3A_1188, %swap3A_1189] : memref<33x32x1024xf32, #tpu.memory_space<vmem>>, vector<1x32x1024xf32>
    %swap3A_1191 = vector.shape_cast %swap3A_1190 : vector<1x32x1024xf32> to vector<32x1024xf32>
    %swap3A_1192 = vector.shape_cast %add3A_99 : vector<32x1024xf32> to vector<1x32x1024xf32>
    tpu.vector_store %arg14[%swap3A_1187, %swap3A_1188, %swap3A_1189], %swap3A_1192 {strides = array<i32>} : memref<33x32x1024xf32, #tpu.memory_space<vmem>>, vector<1x32x1024xf32>,
    %swap3A_1193 = arith.constant 1 : index
    %swap3A_1194 = arith.constant 0 : index
    %swap3A_1195 = arith.constant 0 : index
    %swap3A_1196 = vector.load %arg15[%swap3A_1193, %swap3A_1194, %swap3A_1195] : memref<33x32x1024xf32, #tpu.memory_space<vmem>>, vector<1x32x1024xf32>
    %swap3A_1197 = vector.shape_cast %swap3A_1196 : vector<1x32x1024xf32> to vector<32x1024xf32>
    %swap3A_1198 = vector.shape_cast %mul3A : vector<32x1024xf32> to vector<1x32x1024xf32>
    tpu.vector_store %arg15[%swap3A_1193, %swap3A_1194, %swap3A_1195], %swap3A_1198 {strides = array<i32>} : memref<33x32x1024xf32, #tpu.memory_space<vmem>>, vector<1x32x1024xf32>,
    %swap3A_1199 = arith.constant 2 : index
    %swap3A_1200 = arith.constant 0 : index
    %swap3A_1201 = arith.constant 0 : index
    %swap3A_1202 = vector.load %arg13[%swap3A_1199, %swap3A_1200, %swap3A_1201] : memref<33x32x1024xf32, #tpu.memory_space<vmem>>, vector<1x32x1024xf32>
    %swap3A_1203 = vector.shape_cast %swap3A_1202 : vector<1x32x1024xf32> to vector<32x1024xf32>
    %swap3A_1204 = vector.shape_cast %add3A_1007 : vector<32x1024xf32> to vector<1x32x1024xf32>
    tpu.vector_store %arg13[%swap3A_1199, %swap3A_1200, %swap3A_1201], %swap3A_1204 {strides = array<i32>} : memref<33x32x1024xf32, #tpu.memory_space<vmem>>, vector<1x32x1024xf32>,
    %swap3A_1205 = arith.constant 2 : index
    %swap3A_1206 = arith.constant 0 : index
    %swap3A_1207 = arith.constant 0 : index
    %swap3A_1208 = vector.load %arg14[%swap3A_1205, %swap3A_1206, %swap3A_1207] : memref<33x32x1024xf32, #tpu.memory_space<vmem>>, vector<1x32x1024xf32>
    %swap3A_1209 = vector.shape_cast %swap3A_1208 : vector<1x32x1024xf32> to vector<32x1024xf32>
    %swap3A_1210 = vector.shape_cast %add3A_118 : vector<32x1024xf32> to vector<1x32x1024xf32>
    tpu.vector_store %arg14[%swap3A_1205, %swap3A_1206, %swap3A_1207], %swap3A_1210 {strides = array<i32>} : memref<33x32x1024xf32, #tpu.memory_space<vmem>>, vector<1x32x1024xf32>,
    %swap3A_1211 = arith.constant 2 : index
    %swap3A_1212 = arith.constant 0 : index
    %swap3A_1213 = arith.constant 0 : index
    %swap3A_1214 = vector.load %arg15[%swap3A_1211, %swap3A_1212, %swap3A_1213] : memref<33x32x1024xf32, #tpu.memory_space<vmem>>, vector<1x32x1024xf32>
    %swap3A_1215 = vector.shape_cast %swap3A_1214 : vector<1x32x1024xf32> to vector<32x1024xf32>
    %swap3A_1216 = vector.shape_cast %add3A_1134 : vector<32x1024xf32> to vector<1x32x1024xf32>
    tpu.vector_store %arg15[%swap3A_1211, %swap3A_1212, %swap3A_1213], %swap3A_1216 {strides = array<i32>} : memref<33x32x1024xf32, #tpu.memory_space<vmem>>, vector<1x32x1024xf32>,
    %swap3A_1217 = arith.constant 3 : index
    %swap3A_1218 = arith.constant 0 : index
    %swap3A_1219 = arith.constant 0 : index
    %swap3A_1220 = vector.load %arg13[%swap3A_1217, %swap3A_1218, %swap3A_1219] : memref<33x32x1024xf32, #tpu.memory_space<vmem>>, vector<1x32x1024xf32>
    %swap3A_1221 = vector.shape_cast %swap3A_1220 : vector<1x32x1024xf32> to vector<32x1024xf32>
    %swap3A_1222 = vector.shape_cast %add3A_1008 : vector<32x1024xf32> to vector<1x32x1024xf32>
    tpu.vector_store %arg13[%swap3A_1217, %swap3A_1218, %swap3A_1219], %swap3A_1222 {strides = array<i32>} : memref<33x32x1024xf32, #tpu.memory_space<vmem>>, vector<1x32x1024xf32>,
    %swap3A_1223 = arith.constant 3 : index
    %swap3A_1224 = arith.constant 0 : index
    %swap3A_1225 = arith.constant 0 : index
    %swap3A_1226 = vector.load %arg14[%swap3A_1223, %swap3A_1224, %swap3A_1225] : memref<33x32x1024xf32, #tpu.memory_space<vmem>>, vector<1x32x1024xf32>
    %swap3A_1227 = vector.shape_cast %swap3A_1226 : vector<1x32x1024xf32> to vector<32x1024xf32>
    %swap3A_1228 = vector.shape_cast %add3A_137 : vector<32x1024xf32> to vector<1x32x1024xf32>
    tpu.vector_store %arg14[%swap3A_1223, %swap3A_1224, %swap3A_1225], %swap3A_1228 {strides = array<i32>} : memref<33x32x1024xf32, #tpu.memory_space<vmem>>, vector<1x32x1024xf32>,
    %swap3A_1229 = arith.constant 3 : index
    %swap3A_1230 = arith.constant 0 : index
    %swap3A_1231 = arith.constant 0 : index
    %swap3A_1232 = vector.load %arg15[%swap3A_1229, %swap3A_1230, %swap3A_1231] : memref<33x32x1024xf32, #tpu.memory_space<vmem>>, vector<1x32x1024xf32>
    %swap3A_1233 = vector.shape_cast %swap3A_1232 : vector<1x32x1024xf32> to vector<32x1024xf32>
    %swap3A_1234 = vector.shape_cast %add3A_1135 : vector<32x1024xf32> to vector<1x32x1024xf32>
    tpu.vector_store %arg15[%swap3A_1229, %swap3A_1230, %swap3A_1231], %swap3A_1234 {strides = array<i32>} : memref<33x32x1024xf32, #tpu.memory_space<vmem>>, vector<1x32x1024xf32>,
    %swap3A_1235 = arith.constant 4 : index
    %swap3A_1236 = arith.constant 0 : index
    %swap3A_1237 = arith.constant 0 : index
    %swap3A_1238 = vector.load %arg13[%swap3A_1235, %swap3A_1236, %swap3A_1237] : memref<33x32x1024xf32, #tpu.memory_space<vmem>>, vector<1x32x1024xf32>
    %swap3A_1239 = vector.shape_cast %swap3A_1238 : vector<1x32x1024xf32> to vector<32x1024xf32>
    %swap3A_1240 = vector.shape_cast %add3A_1009 : vector<32x1024xf32> to vector<1x32x1024xf32>
    tpu.vector_store %arg13[%swap3A_1235, %swap3A_1236, %swap3A_1237], %swap3A_1240 {strides = array<i32>} : memref<33x32x1024xf32, #tpu.memory_space<vmem>>, vector<1x32x1024xf32>,
    %swap3A_1241 = arith.constant 4 : index
    %swap3A_1242 = arith.constant 0 : index
    %swap3A_1243 = arith.constant 0 : index
    %swap3A_1244 = vector.load %arg14[%swap3A_1241, %swap3A_1242, %swap3A_1243] : memref<33x32x1024xf32, #tpu.memory_space<vmem>>, vector<1x32x1024xf32>
    %swap3A_1245 = vector.shape_cast %swap3A_1244 : vector<1x32x1024xf32> to vector<32x1024xf32>
    %swap3A_1246 = vector.shape_cast %add3A_156 : vector<32x1024xf32> to vector<1x32x1024xf32>
    tpu.vector_store %arg14[%swap3A_1241, %swap3A_1242, %swap3A_1243], %swap3A_1246 {strides = array<i32>} : memref<33x32x1024xf32, #tpu.memory_space<vmem>>, vector<1x32x1024xf32>,
    %swap3A_1247 = arith.constant 4 : index
    %swap3A_1248 = arith.constant 0 : index
    %swap3A_1249 = arith.constant 0 : index
    %swap3A_1250 = vector.load %arg15[%swap3A_1247, %swap3A_1248, %swap3A_1249] : memref<33x32x1024xf32, #tpu.memory_space<vmem>>, vector<1x32x1024xf32>
    %swap3A_1251 = vector.shape_cast %swap3A_1250 : vector<1x32x1024xf32> to vector<32x1024xf32>
    %swap3A_1252 = vector.shape_cast %add3A_1136 : vector<32x1024xf32> to vector<1x32x1024xf32>
    tpu.vector_store %arg15[%swap3A_1247, %swap3A_1248, %swap3A_1249], %swap3A_1252 {strides = array<i32>} : memref<33x32x1024xf32, #tpu.memory_space<vmem>>, vector<1x32x1024xf32>,
    %swap3A_1253 = arith.constant 5 : index
    %swap3A_1254 = arith.constant 0 : index
    %swap3A_1255 = arith.constant 0 : index
    %swap3A_1256 = vector.load %arg13[%swap3A_1253, %swap3A_1254, %swap3A_1255] : memref<33x32x1024xf32, #tpu.memory_space<vmem>>, vector<1x32x1024xf32>
    %swap3A_1257 = vector.shape_cast %swap3A_1256 : vector<1x32x1024xf32> to vector<32x1024xf32>
    %swap3A_1258 = vector.shape_cast %add3A_1010 : vector<32x1024xf32> to vector<1x32x1024xf32>
    tpu.vector_store %arg13[%swap3A_1253, %swap3A_1254, %swap3A_1255], %swap3A_1258 {strides = array<i32>} : memref<33x32x1024xf32, #tpu.memory_space<vmem>>, vector<1x32x1024xf32>,
    %swap3A_1259 = arith.constant 5 : index
    %swap3A_1260 = arith.constant 0 : index
    %swap3A_1261 = arith.constant 0 : index
    %swap3A_1262 = vector.load %arg14[%swap3A_1259, %swap3A_1260, %swap3A_1261] : memref<33x32x1024xf32, #tpu.memory_space<vmem>>, vector<1x32x1024xf32>
    %swap3A_1263 = vector.shape_cast %swap3A_1262 : vector<1x32x1024xf32> to vector<32x1024xf32>
    %swap3A_1264 = vector.shape_cast %add3A_175 : vector<32x1024xf32> to vector<1x32x1024xf32>
    tpu.vector_store %arg14[%swap3A_1259, %swap3A_1260, %swap3A_1261], %swap3A_1264 {strides = array<i32>} : memref<33x32x1024xf32, #tpu.memory_space<vmem>>, vector<1x32x1024xf32>,
    %swap3A_1265 = arith.constant 5 : index
    %swap3A_1266 = arith.constant 0 : index
    %swap3A_1267 = arith.constant 0 : index
    %swap3A_1268 = vector.load %arg15[%swap3A_1265, %swap3A_1266, %swap3A_1267] : memref<33x32x1024xf32, #tpu.memory_space<vmem>>, vector<1x32x1024xf32>
    %swap3A_1269 = vector.shape_cast %swap3A_1268 : vector<1x32x1024xf32> to vector<32x1024xf32>
    %swap3A_1270 = vector.shape_cast %add3A_1137 : vector<32x1024xf32> to vector<1x32x1024xf32>
    tpu.vector_store %arg15[%swap3A_1265, %swap3A_1266, %swap3A_1267], %swap3A_1270 {strides = array<i32>} : memref<33x32x1024xf32, #tpu.memory_space<vmem>>, vector<1x32x1024xf32>,
    %swap3A_1271 = arith.constant 6 : index
    %swap3A_1272 = arith.constant 0 : index
    %swap3A_1273 = arith.constant 0 : index
    %swap3A_1274 = vector.load %arg13[%swap3A_1271, %swap3A_1272, %swap3A_1273] : memref<33x32x1024xf32, #tpu.memory_space<vmem>>, vector<1x32x1024xf32>
    %swap3A_1275 = vector.shape_cast %swap3A_1274 : vector<1x32x1024xf32> to vector<32x1024xf32>
    %swap3A_1276 = vector.shape_cast %add3A_1011 : vector<32x1024xf32> to vector<1x32x1024xf32>
    tpu.vector_store %arg13[%swap3A_1271, %swap3A_1272, %swap3A_1273], %swap3A_1276 {strides = array<i32>} : memref<33x32x1024xf32, #tpu.memory_space<vmem>>, vector<1x32x1024xf32>,
    %swap3A_1277 = arith.constant 6 : index
    %swap3A_1278 = arith.constant 0 : index
    %swap3A_1279 = arith.constant 0 : index
    %swap3A_1280 = vector.load %arg14[%swap3A_1277, %swap3A_1278, %swap3A_1279] : memref<33x32x1024xf32, #tpu.memory_space<vmem>>, vector<1x32x1024xf32>
    %swap3A_1281 = vector.shape_cast %swap3A_1280 : vector<1x32x1024xf32> to vector<32x1024xf32>
    %swap3A_1282 = vector.shape_cast %add3A_194 : vector<32x1024xf32> to vector<1x32x1024xf32>
    tpu.vector_store %arg14[%swap3A_1277, %swap3A_1278, %swap3A_1279], %swap3A_1282 {strides = array<i32>} : memref<33x32x1024xf32, #tpu.memory_space<vmem>>, vector<1x32x1024xf32>,
    %swap3A_1283 = arith.constant 6 : index
    %swap3A_1284 = arith.constant 0 : index
    %swap3A_1285 = arith.constant 0 : index
    %swap3A_1286 = vector.load %arg15[%swap3A_1283, %swap3A_1284, %swap3A_1285] : memref<33x32x1024xf32, #tpu.memory_space<vmem>>, vector<1x32x1024xf32>
    %swap3A_1287 = vector.shape_cast %swap3A_1286 : vector<1x32x1024xf32> to vector<32x1024xf32>
    %swap3A_1288 = vector.shape_cast %add3A_1138 : vector<32x1024xf32> to vector<1x32x1024xf32>
    tpu.vector_store %arg15[%swap3A_1283, %swap3A_1284, %swap3A_1285], %swap3A_1288 {strides = array<i32>} : memref<33x32x1024xf32, #tpu.memory_space<vmem>>, vector<1x32x1024xf32>,
    %swap3A_1289 = arith.constant 7 : index
    %swap3A_1290 = arith.constant 0 : index
    %swap3A_1291 = arith.constant 0 : index
    %swap3A_1292 = vector.load %arg13[%swap3A_1289, %swap3A_1290, %swap3A_1291] : memref<33x32x1024xf32, #tpu.memory_space<vmem>>, vector<1x32x1024xf32>
    %swap3A_1293 = vector.shape_cast %swap3A_1292 : vector<1x32x1024xf32> to vector<32x1024xf32>
    %swap3A_1294 = vector.shape_cast %add3A_1012 : vector<32x1024xf32> to vector<1x32x1024xf32>
    tpu.vector_store %arg13[%swap3A_1289, %swap3A_1290, %swap3A_1291], %swap3A_1294 {strides = array<i32>} : memref<33x32x1024xf32, #tpu.memory_space<vmem>>, vector<1x32x1024xf32>,
    %swap3A_1295 = arith.constant 7 : index
    %swap3A_1296 = arith.constant 0 : index
    %swap3A_1297 = arith.constant 0 : index
    %swap3A_1298 = vector.load %arg14[%swap3A_1295, %swap3A_1296, %swap3A_1297] : memref<33x32x1024xf32, #tpu.memory_space<vmem>>, vector<1x32x1024xf32>
    %swap3A_1299 = vector.shape_cast %swap3A_1298 : vector<1x32x1024xf32> to vector<32x1024xf32>
    %swap3A_1300 = vector.shape_cast %add3A_213 : vector<32x1024xf32> to vector<1x32x1024xf32>
    tpu.vector_store %arg14[%swap3A_1295, %swap3A_1296, %swap3A_1297], %swap3A_1300 {strides = array<i32>} : memref<33x32x1024xf32, #tpu.memory_space<vmem>>, vector<1x32x1024xf32>,
    %swap3A_1301 = arith.constant 7 : index
    %swap3A_1302 = arith.constant 0 : index
    %swap3A_1303 = arith.constant 0 : index
    %swap3A_1304 = vector.load %arg15[%swap3A_1301, %swap3A_1302, %swap3A_1303] : memref<33x32x1024xf32, #tpu.memory_space<vmem>>, vector<1x32x1024xf32>
    %swap3A_1305 = vector.shape_cast %swap3A_1304 : vector<1x32x1024xf32> to vector<32x1024xf32>
    %swap3A_1306 = vector.shape_cast %add3A_1139 : vector<32x1024xf32> to vector<1x32x1024xf32>
    tpu.vector_store %arg15[%swap3A_1301, %swap3A_1302, %swap3A_1303], %swap3A_1306 {strides = array<i32>} : memref<33x32x1024xf32, #tpu.memory_space<vmem>>, vector<1x32x1024xf32>,
    %swap3A_1307 = arith.constant 8 : index
    %swap3A_1308 = arith.constant 0 : index
    %swap3A_1309 = arith.constant 0 : index
    %swap3A_1310 = vector.load %arg13[%swap3A_1307, %swap3A_1308, %swap3A_1309] : memref<33x32x1024xf32, #tpu.memory_space<vmem>>, vector<1x32x1024xf32>
    %swap3A_1311 = vector.shape_cast %swap3A_1310 : vector<1x32x1024xf32> to vector<32x1024xf32>
    %swap3A_1312 = vector.shape_cast %add3A_1013 : vector<32x1024xf32> to vector<1x32x1024xf32>
    tpu.vector_store %arg13[%swap3A_1307, %swap3A_1308, %swap3A_1309], %swap3A_1312 {strides = array<i32>} : memref<33x32x1024xf32, #tpu.memory_space<vmem>>, vector<1x32x1024xf32>,
    %swap3A_1313 = arith.constant 8 : index
    %swap3A_1314 = arith.constant 0 : index
    %swap3A_1315 = arith.constant 0 : index
    %swap3A_1316 = vector.load %arg14[%swap3A_1313, %swap3A_1314, %swap3A_1315] : memref<33x32x1024xf32, #tpu.memory_space<vmem>>, vector<1x32x1024xf32>
    %swap3A_1317 = vector.shape_cast %swap3A_1316 : vector<1x32x1024xf32> to vector<32x1024xf32>
    %swap3A_1318 = vector.shape_cast %add3A_232 : vector<32x1024xf32> to vector<1x32x1024xf32>
    tpu.vector_store %arg14[%swap3A_1313, %swap3A_1314, %swap3A_1315], %swap3A_1318 {strides = array<i32>} : memref<33x32x1024xf32, #tpu.memory_space<vmem>>, vector<1x32x1024xf32>,
    %swap3A_1319 = arith.constant 8 : index
    %swap3A_1320 = arith.constant 0 : index
    %swap3A_1321 = arith.constant 0 : index
    %swap3A_1322 = vector.load %arg15[%swap3A_1319, %swap3A_1320, %swap3A_1321] : memref<33x32x1024xf32, #tpu.memory_space<vmem>>, vector<1x32x1024xf32>
    %swap3A_1323 = vector.shape_cast %swap3A_1322 : vector<1x32x1024xf32> to vector<32x1024xf32>
    %swap3A_1324 = vector.shape_cast %add3A_1140 : vector<32x1024xf32> to vector<1x32x1024xf32>
    tpu.vector_store %arg15[%swap3A_1319, %swap3A_1320, %swap3A_1321], %swap3A_1324 {strides = array<i32>} : memref<33x32x1024xf32, #tpu.memory_space<vmem>>, vector<1x32x1024xf32>,
    %swap3A_1325 = arith.constant 9 : index
    %swap3A_1326 = arith.constant 0 : index
    %swap3A_1327 = arith.constant 0 : index
    %swap3A_1328 = vector.load %arg13[%swap3A_1325, %swap3A_1326, %swap3A_1327] : memref<33x32x1024xf32, #tpu.memory_space<vmem>>, vector<1x32x1024xf32>
    %swap3A_1329 = vector.shape_cast %swap3A_1328 : vector<1x32x1024xf32> to vector<32x1024xf32>
    %swap3A_1330 = vector.shape_cast %add3A_1014 : vector<32x1024xf32> to vector<1x32x1024xf32>
    tpu.vector_store %arg13[%swap3A_1325, %swap3A_1326, %swap3A_1327], %swap3A_1330 {strides = array<i32>} : memref<33x32x1024xf32, #tpu.memory_space<vmem>>, vector<1x32x1024xf32>,
    %swap3A_1331 = arith.constant 9 : index
    %swap3A_1332 = arith.constant 0 : index
    %swap3A_1333 = arith.constant 0 : index
    %swap3A_1334 = vector.load %arg14[%swap3A_1331, %swap3A_1332, %swap3A_1333] : memref<33x32x1024xf32, #tpu.memory_space<vmem>>, vector<1x32x1024xf32>
    %swap3A_1335 = vector.shape_cast %swap3A_1334 : vector<1x32x1024xf32> to vector<32x1024xf32>
    %swap3A_1336 = vector.shape_cast %add3A_251 : vector<32x1024xf32> to vector<1x32x1024xf32>
    tpu.vector_store %arg14[%swap3A_1331, %swap3A_1332, %swap3A_1333], %swap3A_1336 {strides = array<i32>} : memref<33x32x1024xf32, #tpu.memory_space<vmem>>, vector<1x32x1024xf32>,
    %swap3A_1337 = arith.constant 9 : index
    %swap3A_1338 = arith.constant 0 : index
    %swap3A_1339 = arith.constant 0 : index
    %swap3A_1340 = vector.load %arg15[%swap3A_1337, %swap3A_1338, %swap3A_1339] : memref<33x32x1024xf32, #tpu.memory_space<vmem>>, vector<1x32x1024xf32>
    %swap3A_1341 = vector.shape_cast %swap3A_1340 : vector<1x32x1024xf32> to vector<32x1024xf32>
    %swap3A_1342 = vector.shape_cast %add3A_1141 : vector<32x1024xf32> to vector<1x32x1024xf32>
    tpu.vector_store %arg15[%swap3A_1337, %swap3A_1338, %swap3A_1339], %swap3A_1342 {strides = array<i32>} : memref<33x32x1024xf32, #tpu.memory_space<vmem>>, vector<1x32x1024xf32>,
    %swap3A_1343 = arith.constant 10 : index
    %swap3A_1344 = arith.constant 0 : index
    %swap3A_1345 = arith.constant 0 : index
    %swap3A_1346 = vector.load %arg13[%swap3A_1343, %swap3A_1344, %swap3A_1345] : memref<33x32x1024xf32, #tpu.memory_space<vmem>>, vector<1x32x1024xf32>
    %swap3A_1347 = vector.shape_cast %swap3A_1346 : vector<1x32x1024xf32> to vector<32x1024xf32>
    %swap3A_1348 = vector.shape_cast %add3A_1015 : vector<32x1024xf32> to vector<1x32x1024xf32>
    tpu.vector_store %arg13[%swap3A_1343, %swap3A_1344, %swap3A_1345], %swap3A_1348 {strides = array<i32>} : memref<33x32x1024xf32, #tpu.memory_space<vmem>>, vector<1x32x1024xf32>,
    %swap3A_1349 = arith.constant 10 : index
    %swap3A_1350 = arith.constant 0 : index
    %swap3A_1351 = arith.constant 0 : index
    %swap3A_1352 = vector.load %arg14[%swap3A_1349, %swap3A_1350, %swap3A_1351] : memref<33x32x1024xf32, #tpu.memory_space<vmem>>, vector<1x32x1024xf32>
    %swap3A_1353 = vector.shape_cast %swap3A_1352 : vector<1x32x1024xf32> to vector<32x1024xf32>
    %swap3A_1354 = vector.shape_cast %add3A_270 : vector<32x1024xf32> to vector<1x32x1024xf32>
    tpu.vector_store %arg14[%swap3A_1349, %swap3A_1350, %swap3A_1351], %swap3A_1354 {strides = array<i32>} : memref<33x32x1024xf32, #tpu.memory_space<vmem>>, vector<1x32x1024xf32>,
    %swap3A_1355 = arith.constant 10 : index
    %swap3A_1356 = arith.constant 0 : index
    %swap3A_1357 = arith.constant 0 : index
    %swap3A_1358 = vector.load %arg15[%swap3A_1355, %swap3A_1356, %swap3A_1357] : memref<33x32x1024xf32, #tpu.memory_space<vmem>>, vector<1x32x1024xf32>
    %swap3A_1359 = vector.shape_cast %swap3A_1358 : vector<1x32x1024xf32> to vector<32x1024xf32>
    %swap3A_1360 = vector.shape_cast %add3A_1142 : vector<32x1024xf32> to vector<1x32x1024xf32>
    tpu.vector_store %arg15[%swap3A_1355, %swap3A_1356, %swap3A_1357], %swap3A_1360 {strides = array<i32>} : memref<33x32x1024xf32, #tpu.memory_space<vmem>>, vector<1x32x1024xf32>,
    %swap3A_1361 = arith.constant 11 : index
    %swap3A_1362 = arith.constant 0 : index
    %swap3A_1363 = arith.constant 0 : index
    %swap3A_1364 = vector.load %arg13[%swap3A_1361, %swap3A_1362, %swap3A_1363] : memref<33x32x1024xf32, #tpu.memory_space<vmem>>, vector<1x32x1024xf32>
    %swap3A_1365 = vector.shape_cast %swap3A_1364 : vector<1x32x1024xf32> to vector<32x1024xf32>
    %swap3A_1366 = vector.shape_cast %add3A_1016 : vector<32x1024xf32> to vector<1x32x1024xf32>
    tpu.vector_store %arg13[%swap3A_1361, %swap3A_1362, %swap3A_1363], %swap3A_1366 {strides = array<i32>} : memref<33x32x1024xf32, #tpu.memory_space<vmem>>, vector<1x32x1024xf32>,
    %swap3A_1367 = arith.constant 11 : index
    %swap3A_1368 = arith.constant 0 : index
    %swap3A_1369 = arith.constant 0 : index
    %swap3A_1370 = vector.load %arg14[%swap3A_1367, %swap3A_1368, %swap3A_1369] : memref<33x32x1024xf32, #tpu.memory_space<vmem>>, vector<1x32x1024xf32>
    %swap3A_1371 = vector.shape_cast %swap3A_1370 : vector<1x32x1024xf32> to vector<32x1024xf32>
    %swap3A_1372 = vector.shape_cast %add3A_289 : vector<32x1024xf32> to vector<1x32x1024xf32>
    tpu.vector_store %arg14[%swap3A_1367, %swap3A_1368, %swap3A_1369], %swap3A_1372 {strides = array<i32>} : memref<33x32x1024xf32, #tpu.memory_space<vmem>>, vector<1x32x1024xf32>,
    %swap3A_1373 = arith.constant 11 : index
    %swap3A_1374 = arith.constant 0 : index
    %swap3A_1375 = arith.constant 0 : index
    %swap3A_1376 = vector.load %arg15[%swap3A_1373, %swap3A_1374, %swap3A_1375] : memref<33x32x1024xf32, #tpu.memory_space<vmem>>, vector<1x32x1024xf32>
    %swap3A_1377 = vector.shape_cast %swap3A_1376 : vector<1x32x1024xf32> to vector<32x1024xf32>
    %swap3A_1378 = vector.shape_cast %add3A_1143 : vector<32x1024xf32> to vector<1x32x1024xf32>
    tpu.vector_store %arg15[%swap3A_1373, %swap3A_1374, %swap3A_1375], %swap3A_1378 {strides = array<i32>} : memref<33x32x1024xf32, #tpu.memory_space<vmem>>, vector<1x32x1024xf32>,
    %swap3A_1379 = arith.constant 12 : index
    %swap3A_1380 = arith.constant 0 : index
    %swap3A_1381 = arith.constant 0 : index
    %swap3A_1382 = vector.load %arg13[%swap3A_1379, %swap3A_1380, %swap3A_1381] : memref<33x32x1024xf32, #tpu.memory_space<vmem>>, vector<1x32x1024xf32>
    %swap3A_1383 = vector.shape_cast %swap3A_1382 : vector<1x32x1024xf32> to vector<32x1024xf32>
    %swap3A_1384 = vector.shape_cast %add3A_1017 : vector<32x1024xf32> to vector<1x32x1024xf32>
    tpu.vector_store %arg13[%swap3A_1379, %swap3A_1380, %swap3A_1381], %swap3A_1384 {strides = array<i32>} : memref<33x32x1024xf32, #tpu.memory_space<vmem>>, vector<1x32x1024xf32>,
    %swap3A_1385 = arith.constant 12 : index
    %swap3A_1386 = arith.constant 0 : index
    %swap3A_1387 = arith.constant 0 : index
    %swap3A_1388 = vector.load %arg14[%swap3A_1385, %swap3A_1386, %swap3A_1387] : memref<33x32x1024xf32, #tpu.memory_space<vmem>>, vector<1x32x1024xf32>
    %swap3A_1389 = vector.shape_cast %swap3A_1388 : vector<1x32x1024xf32> to vector<32x1024xf32>
    %swap3A_1390 = vector.shape_cast %add3A_308 : vector<32x1024xf32> to vector<1x32x1024xf32>
    tpu.vector_store %arg14[%swap3A_1385, %swap3A_1386, %swap3A_1387], %swap3A_1390 {strides = array<i32>} : memref<33x32x1024xf32, #tpu.memory_space<vmem>>, vector<1x32x1024xf32>,
    %swap3A_1391 = arith.constant 12 : index
    %swap3A_1392 = arith.constant 0 : index
    %swap3A_1393 = arith.constant 0 : index
    %swap3A_1394 = vector.load %arg15[%swap3A_1391, %swap3A_1392, %swap3A_1393] : memref<33x32x1024xf32, #tpu.memory_space<vmem>>, vector<1x32x1024xf32>
    %swap3A_1395 = vector.shape_cast %swap3A_1394 : vector<1x32x1024xf32> to vector<32x1024xf32>
    %swap3A_1396 = vector.shape_cast %add3A_1144 : vector<32x1024xf32> to vector<1x32x1024xf32>
    tpu.vector_store %arg15[%swap3A_1391, %swap3A_1392, %swap3A_1393], %swap3A_1396 {strides = array<i32>} : memref<33x32x1024xf32, #tpu.memory_space<vmem>>, vector<1x32x1024xf32>,
    %swap3A_1397 = arith.constant 13 : index
    %swap3A_1398 = arith.constant 0 : index
    %swap3A_1399 = arith.constant 0 : index
    %swap3A_1400 = vector.load %arg13[%swap3A_1397, %swap3A_1398, %swap3A_1399] : memref<33x32x1024xf32, #tpu.memory_space<vmem>>, vector<1x32x1024xf32>
    %swap3A_1401 = vector.shape_cast %swap3A_1400 : vector<1x32x1024xf32> to vector<32x1024xf32>
    %swap3A_1402 = vector.shape_cast %add3A_1018 : vector<32x1024xf32> to vector<1x32x1024xf32>
    tpu.vector_store %arg13[%swap3A_1397, %swap3A_1398, %swap3A_1399], %swap3A_1402 {strides = array<i32>} : memref<33x32x1024xf32, #tpu.memory_space<vmem>>, vector<1x32x1024xf32>,
    %swap3A_1403 = arith.constant 13 : index
    %swap3A_1404 = arith.constant 0 : index
    %swap3A_1405 = arith.constant 0 : index
    %swap3A_1406 = vector.load %arg14[%swap3A_1403, %swap3A_1404, %swap3A_1405] : memref<33x32x1024xf32, #tpu.memory_space<vmem>>, vector<1x32x1024xf32>
    %swap3A_1407 = vector.shape_cast %swap3A_1406 : vector<1x32x1024xf32> to vector<32x1024xf32>
    %swap3A_1408 = vector.shape_cast %add3A_327 : vector<32x1024xf32> to vector<1x32x1024xf32>
    tpu.vector_store %arg14[%swap3A_1403, %swap3A_1404, %swap3A_1405], %swap3A_1408 {strides = array<i32>} : memref<33x32x1024xf32, #tpu.memory_space<vmem>>, vector<1x32x1024xf32>,
    %swap3A_1409 = arith.constant 13 : index
    %swap3A_1410 = arith.constant 0 : index
    %swap3A_1411 = arith.constant 0 : index
    %swap3A_1412 = vector.load %arg15[%swap3A_1409, %swap3A_1410, %swap3A_1411] : memref<33x32x1024xf32, #tpu.memory_space<vmem>>, vector<1x32x1024xf32>
    %swap3A_1413 = vector.shape_cast %swap3A_1412 : vector<1x32x1024xf32> to vector<32x1024xf32>
    %swap3A_1414 = vector.shape_cast %add3A_1145 : vector<32x1024xf32> to vector<1x32x1024xf32>
    tpu.vector_store %arg15[%swap3A_1409, %swap3A_1410, %swap3A_1411], %swap3A_1414 {strides = array<i32>} : memref<33x32x1024xf32, #tpu.memory_space<vmem>>, vector<1x32x1024xf32>,
    %swap3A_1415 = arith.constant 14 : index
    %swap3A_1416 = arith.constant 0 : index
    %swap3A_1417 = arith.constant 0 : index
    %swap3A_1418 = vector.load %arg13[%swap3A_1415, %swap3A_1416, %swap3A_1417] : memref<33x32x1024xf32, #tpu.memory_space<vmem>>, vector<1x32x1024xf32>
    %swap3A_1419 = vector.shape_cast %swap3A_1418 : vector<1x32x1024xf32> to vector<32x1024xf32>
    %swap3A_1420 = vector.shape_cast %add3A_1019 : vector<32x1024xf32> to vector<1x32x1024xf32>
    tpu.vector_store %arg13[%swap3A_1415, %swap3A_1416, %swap3A_1417], %swap3A_1420 {strides = array<i32>} : memref<33x32x1024xf32, #tpu.memory_space<vmem>>, vector<1x32x1024xf32>,
    %swap3A_1421 = arith.constant 14 : index
    %swap3A_1422 = arith.constant 0 : index
    %swap3A_1423 = arith.constant 0 : index
    %swap3A_1424 = vector.load %arg14[%swap3A_1421, %swap3A_1422, %swap3A_1423] : memref<33x32x1024xf32, #tpu.memory_space<vmem>>, vector<1x32x1024xf32>
    %swap3A_1425 = vector.shape_cast %swap3A_1424 : vector<1x32x1024xf32> to vector<32x1024xf32>
    %swap3A_1426 = vector.shape_cast %add3A_346 : vector<32x1024xf32> to vector<1x32x1024xf32>
    tpu.vector_store %arg14[%swap3A_1421, %swap3A_1422, %swap3A_1423], %swap3A_1426 {strides = array<i32>} : memref<33x32x1024xf32, #tpu.memory_space<vmem>>, vector<1x32x1024xf32>,
    %swap3A_1427 = arith.constant 14 : index
    %swap3A_1428 = arith.constant 0 : index
    %swap3A_1429 = arith.constant 0 : index
    %swap3A_1430 = vector.load %arg15[%swap3A_1427, %swap3A_1428, %swap3A_1429] : memref<33x32x1024xf32, #tpu.memory_space<vmem>>, vector<1x32x1024xf32>
    %swap3A_1431 = vector.shape_cast %swap3A_1430 : vector<1x32x1024xf32> to vector<32x1024xf32>
    %swap3A_1432 = vector.shape_cast %add3A_1146 : vector<32x1024xf32> to vector<1x32x1024xf32>
    tpu.vector_store %arg15[%swap3A_1427, %swap3A_1428, %swap3A_1429], %swap3A_1432 {strides = array<i32>} : memref<33x32x1024xf32, #tpu.memory_space<vmem>>, vector<1x32x1024xf32>,
    %swap3A_1433 = arith.constant 15 : index
    %swap3A_1434 = arith.constant 0 : index
    %swap3A_1435 = arith.constant 0 : index
    %swap3A_1436 = vector.load %arg13[%swap3A_1433, %swap3A_1434, %swap3A_1435] : memref<33x32x1024xf32, #tpu.memory_space<vmem>>, vector<1x32x1024xf32>
    %swap3A_1437 = vector.shape_cast %swap3A_1436 : vector<1x32x1024xf32> to vector<32x1024xf32>
    %swap3A_1438 = vector.shape_cast %add3A_1020 : vector<32x1024xf32> to vector<1x32x1024xf32>
    tpu.vector_store %arg13[%swap3A_1433, %swap3A_1434, %swap3A_1435], %swap3A_1438 {strides = array<i32>} : memref<33x32x1024xf32, #tpu.memory_space<vmem>>, vector<1x32x1024xf32>,
    %swap3A_1439 = arith.constant 15 : index
    %swap3A_1440 = arith.constant 0 : index
    %swap3A_1441 = arith.constant 0 : index
    %swap3A_1442 = vector.load %arg14[%swap3A_1439, %swap3A_1440, %swap3A_1441] : memref<33x32x1024xf32, #tpu.memory_space<vmem>>, vector<1x32x1024xf32>
    %swap3A_1443 = vector.shape_cast %swap3A_1442 : vector<1x32x1024xf32> to vector<32x1024xf32>
    %swap3A_1444 = vector.shape_cast %add3A_365 : vector<32x1024xf32> to vector<1x32x1024xf32>
    tpu.vector_store %arg14[%swap3A_1439, %swap3A_1440, %swap3A_1441], %swap3A_1444 {strides = array<i32>} : memref<33x32x1024xf32, #tpu.memory_space<vmem>>, vector<1x32x1024xf32>,
    %swap3A_1445 = arith.constant 15 : index
    %swap3A_1446 = arith.constant 0 : index
    %swap3A_1447 = arith.constant 0 : index
    %swap3A_1448 = vector.load %arg15[%swap3A_1445, %swap3A_1446, %swap3A_1447] : memref<33x32x1024xf32, #tpu.memory_space<vmem>>, vector<1x32x1024xf32>
    %swap3A_1449 = vector.shape_cast %swap3A_1448 : vector<1x32x1024xf32> to vector<32x1024xf32>
    %swap3A_1450 = vector.shape_cast %add3A_1147 : vector<32x1024xf32> to vector<1x32x1024xf32>
    tpu.vector_store %arg15[%swap3A_1445, %swap3A_1446, %swap3A_1447], %swap3A_1450 {strides = array<i32>} : memref<33x32x1024xf32, #tpu.memory_space<vmem>>, vector<1x32x1024xf32>,
    %swap3A_1451 = arith.constant 16 : index
    %swap3A_1452 = arith.constant 0 : index
    %swap3A_1453 = arith.constant 0 : index
    %swap3A_1454 = vector.load %arg13[%swap3A_1451, %swap3A_1452, %swap3A_1453] : memref<33x32x1024xf32, #tpu.memory_space<vmem>>, vector<1x32x1024xf32>
    %swap3A_1455 = vector.shape_cast %swap3A_1454 : vector<1x32x1024xf32> to vector<32x1024xf32>
    %swap3A_1456 = vector.shape_cast %add3A_1021 : vector<32x1024xf32> to vector<1x32x1024xf32>
    tpu.vector_store %arg13[%swap3A_1451, %swap3A_1452, %swap3A_1453], %swap3A_1456 {strides = array<i32>} : memref<33x32x1024xf32, #tpu.memory_space<vmem>>, vector<1x32x1024xf32>,
    %swap3A_1457 = arith.constant 16 : index
    %swap3A_1458 = arith.constant 0 : index
    %swap3A_1459 = arith.constant 0 : index
    %swap3A_1460 = vector.load %arg14[%swap3A_1457, %swap3A_1458, %swap3A_1459] : memref<33x32x1024xf32, #tpu.memory_space<vmem>>, vector<1x32x1024xf32>
    %swap3A_1461 = vector.shape_cast %swap3A_1460 : vector<1x32x1024xf32> to vector<32x1024xf32>
    %swap3A_1462 = vector.shape_cast %add3A_384 : vector<32x1024xf32> to vector<1x32x1024xf32>
    tpu.vector_store %arg14[%swap3A_1457, %swap3A_1458, %swap3A_1459], %swap3A_1462 {strides = array<i32>} : memref<33x32x1024xf32, #tpu.memory_space<vmem>>, vector<1x32x1024xf32>,
    %swap3A_1463 = arith.constant 16 : index
    %swap3A_1464 = arith.constant 0 : index
    %swap3A_1465 = arith.constant 0 : index
    %swap3A_1466 = vector.load %arg15[%swap3A_1463, %swap3A_1464, %swap3A_1465] : memref<33x32x1024xf32, #tpu.memory_space<vmem>>, vector<1x32x1024xf32>
    %swap3A_1467 = vector.shape_cast %swap3A_1466 : vector<1x32x1024xf32> to vector<32x1024xf32>
    %swap3A_1468 = vector.shape_cast %add3A_1148 : vector<32x1024xf32> to vector<1x32x1024xf32>
    tpu.vector_store %arg15[%swap3A_1463, %swap3A_1464, %swap3A_1465], %swap3A_1468 {strides = array<i32>} : memref<33x32x1024xf32, #tpu.memory_space<vmem>>, vector<1x32x1024xf32>,
    %swap3A_1469 = arith.constant 17 : index
    %swap3A_1470 = arith.constant 0 : index
    %swap3A_1471 = arith.constant 0 : index
    %swap3A_1472 = vector.load %arg13[%swap3A_1469, %swap3A_1470, %swap3A_1471] : memref<33x32x1024xf32, #tpu.memory_space<vmem>>, vector<1x32x1024xf32>
    %swap3A_1473 = vector.shape_cast %swap3A_1472 : vector<1x32x1024xf32> to vector<32x1024xf32>
    %swap3A_1474 = vector.shape_cast %add3A_1022 : vector<32x1024xf32> to vector<1x32x1024xf32>
    tpu.vector_store %arg13[%swap3A_1469, %swap3A_1470, %swap3A_1471], %swap3A_1474 {strides = array<i32>} : memref<33x32x1024xf32, #tpu.memory_space<vmem>>, vector<1x32x1024xf32>,
    %swap3A_1475 = arith.constant 17 : index
    %swap3A_1476 = arith.constant 0 : index
    %swap3A_1477 = arith.constant 0 : index
    %swap3A_1478 = vector.load %arg14[%swap3A_1475, %swap3A_1476, %swap3A_1477] : memref<33x32x1024xf32, #tpu.memory_space<vmem>>, vector<1x32x1024xf32>
    %swap3A_1479 = vector.shape_cast %swap3A_1478 : vector<1x32x1024xf32> to vector<32x1024xf32>
    %swap3A_1480 = vector.shape_cast %add3A_403 : vector<32x1024xf32> to vector<1x32x1024xf32>
    tpu.vector_store %arg14[%swap3A_1475, %swap3A_1476, %swap3A_1477], %swap3A_1480 {strides = array<i32>} : memref<33x32x1024xf32, #tpu.memory_space<vmem>>, vector<1x32x1024xf32>,
    %swap3A_1481 = arith.constant 17 : index
    %swap3A_1482 = arith.constant 0 : index
    %swap3A_1483 = arith.constant 0 : index
    %swap3A_1484 = vector.load %arg15[%swap3A_1481, %swap3A_1482, %swap3A_1483] : memref<33x32x1024xf32, #tpu.memory_space<vmem>>, vector<1x32x1024xf32>
    %swap3A_1485 = vector.shape_cast %swap3A_1484 : vector<1x32x1024xf32> to vector<32x1024xf32>
    %swap3A_1486 = vector.shape_cast %add3A_1149 : vector<32x1024xf32> to vector<1x32x1024xf32>
    tpu.vector_store %arg15[%swap3A_1481, %swap3A_1482, %swap3A_1483], %swap3A_1486 {strides = array<i32>} : memref<33x32x1024xf32, #tpu.memory_space<vmem>>, vector<1x32x1024xf32>,
    %swap3A_1487 = arith.constant 18 : index
    %swap3A_1488 = arith.constant 0 : index
    %swap3A_1489 = arith.constant 0 : index
    %swap3A_1490 = vector.load %arg13[%swap3A_1487, %swap3A_1488, %swap3A_1489] : memref<33x32x1024xf32, #tpu.memory_space<vmem>>, vector<1x32x1024xf32>
    %swap3A_1491 = vector.shape_cast %swap3A_1490 : vector<1x32x1024xf32> to vector<32x1024xf32>
    %swap3A_1492 = vector.shape_cast %add3A_1023 : vector<32x1024xf32> to vector<1x32x1024xf32>
    tpu.vector_store %arg13[%swap3A_1487, %swap3A_1488, %swap3A_1489], %swap3A_1492 {strides = array<i32>} : memref<33x32x1024xf32, #tpu.memory_space<vmem>>, vector<1x32x1024xf32>,
    %swap3A_1493 = arith.constant 18 : index
    %swap3A_1494 = arith.constant 0 : index
    %swap3A_1495 = arith.constant 0 : index
    %swap3A_1496 = vector.load %arg14[%swap3A_1493, %swap3A_1494, %swap3A_1495] : memref<33x32x1024xf32, #tpu.memory_space<vmem>>, vector<1x32x1024xf32>
    %swap3A_1497 = vector.shape_cast %swap3A_1496 : vector<1x32x1024xf32> to vector<32x1024xf32>
    %swap3A_1498 = vector.shape_cast %add3A_422 : vector<32x1024xf32> to vector<1x32x1024xf32>
    tpu.vector_store %arg14[%swap3A_1493, %swap3A_1494, %swap3A_1495], %swap3A_1498 {strides = array<i32>} : memref<33x32x1024xf32, #tpu.memory_space<vmem>>, vector<1x32x1024xf32>,
    %swap3A_1499 = arith.constant 18 : index
    %swap3A_1500 = arith.constant 0 : index
    %swap3A_1501 = arith.constant 0 : index
    %swap3A_1502 = vector.load %arg15[%swap3A_1499, %swap3A_1500, %swap3A_1501] : memref<33x32x1024xf32, #tpu.memory_space<vmem>>, vector<1x32x1024xf32>
    %swap3A_1503 = vector.shape_cast %swap3A_1502 : vector<1x32x1024xf32> to vector<32x1024xf32>
    %swap3A_1504 = vector.shape_cast %add3A_1150 : vector<32x1024xf32> to vector<1x32x1024xf32>
    tpu.vector_store %arg15[%swap3A_1499, %swap3A_1500, %swap3A_1501], %swap3A_1504 {strides = array<i32>} : memref<33x32x1024xf32, #tpu.memory_space<vmem>>, vector<1x32x1024xf32>,
    %swap3A_1505 = arith.constant 19 : index
    %swap3A_1506 = arith.constant 0 : index
    %swap3A_1507 = arith.constant 0 : index
    %swap3A_1508 = vector.load %arg13[%swap3A_1505, %swap3A_1506, %swap3A_1507] : memref<33x32x1024xf32, #tpu.memory_space<vmem>>, vector<1x32x1024xf32>
    %swap3A_1509 = vector.shape_cast %swap3A_1508 : vector<1x32x1024xf32> to vector<32x1024xf32>
    %swap3A_1510 = vector.shape_cast %add3A_1024 : vector<32x1024xf32> to vector<1x32x1024xf32>
    tpu.vector_store %arg13[%swap3A_1505, %swap3A_1506, %swap3A_1507], %swap3A_1510 {strides = array<i32>} : memref<33x32x1024xf32, #tpu.memory_space<vmem>>, vector<1x32x1024xf32>,
    %swap3A_1511 = arith.constant 19 : index
    %swap3A_1512 = arith.constant 0 : index
    %swap3A_1513 = arith.constant 0 : index
    %swap3A_1514 = vector.load %arg14[%swap3A_1511, %swap3A_1512, %swap3A_1513] : memref<33x32x1024xf32, #tpu.memory_space<vmem>>, vector<1x32x1024xf32>
    %swap3A_1515 = vector.shape_cast %swap3A_1514 : vector<1x32x1024xf32> to vector<32x1024xf32>
    %swap3A_1516 = vector.shape_cast %add3A_441 : vector<32x1024xf32> to vector<1x32x1024xf32>
    tpu.vector_store %arg14[%swap3A_1511, %swap3A_1512, %swap3A_1513], %swap3A_1516 {strides = array<i32>} : memref<33x32x1024xf32, #tpu.memory_space<vmem>>, vector<1x32x1024xf32>,
    %swap3A_1517 = arith.constant 19 : index
    %swap3A_1518 = arith.constant 0 : index
    %swap3A_1519 = arith.constant 0 : index
    %swap3A_1520 = vector.load %arg15[%swap3A_1517, %swap3A_1518, %swap3A_1519] : memref<33x32x1024xf32, #tpu.memory_space<vmem>>, vector<1x32x1024xf32>
    %swap3A_1521 = vector.shape_cast %swap3A_1520 : vector<1x32x1024xf32> to vector<32x1024xf32>
    %swap3A_1522 = vector.shape_cast %add3A_1151 : vector<32x1024xf32> to vector<1x32x1024xf32>
    tpu.vector_store %arg15[%swap3A_1517, %swap3A_1518, %swap3A_1519], %swap3A_1522 {strides = array<i32>} : memref<33x32x1024xf32, #tpu.memory_space<vmem>>, vector<1x32x1024xf32>,
    %swap3A_1523 = arith.constant 20 : index
    %swap3A_1524 = arith.constant 0 : index
    %swap3A_1525 = arith.constant 0 : index
    %swap3A_1526 = vector.load %arg13[%swap3A_1523, %swap3A_1524, %swap3A_1525] : memref<33x32x1024xf32, #tpu.memory_space<vmem>>, vector<1x32x1024xf32>
    %swap3A_1527 = vector.shape_cast %swap3A_1526 : vector<1x32x1024xf32> to vector<32x1024xf32>
    %swap3A_1528 = vector.shape_cast %add3A_1025 : vector<32x1024xf32> to vector<1x32x1024xf32>
    tpu.vector_store %arg13[%swap3A_1523, %swap3A_1524, %swap3A_1525], %swap3A_1528 {strides = array<i32>} : memref<33x32x1024xf32, #tpu.memory_space<vmem>>, vector<1x32x1024xf32>,
    %swap3A_1529 = arith.constant 20 : index
    %swap3A_1530 = arith.constant 0 : index
    %swap3A_1531 = arith.constant 0 : index
    %swap3A_1532 = vector.load %arg14[%swap3A_1529, %swap3A_1530, %swap3A_1531] : memref<33x32x1024xf32, #tpu.memory_space<vmem>>, vector<1x32x1024xf32>
    %swap3A_1533 = vector.shape_cast %swap3A_1532 : vector<1x32x1024xf32> to vector<32x1024xf32>
    %swap3A_1534 = vector.shape_cast %add3A_460 : vector<32x1024xf32> to vector<1x32x1024xf32>
    tpu.vector_store %arg14[%swap3A_1529, %swap3A_1530, %swap3A_1531], %swap3A_1534 {strides = array<i32>} : memref<33x32x1024xf32, #tpu.memory_space<vmem>>, vector<1x32x1024xf32>,
    %swap3A_1535 = arith.constant 20 : index
    %swap3A_1536 = arith.constant 0 : index
    %swap3A_1537 = arith.constant 0 : index
    %swap3A_1538 = vector.load %arg15[%swap3A_1535, %swap3A_1536, %swap3A_1537] : memref<33x32x1024xf32, #tpu.memory_space<vmem>>, vector<1x32x1024xf32>
    %swap3A_1539 = vector.shape_cast %swap3A_1538 : vector<1x32x1024xf32> to vector<32x1024xf32>
    %swap3A_1540 = vector.shape_cast %add3A_1152 : vector<32x1024xf32> to vector<1x32x1024xf32>
    tpu.vector_store %arg15[%swap3A_1535, %swap3A_1536, %swap3A_1537], %swap3A_1540 {strides = array<i32>} : memref<33x32x1024xf32, #tpu.memory_space<vmem>>, vector<1x32x1024xf32>,
    %swap3A_1541 = arith.constant 21 : index
    %swap3A_1542 = arith.constant 0 : index
    %swap3A_1543 = arith.constant 0 : index
    %swap3A_1544 = vector.load %arg13[%swap3A_1541, %swap3A_1542, %swap3A_1543] : memref<33x32x1024xf32, #tpu.memory_space<vmem>>, vector<1x32x1024xf32>
    %swap3A_1545 = vector.shape_cast %swap3A_1544 : vector<1x32x1024xf32> to vector<32x1024xf32>
    %swap3A_1546 = vector.shape_cast %add3A_1026 : vector<32x1024xf32> to vector<1x32x1024xf32>
    tpu.vector_store %arg13[%swap3A_1541, %swap3A_1542, %swap3A_1543], %swap3A_1546 {strides = array<i32>} : memref<33x32x1024xf32, #tpu.memory_space<vmem>>, vector<1x32x1024xf32>,
    %swap3A_1547 = arith.constant 21 : index
    %swap3A_1548 = arith.constant 0 : index
    %swap3A_1549 = arith.constant 0 : index
    %swap3A_1550 = vector.load %arg14[%swap3A_1547, %swap3A_1548, %swap3A_1549] : memref<33x32x1024xf32, #tpu.memory_space<vmem>>, vector<1x32x1024xf32>
    %swap3A_1551 = vector.shape_cast %swap3A_1550 : vector<1x32x1024xf32> to vector<32x1024xf32>
    %swap3A_1552 = vector.shape_cast %add3A_479 : vector<32x1024xf32> to vector<1x32x1024xf32>
    tpu.vector_store %arg14[%swap3A_1547, %swap3A_1548, %swap3A_1549], %swap3A_1552 {strides = array<i32>} : memref<33x32x1024xf32, #tpu.memory_space<vmem>>, vector<1x32x1024xf32>,
    %swap3A_1553 = arith.constant 21 : index
    %swap3A_1554 = arith.constant 0 : index
    %swap3A_1555 = arith.constant 0 : index
    %swap3A_1556 = vector.load %arg15[%swap3A_1553, %swap3A_1554, %swap3A_1555] : memref<33x32x1024xf32, #tpu.memory_space<vmem>>, vector<1x32x1024xf32>
    %swap3A_1557 = vector.shape_cast %swap3A_1556 : vector<1x32x1024xf32> to vector<32x1024xf32>
    %swap3A_1558 = vector.shape_cast %add3A_1153 : vector<32x1024xf32> to vector<1x32x1024xf32>
    tpu.vector_store %arg15[%swap3A_1553, %swap3A_1554, %swap3A_1555], %swap3A_1558 {strides = array<i32>} : memref<33x32x1024xf32, #tpu.memory_space<vmem>>, vector<1x32x1024xf32>,
    %swap3A_1559 = arith.constant 22 : index
    %swap3A_1560 = arith.constant 0 : index
    %swap3A_1561 = arith.constant 0 : index
    %swap3A_1562 = vector.load %arg13[%swap3A_1559, %swap3A_1560, %swap3A_1561] : memref<33x32x1024xf32, #tpu.memory_space<vmem>>, vector<1x32x1024xf32>
    %swap3A_1563 = vector.shape_cast %swap3A_1562 : vector<1x32x1024xf32> to vector<32x1024xf32>
    %swap3A_1564 = vector.shape_cast %add3A_1027 : vector<32x1024xf32> to vector<1x32x1024xf32>
    tpu.vector_store %arg13[%swap3A_1559, %swap3A_1560, %swap3A_1561], %swap3A_1564 {strides = array<i32>} : memref<33x32x1024xf32, #tpu.memory_space<vmem>>, vector<1x32x1024xf32>,
    %swap3A_1565 = arith.constant 22 : index
    %swap3A_1566 = arith.constant 0 : index
    %swap3A_1567 = arith.constant 0 : index
    %swap3A_1568 = vector.load %arg14[%swap3A_1565, %swap3A_1566, %swap3A_1567] : memref<33x32x1024xf32, #tpu.memory_space<vmem>>, vector<1x32x1024xf32>
    %swap3A_1569 = vector.shape_cast %swap3A_1568 : vector<1x32x1024xf32> to vector<32x1024xf32>
    %swap3A_1570 = vector.shape_cast %add3A_498 : vector<32x1024xf32> to vector<1x32x1024xf32>
    tpu.vector_store %arg14[%swap3A_1565, %swap3A_1566, %swap3A_1567], %swap3A_1570 {strides = array<i32>} : memref<33x32x1024xf32, #tpu.memory_space<vmem>>, vector<1x32x1024xf32>,
    %swap3A_1571 = arith.constant 22 : index
    %swap3A_1572 = arith.constant 0 : index
    %swap3A_1573 = arith.constant 0 : index
    %swap3A_1574 = vector.load %arg15[%swap3A_1571, %swap3A_1572, %swap3A_1573] : memref<33x32x1024xf32, #tpu.memory_space<vmem>>, vector<1x32x1024xf32>
    %swap3A_1575 = vector.shape_cast %swap3A_1574 : vector<1x32x1024xf32> to vector<32x1024xf32>
    %swap3A_1576 = vector.shape_cast %add3A_1154 : vector<32x1024xf32> to vector<1x32x1024xf32>
    tpu.vector_store %arg15[%swap3A_1571, %swap3A_1572, %swap3A_1573], %swap3A_1576 {strides = array<i32>} : memref<33x32x1024xf32, #tpu.memory_space<vmem>>, vector<1x32x1024xf32>,
    %swap3A_1577 = arith.constant 23 : index
    %swap3A_1578 = arith.constant 0 : index
    %swap3A_1579 = arith.constant 0 : index
    %swap3A_1580 = vector.load %arg13[%swap3A_1577, %swap3A_1578, %swap3A_1579] : memref<33x32x1024xf32, #tpu.memory_space<vmem>>, vector<1x32x1024xf32>
    %swap3A_1581 = vector.shape_cast %swap3A_1580 : vector<1x32x1024xf32> to vector<32x1024xf32>
    %swap3A_1582 = vector.shape_cast %add3A_1028 : vector<32x1024xf32> to vector<1x32x1024xf32>
    tpu.vector_store %arg13[%swap3A_1577, %swap3A_1578, %swap3A_1579], %swap3A_1582 {strides = array<i32>} : memref<33x32x1024xf32, #tpu.memory_space<vmem>>, vector<1x32x1024xf32>,
    %swap3A_1583 = arith.constant 23 : index
    %swap3A_1584 = arith.constant 0 : index
    %swap3A_1585 = arith.constant 0 : index
    %swap3A_1586 = vector.load %arg14[%swap3A_1583, %swap3A_1584, %swap3A_1585] : memref<33x32x1024xf32, #tpu.memory_space<vmem>>, vector<1x32x1024xf32>
    %swap3A_1587 = vector.shape_cast %swap3A_1586 : vector<1x32x1024xf32> to vector<32x1024xf32>
    %swap3A_1588 = vector.shape_cast %add3A_517 : vector<32x1024xf32> to vector<1x32x1024xf32>
    tpu.vector_store %arg14[%swap3A_1583, %swap3A_1584, %swap3A_1585], %swap3A_1588 {strides = array<i32>} : memref<33x32x1024xf32, #tpu.memory_space<vmem>>, vector<1x32x1024xf32>,
    %swap3A_1589 = arith.constant 23 : index
    %swap3A_1590 = arith.constant 0 : index
    %swap3A_1591 = arith.constant 0 : index
    %swap3A_1592 = vector.load %arg15[%swap3A_1589, %swap3A_1590, %swap3A_1591] : memref<33x32x1024xf32, #tpu.memory_space<vmem>>, vector<1x32x1024xf32>
    %swap3A_1593 = vector.shape_cast %swap3A_1592 : vector<1x32x1024xf32> to vector<32x1024xf32>
    %swap3A_1594 = vector.shape_cast %add3A_1155 : vector<32x1024xf32> to vector<1x32x1024xf32>
    tpu.vector_store %arg15[%swap3A_1589, %swap3A_1590, %swap3A_1591], %swap3A_1594 {strides = array<i32>} : memref<33x32x1024xf32, #tpu.memory_space<vmem>>, vector<1x32x1024xf32>,
    %swap3A_1595 = arith.constant 24 : index
    %swap3A_1596 = arith.constant 0 : index
    %swap3A_1597 = arith.constant 0 : index
    %swap3A_1598 = vector.load %arg13[%swap3A_1595, %swap3A_1596, %swap3A_1597] : memref<33x32x1024xf32, #tpu.memory_space<vmem>>, vector<1x32x1024xf32>
    %swap3A_1599 = vector.shape_cast %swap3A_1598 : vector<1x32x1024xf32> to vector<32x1024xf32>
    %swap3A_1600 = vector.shape_cast %add3A_1029 : vector<32x1024xf32> to vector<1x32x1024xf32>
    tpu.vector_store %arg13[%swap3A_1595, %swap3A_1596, %swap3A_1597], %swap3A_1600 {strides = array<i32>} : memref<33x32x1024xf32, #tpu.memory_space<vmem>>, vector<1x32x1024xf32>,
    %swap3A_1601 = arith.constant 24 : index
    %swap3A_1602 = arith.constant 0 : index
    %swap3A_1603 = arith.constant 0 : index
    %swap3A_1604 = vector.load %arg14[%swap3A_1601, %swap3A_1602, %swap3A_1603] : memref<33x32x1024xf32, #tpu.memory_space<vmem>>, vector<1x32x1024xf32>
    %swap3A_1605 = vector.shape_cast %swap3A_1604 : vector<1x32x1024xf32> to vector<32x1024xf32>
    %swap3A_1606 = vector.shape_cast %add3A_536 : vector<32x1024xf32> to vector<1x32x1024xf32>
    tpu.vector_store %arg14[%swap3A_1601, %swap3A_1602, %swap3A_1603], %swap3A_1606 {strides = array<i32>} : memref<33x32x1024xf32, #tpu.memory_space<vmem>>, vector<1x32x1024xf32>,
    %swap3A_1607 = arith.constant 24 : index
    %swap3A_1608 = arith.constant 0 : index
    %swap3A_1609 = arith.constant 0 : index
    %swap3A_1610 = vector.load %arg15[%swap3A_1607, %swap3A_1608, %swap3A_1609] : memref<33x32x1024xf32, #tpu.memory_space<vmem>>, vector<1x32x1024xf32>
    %swap3A_1611 = vector.shape_cast %swap3A_1610 : vector<1x32x1024xf32> to vector<32x1024xf32>
    %swap3A_1612 = vector.shape_cast %add3A_1156 : vector<32x1024xf32> to vector<1x32x1024xf32>
    tpu.vector_store %arg15[%swap3A_1607, %swap3A_1608, %swap3A_1609], %swap3A_1612 {strides = array<i32>} : memref<33x32x1024xf32, #tpu.memory_space<vmem>>, vector<1x32x1024xf32>,
    %swap3A_1613 = arith.constant 25 : index
    %swap3A_1614 = arith.constant 0 : index
    %swap3A_1615 = arith.constant 0 : index
    %swap3A_1616 = vector.load %arg13[%swap3A_1613, %swap3A_1614, %swap3A_1615] : memref<33x32x1024xf32, #tpu.memory_space<vmem>>, vector<1x32x1024xf32>
    %swap3A_1617 = vector.shape_cast %swap3A_1616 : vector<1x32x1024xf32> to vector<32x1024xf32>
    %swap3A_1618 = vector.shape_cast %add3A_1030 : vector<32x1024xf32> to vector<1x32x1024xf32>
    tpu.vector_store %arg13[%swap3A_1613, %swap3A_1614, %swap3A_1615], %swap3A_1618 {strides = array<i32>} : memref<33x32x1024xf32, #tpu.memory_space<vmem>>, vector<1x32x1024xf32>,
    %swap3A_1619 = arith.constant 25 : index
    %swap3A_1620 = arith.constant 0 : index
    %swap3A_1621 = arith.constant 0 : index
    %swap3A_1622 = vector.load %arg14[%swap3A_1619, %swap3A_1620, %swap3A_1621] : memref<33x32x1024xf32, #tpu.memory_space<vmem>>, vector<1x32x1024xf32>
    %swap3A_1623 = vector.shape_cast %swap3A_1622 : vector<1x32x1024xf32> to vector<32x1024xf32>
    %swap3A_1624 = vector.shape_cast %add3A_555 : vector<32x1024xf32> to vector<1x32x1024xf32>
    tpu.vector_store %arg14[%swap3A_1619, %swap3A_1620, %swap3A_1621], %swap3A_1624 {strides = array<i32>} : memref<33x32x1024xf32, #tpu.memory_space<vmem>>, vector<1x32x1024xf32>,
    %swap3A_1625 = arith.constant 25 : index
    %swap3A_1626 = arith.constant 0 : index
    %swap3A_1627 = arith.constant 0 : index
    %swap3A_1628 = vector.load %arg15[%swap3A_1625, %swap3A_1626, %swap3A_1627] : memref<33x32x1024xf32, #tpu.memory_space<vmem>>, vector<1x32x1024xf32>
    %swap3A_1629 = vector.shape_cast %swap3A_1628 : vector<1x32x1024xf32> to vector<32x1024xf32>
    %swap3A_1630 = vector.shape_cast %add3A_1157 : vector<32x1024xf32> to vector<1x32x1024xf32>
    tpu.vector_store %arg15[%swap3A_1625, %swap3A_1626, %swap3A_1627], %swap3A_1630 {strides = array<i32>} : memref<33x32x1024xf32, #tpu.memory_space<vmem>>, vector<1x32x1024xf32>,
    %swap3A_1631 = arith.constant 26 : index
    %swap3A_1632 = arith.constant 0 : index
    %swap3A_1633 = arith.constant 0 : index
    %swap3A_1634 = vector.load %arg13[%swap3A_1631, %swap3A_1632, %swap3A_1633] : memref<33x32x1024xf32, #tpu.memory_space<vmem>>, vector<1x32x1024xf32>
    %swap3A_1635 = vector.shape_cast %swap3A_1634 : vector<1x32x1024xf32> to vector<32x1024xf32>
    %swap3A_1636 = vector.shape_cast %add3A_1031 : vector<32x1024xf32> to vector<1x32x1024xf32>
    tpu.vector_store %arg13[%swap3A_1631, %swap3A_1632, %swap3A_1633], %swap3A_1636 {strides = array<i32>} : memref<33x32x1024xf32, #tpu.memory_space<vmem>>, vector<1x32x1024xf32>,
    %swap3A_1637 = arith.constant 26 : index
    %swap3A_1638 = arith.constant 0 : index
    %swap3A_1639 = arith.constant 0 : index
    %swap3A_1640 = vector.load %arg14[%swap3A_1637, %swap3A_1638, %swap3A_1639] : memref<33x32x1024xf32, #tpu.memory_space<vmem>>, vector<1x32x1024xf32>
    %swap3A_1641 = vector.shape_cast %swap3A_1640 : vector<1x32x1024xf32> to vector<32x1024xf32>
    %swap3A_1642 = vector.shape_cast %add3A_574 : vector<32x1024xf32> to vector<1x32x1024xf32>
    tpu.vector_store %arg14[%swap3A_1637, %swap3A_1638, %swap3A_1639], %swap3A_1642 {strides = array<i32>} : memref<33x32x1024xf32, #tpu.memory_space<vmem>>, vector<1x32x1024xf32>,
    %swap3A_1643 = arith.constant 26 : index
    %swap3A_1644 = arith.constant 0 : index
    %swap3A_1645 = arith.constant 0 : index
    %swap3A_1646 = vector.load %arg15[%swap3A_1643, %swap3A_1644, %swap3A_1645] : memref<33x32x1024xf32, #tpu.memory_space<vmem>>, vector<1x32x1024xf32>
    %swap3A_1647 = vector.shape_cast %swap3A_1646 : vector<1x32x1024xf32> to vector<32x1024xf32>
    %swap3A_1648 = vector.shape_cast %add3A_1158 : vector<32x1024xf32> to vector<1x32x1024xf32>
    tpu.vector_store %arg15[%swap3A_1643, %swap3A_1644, %swap3A_1645], %swap3A_1648 {strides = array<i32>} : memref<33x32x1024xf32, #tpu.memory_space<vmem>>, vector<1x32x1024xf32>,
    %swap3A_1649 = arith.constant 27 : index
    %swap3A_1650 = arith.constant 0 : index
    %swap3A_1651 = arith.constant 0 : index
    %swap3A_1652 = vector.load %arg13[%swap3A_1649, %swap3A_1650, %swap3A_1651] : memref<33x32x1024xf32, #tpu.memory_space<vmem>>, vector<1x32x1024xf32>
    %swap3A_1653 = vector.shape_cast %swap3A_1652 : vector<1x32x1024xf32> to vector<32x1024xf32>
    %swap3A_1654 = vector.shape_cast %add3A_1032 : vector<32x1024xf32> to vector<1x32x1024xf32>
    tpu.vector_store %arg13[%swap3A_1649, %swap3A_1650, %swap3A_1651], %swap3A_1654 {strides = array<i32>} : memref<33x32x1024xf32, #tpu.memory_space<vmem>>, vector<1x32x1024xf32>,
    %swap3A_1655 = arith.constant 27 : index
    %swap3A_1656 = arith.constant 0 : index
    %swap3A_1657 = arith.constant 0 : index
    %swap3A_1658 = vector.load %arg14[%swap3A_1655, %swap3A_1656, %swap3A_1657] : memref<33x32x1024xf32, #tpu.memory_space<vmem>>, vector<1x32x1024xf32>
    %swap3A_1659 = vector.shape_cast %swap3A_1658 : vector<1x32x1024xf32> to vector<32x1024xf32>
    %swap3A_1660 = vector.shape_cast %add3A_593 : vector<32x1024xf32> to vector<1x32x1024xf32>
    tpu.vector_store %arg14[%swap3A_1655, %swap3A_1656, %swap3A_1657], %swap3A_1660 {strides = array<i32>} : memref<33x32x1024xf32, #tpu.memory_space<vmem>>, vector<1x32x1024xf32>,
    %swap3A_1661 = arith.constant 27 : index
    %swap3A_1662 = arith.constant 0 : index
    %swap3A_1663 = arith.constant 0 : index
    %swap3A_1664 = vector.load %arg15[%swap3A_1661, %swap3A_1662, %swap3A_1663] : memref<33x32x1024xf32, #tpu.memory_space<vmem>>, vector<1x32x1024xf32>
    %swap3A_1665 = vector.shape_cast %swap3A_1664 : vector<1x32x1024xf32> to vector<32x1024xf32>
    %swap3A_1666 = vector.shape_cast %add3A_1159 : vector<32x1024xf32> to vector<1x32x1024xf32>
    tpu.vector_store %arg15[%swap3A_1661, %swap3A_1662, %swap3A_1663], %swap3A_1666 {strides = array<i32>} : memref<33x32x1024xf32, #tpu.memory_space<vmem>>, vector<1x32x1024xf32>,
    %swap3A_1667 = arith.constant 28 : index
    %swap3A_1668 = arith.constant 0 : index
    %swap3A_1669 = arith.constant 0 : index
    %swap3A_1670 = vector.load %arg13[%swap3A_1667, %swap3A_1668, %swap3A_1669] : memref<33x32x1024xf32, #tpu.memory_space<vmem>>, vector<1x32x1024xf32>
    %swap3A_1671 = vector.shape_cast %swap3A_1670 : vector<1x32x1024xf32> to vector<32x1024xf32>
    %swap3A_1672 = vector.shape_cast %add3A_1033 : vector<32x1024xf32> to vector<1x32x1024xf32>
    tpu.vector_store %arg13[%swap3A_1667, %swap3A_1668, %swap3A_1669], %swap3A_1672 {strides = array<i32>} : memref<33x32x1024xf32, #tpu.memory_space<vmem>>, vector<1x32x1024xf32>,
    %swap3A_1673 = arith.constant 28 : index
    %swap3A_1674 = arith.constant 0 : index
    %swap3A_1675 = arith.constant 0 : index
    %swap3A_1676 = vector.load %arg14[%swap3A_1673, %swap3A_1674, %swap3A_1675] : memref<33x32x1024xf32, #tpu.memory_space<vmem>>, vector<1x32x1024xf32>
    %swap3A_1677 = vector.shape_cast %swap3A_1676 : vector<1x32x1024xf32> to vector<32x1024xf32>
    %swap3A_1678 = vector.shape_cast %add3A_612 : vector<32x1024xf32> to vector<1x32x1024xf32>
    tpu.vector_store %arg14[%swap3A_1673, %swap3A_1674, %swap3A_1675], %swap3A_1678 {strides = array<i32>} : memref<33x32x1024xf32, #tpu.memory_space<vmem>>, vector<1x32x1024xf32>,
    %swap3A_1679 = arith.constant 28 : index
    %swap3A_1680 = arith.constant 0 : index
    %swap3A_1681 = arith.constant 0 : index
    %swap3A_1682 = vector.load %arg15[%swap3A_1679, %swap3A_1680, %swap3A_1681] : memref<33x32x1024xf32, #tpu.memory_space<vmem>>, vector<1x32x1024xf32>
    %swap3A_1683 = vector.shape_cast %swap3A_1682 : vector<1x32x1024xf32> to vector<32x1024xf32>
    %swap3A_1684 = vector.shape_cast %add3A_1160 : vector<32x1024xf32> to vector<1x32x1024xf32>
    tpu.vector_store %arg15[%swap3A_1679, %swap3A_1680, %swap3A_1681], %swap3A_1684 {strides = array<i32>} : memref<33x32x1024xf32, #tpu.memory_space<vmem>>, vector<1x32x1024xf32>,
    %swap3A_1685 = arith.constant 29 : index
    %swap3A_1686 = arith.constant 0 : index
    %swap3A_1687 = arith.constant 0 : index
    %swap3A_1688 = vector.load %arg13[%swap3A_1685, %swap3A_1686, %swap3A_1687] : memref<33x32x1024xf32, #tpu.memory_space<vmem>>, vector<1x32x1024xf32>
    %swap3A_1689 = vector.shape_cast %swap3A_1688 : vector<1x32x1024xf32> to vector<32x1024xf32>
    %swap3A_1690 = vector.shape_cast %add3A_1034 : vector<32x1024xf32> to vector<1x32x1024xf32>
    tpu.vector_store %arg13[%swap3A_1685, %swap3A_1686, %swap3A_1687], %swap3A_1690 {strides = array<i32>} : memref<33x32x1024xf32, #tpu.memory_space<vmem>>, vector<1x32x1024xf32>,
    %swap3A_1691 = arith.constant 29 : index
    %swap3A_1692 = arith.constant 0 : index
    %swap3A_1693 = arith.constant 0 : index
    %swap3A_1694 = vector.load %arg14[%swap3A_1691, %swap3A_1692, %swap3A_1693] : memref<33x32x1024xf32, #tpu.memory_space<vmem>>, vector<1x32x1024xf32>
    %swap3A_1695 = vector.shape_cast %swap3A_1694 : vector<1x32x1024xf32> to vector<32x1024xf32>
    %swap3A_1696 = vector.shape_cast %add3A_631 : vector<32x1024xf32> to vector<1x32x1024xf32>
    tpu.vector_store %arg14[%swap3A_1691, %swap3A_1692, %swap3A_1693], %swap3A_1696 {strides = array<i32>} : memref<33x32x1024xf32, #tpu.memory_space<vmem>>, vector<1x32x1024xf32>,
    %swap3A_1697 = arith.constant 29 : index
    %swap3A_1698 = arith.constant 0 : index
    %swap3A_1699 = arith.constant 0 : index
    %swap3A_1700 = vector.load %arg15[%swap3A_1697, %swap3A_1698, %swap3A_1699] : memref<33x32x1024xf32, #tpu.memory_space<vmem>>, vector<1x32x1024xf32>
    %swap3A_1701 = vector.shape_cast %swap3A_1700 : vector<1x32x1024xf32> to vector<32x1024xf32>
    %swap3A_1702 = vector.shape_cast %add3A_1161 : vector<32x1024xf32> to vector<1x32x1024xf32>
    tpu.vector_store %arg15[%swap3A_1697, %swap3A_1698, %swap3A_1699], %swap3A_1702 {strides = array<i32>} : memref<33x32x1024xf32, #tpu.memory_space<vmem>>, vector<1x32x1024xf32>,
    %swap3A_1703 = arith.constant 30 : index
    %swap3A_1704 = arith.constant 0 : index
    %swap3A_1705 = arith.constant 0 : index
    %swap3A_1706 = vector.load %arg13[%swap3A_1703, %swap3A_1704, %swap3A_1705] : memref<33x32x1024xf32, #tpu.memory_space<vmem>>, vector<1x32x1024xf32>
    %swap3A_1707 = vector.shape_cast %swap3A_1706 : vector<1x32x1024xf32> to vector<32x1024xf32>
    %swap3A_1708 = vector.shape_cast %add3A_1035 : vector<32x1024xf32> to vector<1x32x1024xf32>
    tpu.vector_store %arg13[%swap3A_1703, %swap3A_1704, %swap3A_1705], %swap3A_1708 {strides = array<i32>} : memref<33x32x1024xf32, #tpu.memory_space<vmem>>, vector<1x32x1024xf32>,
    %swap3A_1709 = arith.constant 30 : index
    %swap3A_1710 = arith.constant 0 : index
    %swap3A_1711 = arith.constant 0 : index
    %swap3A_1712 = vector.load %arg14[%swap3A_1709, %swap3A_1710, %swap3A_1711] : memref<33x32x1024xf32, #tpu.memory_space<vmem>>, vector<1x32x1024xf32>
    %swap3A_1713 = vector.shape_cast %swap3A_1712 : vector<1x32x1024xf32> to vector<32x1024xf32>
    %swap3A_1714 = vector.shape_cast %add3A_650 : vector<32x1024xf32> to vector<1x32x1024xf32>
    tpu.vector_store %arg14[%swap3A_1709, %swap3A_1710, %swap3A_1711], %swap3A_1714 {strides = array<i32>} : memref<33x32x1024xf32, #tpu.memory_space<vmem>>, vector<1x32x1024xf32>,
    %swap3A_1715 = arith.constant 30 : index
    %swap3A_1716 = arith.constant 0 : index
    %swap3A_1717 = arith.constant 0 : index
    %swap3A_1718 = vector.load %arg15[%swap3A_1715, %swap3A_1716, %swap3A_1717] : memref<33x32x1024xf32, #tpu.memory_space<vmem>>, vector<1x32x1024xf32>
    %swap3A_1719 = vector.shape_cast %swap3A_1718 : vector<1x32x1024xf32> to vector<32x1024xf32>
    %swap3A_1720 = vector.shape_cast %add3A_1162 : vector<32x1024xf32> to vector<1x32x1024xf32>
    tpu.vector_store %arg15[%swap3A_1715, %swap3A_1716, %swap3A_1717], %swap3A_1720 {strides = array<i32>} : memref<33x32x1024xf32, #tpu.memory_space<vmem>>, vector<1x32x1024xf32>,
    %swap3A_1721 = arith.constant 31 : index
    %swap3A_1722 = arith.constant 0 : index
    %swap3A_1723 = arith.constant 0 : index
    %swap3A_1724 = vector.load %arg13[%swap3A_1721, %swap3A_1722, %swap3A_1723] : memref<33x32x1024xf32, #tpu.memory_space<vmem>>, vector<1x32x1024xf32>
    %swap3A_1725 = vector.shape_cast %swap3A_1724 : vector<1x32x1024xf32> to vector<32x1024xf32>
    %swap3A_1726 = vector.shape_cast %add3A_1036 : vector<32x1024xf32> to vector<1x32x1024xf32>
    tpu.vector_store %arg13[%swap3A_1721, %swap3A_1722, %swap3A_1723], %swap3A_1726 {strides = array<i32>} : memref<33x32x1024xf32, #tpu.memory_space<vmem>>, vector<1x32x1024xf32>,
    %swap3A_1727 = arith.constant 31 : index
    %swap3A_1728 = arith.constant 0 : index
    %swap3A_1729 = arith.constant 0 : index
    %swap3A_1730 = vector.load %arg14[%swap3A_1727, %swap3A_1728, %swap3A_1729] : memref<33x32x1024xf32, #tpu.memory_space<vmem>>, vector<1x32x1024xf32>
    %swap3A_1731 = vector.shape_cast %swap3A_1730 : vector<1x32x1024xf32> to vector<32x1024xf32>
    %swap3A_1732 = vector.shape_cast %add3A_669 : vector<32x1024xf32> to vector<1x32x1024xf32>
    tpu.vector_store %arg14[%swap3A_1727, %swap3A_1728, %swap3A_1729], %swap3A_1732 {strides = array<i32>} : memref<33x32x1024xf32, #tpu.memory_space<vmem>>, vector<1x32x1024xf32>,
    %swap3A_1733 = arith.constant 31 : index
    %swap3A_1734 = arith.constant 0 : index
    %swap3A_1735 = arith.constant 0 : index
    %swap3A_1736 = vector.load %arg15[%swap3A_1733, %swap3A_1734, %swap3A_1735] : memref<33x32x1024xf32, #tpu.memory_space<vmem>>, vector<1x32x1024xf32>
    %swap3A_1737 = vector.shape_cast %swap3A_1736 : vector<1x32x1024xf32> to vector<32x1024xf32>
    %swap3A_1738 = vector.shape_cast %add3A_1163 : vector<32x1024xf32> to vector<1x32x1024xf32>
    tpu.vector_store %arg15[%swap3A_1733, %swap3A_1734, %swap3A_1735], %swap3A_1738 {strides = array<i32>} : memref<33x32x1024xf32, #tpu.memory_space<vmem>>, vector<1x32x1024xf32>,
    %swap3A_1739 = arith.constant 32 : index
    %swap3A_1740 = arith.constant 0 : index
    %swap3A_1741 = arith.constant 0 : index
    %swap3A_1742 = vector.load %arg13[%swap3A_1739, %swap3A_1740, %swap3A_1741] : memref<33x32x1024xf32, #tpu.memory_space<vmem>>, vector<1x32x1024xf32>
    %swap3A_1743 = vector.shape_cast %swap3A_1742 : vector<1x32x1024xf32> to vector<32x1024xf32>
    %swap3A_1744 = vector.shape_cast %add3A_1037 : vector<32x1024xf32> to vector<1x32x1024xf32>
    tpu.vector_store %arg13[%swap3A_1739, %swap3A_1740, %swap3A_1741], %swap3A_1744 {strides = array<i32>} : memref<33x32x1024xf32, #tpu.memory_space<vmem>>, vector<1x32x1024xf32>,
    %swap3A_1745 = arith.constant 32 : index
    %swap3A_1746 = arith.constant 0 : index
    %swap3A_1747 = arith.constant 0 : index
    %swap3A_1748 = vector.load %arg14[%swap3A_1745, %swap3A_1746, %swap3A_1747] : memref<33x32x1024xf32, #tpu.memory_space<vmem>>, vector<1x32x1024xf32>
    %swap3A_1749 = vector.shape_cast %swap3A_1748 : vector<1x32x1024xf32> to vector<32x1024xf32>
    %swap3A_1750 = vector.shape_cast %add3A_688 : vector<32x1024xf32> to vector<1x32x1024xf32>
    tpu.vector_store %arg14[%swap3A_1745, %swap3A_1746, %swap3A_1747], %swap3A_1750 {strides = array<i32>} : memref<33x32x1024xf32, #tpu.memory_space<vmem>>, vector<1x32x1024xf32>,
    %swap3A_1751 = arith.constant 32 : index
    %swap3A_1752 = arith.constant 0 : index
    %swap3A_1753 = arith.constant 0 : index
    %swap3A_1754 = vector.load %arg15[%swap3A_1751, %swap3A_1752, %swap3A_1753] : memref<33x32x1024xf32, #tpu.memory_space<vmem>>, vector<1x32x1024xf32>
    %swap3A_1755 = vector.shape_cast %swap3A_1754 : vector<1x32x1024xf32> to vector<32x1024xf32>
    %swap3A_1756 = vector.shape_cast %add3A_1131 : vector<32x1024xf32> to vector<1x32x1024xf32>
    tpu.vector_store %arg15[%swap3A_1751, %swap3A_1752, %swap3A_1753], %swap3A_1756 {strides = array<i32>} : memref<33x32x1024xf32, #tpu.memory_space<vmem>>, vector<1x32x1024xf32>,
    %mul3A_1757 = arith.mulf %get3A_4, %add3A_1005 : vector<32x1024xf32>
    %swap3A_1758 = arith.constant 0 : index
    %swap3A_1759 = arith.constant 0 : index
    %swap3A_1760 = arith.constant 0 : index
    %swap3A_1761 = vector.load %arg16[%swap3A_1758, %swap3A_1759, %swap3A_1760] : memref<2x32x1024xf32, #tpu.memory_space<vmem>>, vector<1x32x1024xf32>
    %swap3A_1762 = vector.shape_cast %swap3A_1761 : vector<1x32x1024xf32> to vector<32x1024xf32>
    %swap3A_1763 = vector.shape_cast %mul3A_1757 : vector<32x1024xf32> to vector<1x32x1024xf32>
    tpu.vector_store %arg16[%swap3A_1758, %swap3A_1759, %swap3A_1760], %swap3A_1763 {strides = array<i32>} : memref<2x32x1024xf32, #tpu.memory_space<vmem>>, vector<1x32x1024xf32>,
    %broadcast_in_dim3A_1764 = arith.constant 1.1920929E-7 : f32
    %broadcast_in_dim3A_1765 = vector.broadcast %broadcast_in_dim3A_1764 : f32 to vector<32x1024xf32>
    %mul3A_1766 = arith.mulf %broadcast_in_dim3A_1765, %add3A_1005 : vector<32x1024xf32>
    %swap3A_1767 = arith.constant 1 : index
    %swap3A_1768 = arith.constant 0 : index
    %swap3A_1769 = arith.constant 0 : index
    %swap3A_1770 = vector.load %arg16[%swap3A_1767, %swap3A_1768, %swap3A_1769] : memref<2x32x1024xf32, #tpu.memory_space<vmem>>, vector<1x32x1024xf32>
    %swap3A_1771 = vector.shape_cast %swap3A_1770 : vector<1x32x1024xf32> to vector<32x1024xf32>
    %swap3A_1772 = vector.shape_cast %mul3A_1766 : vector<32x1024xf32> to vector<1x32x1024xf32>
    tpu.vector_store %arg16[%swap3A_1767, %swap3A_1768, %swap3A_1769], %swap3A_1772 {strides = array<i32>} : memref<2x32x1024xf32, #tpu.memory_space<vmem>>, vector<1x32x1024xf32>,
    return
  }
}

</mosaic_0001>

<sc_bundles>
// kernel: kernel.4.cloned.1.call-start
scs
__scs_entry_jumppad:
0x0: {  	(pc) =	sbr.rel $0x88, $3  }
0x1: {  	(tag) =	ssettag $0x0;
	lr =	simm.s32 $0x1  }
0x2: {  	[smem:$0x3F94] =	sst lr;
	_ =	strace $0xD0000000  }
0x3: {  	_ = 	snop  }
0x4: {  	_ = 	snop  }
0x5: {  	_ = 	snop  }
0x6: {  	_ = 	snop  }
0x7: {  	_ = 	snop  }
__scs_overlays_trampoline_lowered:
0x8: {  	[smem:$0x3FA3] =	sst s0  }
0x9: {  	[smem:$0x3FA4] =	sst s1  }
0xa: {  	[smem:$0x3FA5] =	sst s2  }
0xb: {  	[smem:$0x3FA6] =	sst s3  }
0xc: {  	[smem:$0x3FA7] =	sst s4  }
0xd: {  	[smem:$0x3FA8] =	sst s5  }
0xe: {  	[smem:$0x3FA9] =	sst s6  }
0xf: {  	[smem:$0x3FAA] =	sst s7  }
0x10: {  	[smem:$0x3FAB] =	sst s8  }
0x11: {  	[smem:$0x3FAC] =	sst s9;
	s0 =	simm.s32 @!p0 $0x0  }
0x12: {  	s1 =	sld [smem:$0x3F92];
	s0 =	simm.s32 @p0 $0x1  }
0x13: {  	[smem:$0x3FAD] =	sst s0;
	s0 =	simm.s32 @!p1 $0x0  }
0x14: {  	s2 =	sld [smem:$0x3F91];
	s0 =	simm.s32 @p1 $0x1  }
0x15: {  	[smem:$0x3FAE] =	sst s0;
	s0 =	simm.s32 @!p2 $0x0  }
0x16: {  	s3 =	sld [smem:$0x3FDB];
	s0 =	simm.s32 @p2 $0x1  }
0x17: {  	s4 =	simm.s32 $0x1BF5;
	[smem:$0x3FB0] =	sst s0  }
0x18: {  	s0 =	sld [smem:$0x3F93];
	_ =	swait.ge [sflag:s4], $0x0  }
0x19: {  	s7 =	sld [smem:$0x3F94]  }
0x1a: {  	s8 =	sadd.s32 $0xFFFFE003, lr  }
0x1b: {  	s9 =	sadd.s32 $0xFFFFFEF7, lr;
	s5 =	simm.s32 $0xFFFFFFFF;
	p2 =	slt.u32 s8, $0xFFFFF086  }
0x1c: {  	p1 =	slt.u32 s9, $0xF7A;
	s5 =	simm.s32 @!p2 $0x0  }
0x1d: {  	s5 =	simm.s32 @p1 $0x1;
	p0 =	seq.s32 s7, s2  }
0x1e: {  	s7 =	smul.u32 @!p0 $0xF7A, s2;
	p2 =	seq.s32 @!p0 s5, $0x0  }
0x1f: {  	s9 =	smul.u32 $0xF7A, s1;
	s8 =	simm.s32 @!p0 $0x1BF5;
	p2 =	por !p2, p0  }
0x20: {  	[sflag:s8] =	ssyncset.s32 @!p0 $0xFFFFF086;
	s6 =	sadd.s32 @!p0 s3, s7;
	s7 =	simm.s32 @!p0 $0x108  }
0x21: {  	s3 =	sadd.s32 s3, s9;
	s6 =	sadd.s32 @!p0 $0x88, s6;
	s7 =	simm.s32 @p2 $0x1082  }
0x22: {  	[simem:s7], [sflag:s8] =	dma.local @!p0 [hbm:s6], $0xF7A  }
0x23: {  	s9 =	sor.u32 $0xD0000000, s2;
	s6 =	simm.s32 $0x108;
	_ =	swait.ge @!p0 [sflag:s8], $0x0  }
0x24: {  	s3 =	sadd.s32 $0x88, s3;
	s6 =	simm.s32 @!p1 $0x1082;
	[sflag:s4] =	ssyncset.s32 $0xFFFFF086  }
0x25: {  	[simem:s6], [sflag:s4] =	dma.local [hbm:s3], $0xF7A  }
0x26: {  	[smem:$0x3F94] =	sst s1;
	(tag) =	ssettag s2;
	_ =	strace s9  }
0x27: {  	s1 =	sld [smem:$0x3FA4]  }
0x28: {  	s2 =	sld [smem:$0x3FA5]  }
0x29: {  	s4 =	sld [smem:$0x3FA7]  }
0x2a: {  	p0 =	seq.s32 s5, $0x0;
	s5 =	sld [smem:$0x3FA8]  }
0x2b: {  	s6 =	sld [smem:$0x3FA9]  }
0x2c: {  	s7 =	sld [smem:$0x3FAA]  }
0x2d: {  	s3 =	simm.s32 $0x108;
	s8 =	sld [smem:$0x3FAB]  }
0x2e: {  	s3 =	simm.s32 @!p0 $0x1082;
	s9 =	sld [smem:$0x3FAC]  }
0x2f: {  	lr =	sadd.s32 s0, s3;
	s0 =	sld [smem:$0x3FA3]  }
0x30: {  	s3 =	sld [smem:$0x3FA6]  }
0x31: {  	[smem:$0x3FAF] =	sst s10  }
0x32: {  	s10 =	sld [smem:$0x3FAD];
	_ =	sdelay $0x3  }
0x33: {  	p0 =	seq.s32 s10, $0x1;
	s10 =	sld [smem:$0x3FAF];
	_ =	sdelay $0x3  }
0x34: {  	[smem:$0x3FAF] =	sst s10  }
0x35: {  	s10 =	sld [smem:$0x3FAE];
	_ =	sdelay $0x3  }
0x36: {  	p1 =	seq.s32 s10, $0x1;
	s10 =	sld [smem:$0x3FAF];
	_ =	sdelay $0x3  }
0x37: {  	[smem:$0x3FAF] =	sst s10  }
0x38: {  	s10 =	sld [smem:$0x3FB0]  }
0x39: {  	_ = 	snop;
	(pc) =	sbr.ind lr, $3  }
0x3a: {  	_ = 	snop  }
0x3b: {  	_ = 	snop  }
0x3c: {  	p2 =	seq.s32 s10, $0x1;
	s10 =	sld [smem:$0x3FAF]  }
0x3d: {  	_ =	shalt  }
0x3e: {  	_ =	shalt  }
0x3f: {  	_ =	shalt  }
0x40: {  	_ =	shalt  }
0x41: {  	_ =	shalt  }
0x42: {  	_ =	shalt  }
0x43: {  	_ =	shalt  }
0x44: {  	_ =	shalt  }
0x45: {  	_ =	shalt  }
0x46: {  	_ =	shalt  }
0x47: {  	_ =	shalt  }
0x48: {  	_ =	shalt  }
0x49: {  	_ =	shalt  }
0x4a: {  	_ =	shalt  }
0x4b: {  	_ =	shalt  }
0x4c: {  	_ =	shalt  }
0x4d: {  	_ =	shalt  }
0x4e: {  	_ =	shalt  }
0x4f: {  	_ =	shalt  }
0x50: {  	_ =	shalt  }
0x51: {  	_ =	shalt  }
0x52: {  	_ =	shalt  }
0x53: {  	_ =	shalt  }
0x54: {  	_ =	shalt  }
0x55: {  	_ =	shalt  }
0x56: {  	_ =	shalt  }
0x57: {  	_ =	shalt  }
0x58: {  	_ =	shalt  }
0x59: {  	_ =	shalt  }
0x5a: {  	_ =	shalt  }
0x5b: {  	_ =	shalt  }
0x5c: {  	_ =	shalt  }
0x5d: {  	_ =	shalt  }
0x5e: {  	_ =	shalt  }
0x5f: {  	_ =	shalt  }
0x60: {  	_ =	shalt  }
0x61: {  	_ =	shalt  }
0x62: {  	_ =	shalt  }
0x63: {  	_ =	shalt  }
0x64: {  	_ =	shalt  }
0x65: {  	_ =	shalt  }
0x66: {  	_ =	shalt  }
0x67: {  	_ =	shalt  }
0x68: {  	_ =	shalt  }
0x69: {  	_ =	shalt  }
0x6a: {  	_ =	shalt  }
0x6b: {  	_ =	shalt  }
0x6c: {  	_ =	shalt  }
0x6d: {  	_ =	shalt  }
0x6e: {  	_ =	shalt  }
0x6f: {  	_ =	shalt  }
0x70: {  	_ =	shalt  }
0x71: {  	_ =	shalt  }
0x72: {  	_ =	shalt  }
0x73: {  	_ =	shalt  }
0x74: {  	_ =	shalt  }
0x75: {  	_ =	shalt  }
0x76: {  	_ =	shalt  }
0x77: {  	_ =	shalt  }
0x78: {  	_ =	shalt  }
0x79: {  	_ =	shalt  }
0x7a: {  	_ =	shalt  }
0x7b: {  	_ =	shalt  }
0x7c: {  	_ =	shalt  }
0x7d: {  	_ =	shalt  }
0x7e: {  	_ =	shalt  }
0x7f: {  	_ =	shalt  }
0x80: {  	_ =	shalt  }
0x81: {  	_ =	shalt  }
0x82: {  	_ =	shalt  }
0x83: {  	_ =	shalt  }
0x84: {  	_ =	shalt  }
0x85: {  	_ =	shalt  }
0x86: {  	_ =	shalt  }
0x87: {  	_ =	shalt  }
.Lfunc_end0:
.L_simem_size_0:
called_computation_lowered:
.L_overlay_start_0:
0x88: {  	s2 =	sld [smem:$0x3FD9]  }
0x89: {  	s3 =	sld [smem:$0x3FFE];
	_ =	sdelay $0x1  }
0x8a: {  	s1 =	srdreg.scid  }
0x8b: {  	s0 =	sand.u32 $0x1, s1  }
0x8c: {  	s17 =	sshll.u32 s0, $0xA;
	s2 =	sadd.s32 s3, s2  }
0x8d: {  	s2 =	sadd.s32 s2, s17  }
0x8e: {  	[smem:$0x3FBB] =	sst s2  }
0x8f: {  	_ = 	snop  }
0x90: {  	s2 =	sld [smem:$0x3FD0];
	(tm) =	ssettm $0x1  }
0x91: {  	s18 =	sld [smem:$0x3FFB];
	_ =	sdelay $0x3  }
0x92: {  	_ =	strace s18  }
0x93: {  	s3 =	sld [smem:$0x3FFC];
	_ =	sdelay $0x3  }
0x94: {  	_ =	strace s3  }
0x95: {  	s3 =	sld [smem:$0x3FFD];
	_ =	sdelay $0x3  }
0x96: {  	_ =	strace s3  }
0x97: {  	_ =	strace $0x8FFFFFFF  }
0x98: {  	s19 =	sld [smem:$0x3FDB];
	_ =	sdelay $0x1  }
0x99: {  	s4 =	simm.s32 $_scs_section_size  }
0x9a: {  	s5 =	simm.s32 $_size__tile_overlayer_lowered;
	s6 =	simm.s32 $_tile_overlayer_lowered  }
0x9b: {  	s22 =	simm.s32 $0x1BFF;
	s21 =	sshll.u32 s6, $0x1;
	s3 =	sadd.s32 s4, s19  }
0x9c: {  	s7 =	simm.s32 $0x0;
	s20 =	sshll.u32 s5, $0x1;
	s5 =	sadd.s32 s21, s3  }
0x9d: {  	[timem:s7], [sflag:s22] =	dma.local [hbm:s5], s20  }
0x9e: {  	_ =	swait.ge [sflag:s22], s20  }
0x9f: {  	s4 =	ssub.s32 $0x0, s20;
	[sflag:s22] =	ssyncset.done $0x0  }
0xa0: {  	[sflag:s22] =	ssyncadd.s32 s4;
	_ =	sdelay $0x1  }
0xa1: {  	s23 =	simm.s32 $0x1B8B  }
0xa2: {  	_ =	swait.ge [sflag:s23], $0x1  }
0xa3: {  	[sflag:s23] =	ssyncset.done $0x0  }
0xa4: {  	s25 =	simm.s32 $0x1B8E;
	s24 =	sld [smem:$0x3FFE];
	[sflag:s23] =	ssyncadd.s32 $0xFFFFFFFF  }
0xa5: {  	s26 =	simm.s32 $execute0_lowered;
	[smem:$0x3FD2] =	sst s25  }
0xa6: {  	s5 =	sshll.u32 s26, $0x1;
	_ =	strace $0x80000046;
	[dreg:$0x1] =	wrdreg $0xFFFFFFFF  }
0xa7: {  	s28 =	simm.s32 $_size_execute0_lowered;
	s3 =	sadd.s32 s3, s5;
	[dreg:$0x0] =	wrdreg $0x0  }
0xa8: {  	s5 =	sshll.u32 s28, $0x1;
	[dreg:$0x2] =	wrdreg s3  }
0xa9: {  	[dreg:$0x3] =	wrdreg s5  }
0xaa: {  	[dreg:$0x4] =	wrdreg $0xC0  }
0xab: {  	_ =	task [dreg:s7], $0x5FFFF  }
0xac: {  	[dreg:$0x1] =	wrdreg $0xFFFFFFFF  }
0xad: {  	[dreg:$0x0] =	wrdreg $0x60  }
0xae: {  	[dreg:$0x2] =	wrdreg s24  }
0xaf: {  	[dreg:$0x3] =	wrdreg s2  }
0xb0: {  	[dreg:$0x4] =	wrdreg $0x9  }
0xb1: {  	_ =	task.clear_ibuf [dreg:s7], $0x5FFFF;
	_ =	strace $0x90000046  }
0xb2: {  	s29 =	simm.s32 $0x9;
	_ =	strace $0x80000048  }
0xb3: {  	_ =	swait.ge [sflag:s29], $0x1  }
0xb4: {  	[sflag:s29] =	ssyncadd.s32 $0xFFFFFFFF  }
0xb5: {  	_ =	strace $0x90000048  }
0xb6: {  	_ =	sfence  }
0xb7: {  	s30 =	sld [smem:$0x0];
	_ =	sdelay $0x2  }
0xb8: {  	s31 =	sshll.u32 s1, $0xD;
	s1 =	sshrl.u32 s1, $0x2  }
0xb9: {  	s3 =	sand.u32 $0x4000, s31;
	s1 =	sadd.s32 s1, s30  }
0xba: {  	s0 =	sor.u32 s3, s0;
	s1 =	sshll.u32 s1, $0x11  }
0xbb: {  	s0 =	sor.u32 s1, s0  }
0xbc: {  	s0 =	sadd.s32 $0x8F2B, s0  }
0xbd: {  	[sflag:s0] =	ssyncadd.remote.s32 $0x1  }
0xbe: {  	_ =	sfence.sel $0xFFFF  }
0xbf: {  	[dreg:$0x0] =	wrdreg $0xFFFFFFFF;
	(pc) =	sbr.abs _section_cstart, $3  }
0xc0: {  	[dreg:$0x1] =	wrdreg $0xFFFFFFFF  }
0xc1: {  	_ =	task.clear_ibuf [dreg:s7], $0x2FFFF;
	_ =	strace $0x9FFFFFFF  }
0xc2: {  	(tm) =	ssettm $0x7FFFFFFF  }
0xc3: {  	_ =	shalt  }
tec
execute0_lowered:
.L_overlay_start_1:
0x0: {  	(tag) =	ssettag $0x1  }
0x1: {  	s0 =	rddreg [dreg:$0x0]  }
0x2: {  	s1 =	rddreg [dreg:$0x1]  }
0x3: {  	s3 =	srdreg.scid;
	s5 =	stileid.u32;
	s2 =	simm.s32 $0x0  }
0x4: {  	s10 =	simm.s32 $0x80;
	s11 =	simm.s32 $0x8000;
	s31 =	simm.s32 $0x1E600  }
0x5: {  	s13 =	simm.s32 $0xA000;
	s15 =	simm.s32 $0x14000;
	s17 =	simm.s32 $0x400  }
0x6: {  	s19 =	simm.s32 $0x1E800;
	s21 =	simm.s32 $0x0;
	s3 =	sand.u32 $0x1, s3  }
0x7: {  	v0 =	vlaneseq.u32;
	s4 =	sshll.u32 s5, $0x5;
	s5 =	sshll.u32 s5, $0x8;
	[smem:$0x7FF] =	sst s2  }
0x8: {  	v2 =	vimm.s32 $0x0;
	v1 =	vor.u32 $0x4000, v0;
	v3 =	vor.u32 $0x4010, v0;
	s6 =	sshll.u32 s3, $0x4;
	s4 =	sand.u32 $0x60, s4;
	s3 =	ssub.s32 $0x2, s3  }
0x9: {  	v4 =	vor.u32 $0x4020, v0;
	v5 =	vor.u32 $0x4030, v0;
	v6 =	vor.u32 $0x4040, v0;
	s5 =	sand.u32 $0xC00, s5;
	s4 =	sor.u32 s6, s4;
	s30 =	sshrl.u32 s3, $0x1  }
0xa: {  	v7 =	vor.u32 $0x4050, v0;
	v8 =	vor.u32 $0x4060, v0;
	v9 =	vor.u32 $0x4070, v0;
	_ =	strace $0x80000047;
	s6 =	sor.u32 s5, s4;
	s8 =	ssub.s32 s3, s30  }
0xb: {  	v10 =	vor.u32 $0x10, v0;
	v11 =	vor.u32 $0x20, v0;
	v12 =	vor.u32 $0x30, v0;
	s0 =	sadd.s32 s6, s0;
	s6 =	sadd.s32 s1, s6;
	s8 =	smax.u32 s8, $0x1  }
0xc: {  	v13 =	vor.u32 $0x40, v0;
	v14 =	vor.u32 $0x50, v0;
	v15 =	vor.u32 $0x60, v0;
	s1 =	simm.s32 $0x1;
	s3 =	sadd.s32 $0x2400, s0;
	s4 =	sadd.s32 $0x23400, s0  }
0xd: {  	v16 =	vor.u32 $0x70, v0;
	v17 =	vor.u32 $0x200, v0;
	v18 =	vor.u32 $0x210, v0;
	s5 =	sadd.s32 $0x44400, s0;
	s7 =	sadd.s32 $0x65400, s0;
	s9 =	sadd.s32 $0x22400, s0  }
0xe: {  	v19 =	vor.u32 $0x220, v0;
	v20 =	vor.u32 $0x230, v0;
	v21 =	vor.u32 $0x240, v0;
	s0 =	simm.s32 $0x1E700;
	s12 =	sadd.s32 $0x80, s9;
	s14 =	sadd.s32 $0x100, s9  }
0xf: {  	v22 =	vor.u32 $0x250, v0;
	v23 =	vor.u32 $0x260, v0;
	v24 =	vor.u32 $0x270, v0;
	s16 =	sadd.s32 $0x180, s9;
	s18 =	sadd.s32 $0x200, s9;
	s20 =	sadd.s32 $0x280, s9  }
.LBB2_1:
0x10: {  	s23 =	sadd.s32 $0x0, s3;
	s22 =	simm.s32 $0x0  }
0x11: {  	[tilespmem:s22], [sflag:$0x1] =	stream.strided.gather [hbm4b:s23+s10], $0x400, s11, s10, $0x38;
	[tilespmem:$0x1EC00] =	vst v63  }
0x12: {  	s24 =	simm.s32 $0x400;
	s25 =	sadd.s32 $0x80, s23  }
0x13: {  	[tilespmem:s24], [sflag:$0x1] =	stream.strided.gather [hbm4b:s25+s10], $0x400, s11, s10, $0x38;
	[tilespmem:$0x1EC00] =	vst v63  }
0x14: {  	s28 =	simm.s32 $0x800;
	s26 =	sadd.s32 $0x100, s23  }
0x15: {  	[tilespmem:s28], [sflag:$0x1] =	stream.strided.gather [hbm4b:s26+s10], $0x400, s11, s10, $0x38;
	[tilespmem:$0x1EC00] =	vst v63  }
0x16: {  	s30 =	simm.s32 $0xC00;
	s29 =	sadd.s32 $0x180, s23  }
0x17: {  	[tilespmem:s30], [sflag:$0x1] =	stream.strided.gather [hbm4b:s29+s10], $0x400, s11, s10, $0x38;
	[tilespmem:$0x1EC00] =	vst v63  }
0x18: {  	s22 =	simm.s32 $0x8000;
	s24 =	sadd.s32 $0x200, s23;
	s25 =	simm.s32 $0x1000  }
0x19: {  	[tilespmem:s25], [sflag:$0x1] =	stream.strided.gather [hbm4b:s24+s10], $0x400, s11, s10, $0x38;
	[tilespmem:$0x1EC00] =	vst v63  }
0x1a: {  	s26 =	sadd.s32 $0x280, s23;
	s28 =	simm.s32 $0x1400;
	s29 =	sadd.s32 $0x300, s23  }
0x1b: {  	[tilespmem:s28], [sflag:$0x1] =	stream.strided.gather [hbm4b:s26+s10], $0x400, s11, s10, $0x38;
	[tilespmem:$0x1EC00] =	vst v63  }
0x1c: {  	s30 =	simm.s32 $0x1800;
	s23 =	sadd.s32 $0x380, s23;
	s24 =	simm.s32 $0x1C00  }
0x1d: {  	[tilespmem:s30], [sflag:$0x1] =	stream.strided.gather [hbm4b:s29+s10], $0x400, s11, s10, $0x38;
	[tilespmem:$0x1EC00] =	vst v63  }
.LBB2_2:
0x1e: {  	[tilespmem:s24], [sflag:$0x1] =	stream.strided.gather [hbm4b:s23+s10], $0x400, s11, s10, $0x38;
	[tilespmem:$0x1EC00] =	vst v63  }
0x1f: {  	s23 =	sadd.s32 s22, s3;
	s24 =	sshra.s32 s22, $0x2;
	p0 =	seq.s32 s22, $0x18000  }
0x20: {  	[tilespmem:s24], [sflag:$0x1] =	stream.strided.gather [hbm4b:s23+s10], $0x400, s11, s10, $0x38;
	[tilespmem:$0x1EC00] =	vst v63  }
0x21: {  	s22 =	sadd.s32 $0x8000, s22;
	s25 =	sadd.s32 $0x80, s23;
	s26 =	sadd.s32 $0x400, s24  }
0x22: {  	[tilespmem:s26], [sflag:$0x1] =	stream.strided.gather [hbm4b:s25+s10], $0x400, s11, s10, $0x38;
	[tilespmem:$0x1EC00] =	vst v63  }
0x23: {  	s25 =	sadd.s32 $0x100, s23;
	s26 =	sadd.s32 $0x800, s24  }
0x24: {  	[tilespmem:s26], [sflag:$0x1] =	stream.strided.gather [hbm4b:s25+s10], $0x400, s11, s10, $0x38;
	[tilespmem:$0x1EC00] =	vst v63  }
0x25: {  	s25 =	sadd.s32 $0x180, s23;
	s26 =	sadd.s32 $0xC00, s24  }
0x26: {  	[tilespmem:s26], [sflag:$0x1] =	stream.strided.gather [hbm4b:s25+s10], $0x400, s11, s10, $0x38;
	[tilespmem:$0x1EC00] =	vst v63  }
0x27: {  	s25 =	sadd.s32 $0x200, s23;
	s26 =	sadd.s32 $0x1000, s24  }
0x28: {  	[tilespmem:s26], [sflag:$0x1] =	stream.strided.gather [hbm4b:s25+s10], $0x400, s11, s10, $0x38;
	[tilespmem:$0x1EC00] =	vst v63  }
.Ltmp0:
0x29: {  	s25 =	sadd.s32 $0x280, s23;
	s26 =	sadd.s32 $0x1400, s24;
	(pc) =	sbr.rel @!p0 .LBB2_2-.Ltmp0, $4  }
0x2a: {  	[tilespmem:s26], [sflag:$0x1] =	stream.strided.gather [hbm4b:s25+s10], $0x400, s11, s10, $0x38;
	[tilespmem:$0x1EC00] =	vst v63  }
0x2b: {  	s25 =	sadd.s32 $0x300, s23;
	s26 =	sadd.s32 $0x1800, s24  }
0x2c: {  	[tilespmem:s26], [sflag:$0x1] =	stream.strided.gather [hbm4b:s25+s10], $0x400, s11, s10, $0x38;
	[tilespmem:$0x1EC00] =	vst v63  }
0x2d: {  	s23 =	sadd.s32 $0x380, s23;
	s24 =	sadd.s32 $0x1C00, s24  }
0x2e: {  	[tilespmem:s24], [sflag:$0x1] =	stream.strided.gather [hbm4b:s23+s10], $0x400, s11, s10, $0x38;
	[tilespmem:$0x1EC00] =	vst v63  }
0x2f: {  	s22 =	simm.s32 $0x0  }
0x30: {  	[tilespmem:s11], [sflag:$0x1] =	stream.linear.gather [hbm4b:s9+s22], $0x80, $0x38;
	[tilespmem:$0x1EC00] =	vst v63  }
0x31: {  	s26 =	simm.s32 $0x8400  }
0x32: {  	[tilespmem:s26], [sflag:$0x1] =	stream.linear.gather [hbm4b:s12+s22], $0x80, $0x38;
	[tilespmem:$0x1EC00] =	vst v63  }
0x33: {  	s28 =	simm.s32 $0x8800  }
0x34: {  	[tilespmem:s28], [sflag:$0x1] =	stream.linear.gather [hbm4b:s14+s22], $0x80, $0x38;
	[tilespmem:$0x1EC00] =	vst v63  }
0x35: {  	s29 =	simm.s32 $0x8C00  }
0x36: {  	[tilespmem:s29], [sflag:$0x1] =	stream.linear.gather [hbm4b:s16+s22], $0x80, $0x38;
	[tilespmem:$0x1EC00] =	vst v63  }
0x37: {  	s30 =	simm.s32 $0x9000  }
0x38: {  	[tilespmem:s30], [sflag:$0x1] =	stream.linear.gather [hbm4b:s18+s22], $0x80, $0x38;
	[tilespmem:$0x1EC00] =	vst v63  }
0x39: {  	s24 =	simm.s32 $0x9400  }
0x3a: {  	[tilespmem:s24], [sflag:$0x1] =	stream.linear.gather [hbm4b:s20+s22], $0x80, $0x38;
	[tilespmem:$0x1EC00] =	vst v63  }
0x3b: {  	s25 =	sadd.s32 $0x300, s9;
	s26 =	simm.s32 $0x9800  }
0x3c: {  	[tilespmem:s26], [sflag:$0x1] =	stream.linear.gather [hbm4b:s25+s22], $0x80, $0x38;
	[tilespmem:$0x1EC00] =	vst v63  }
0x3d: {  	s28 =	sadd.s32 $0x380, s9;
	s29 =	simm.s32 $0x9C00  }
0x3e: {  	[tilespmem:s29], [sflag:$0x1] =	stream.linear.gather [hbm4b:s28+s22], $0x80, $0x38;
	[tilespmem:$0x1EC00] =	vst v63  }
0x3f: {  	s30 =	simm.s32 $0xA000;
	s25 =	sadd.s32 $0x0, s4  }
0x40: {  	[tilespmem:s30], [sflag:$0x1] =	stream.strided.gather [hbm4b:s25+s10], $0x400, s11, s10, $0x38;
	[tilespmem:$0x1EC00] =	vst v63  }
0x41: {  	s24 =	simm.s32 $0xA400;
	s23 =	sadd.s32 $0x80, s25  }
0x42: {  	[tilespmem:s24], [sflag:$0x1] =	stream.strided.gather [hbm4b:s23+s10], $0x400, s11, s10, $0x38;
	[tilespmem:$0x1EC00] =	vst v63  }
0x43: {  	s26 =	sadd.s32 $0x100, s25;
	s28 =	simm.s32 $0xA800;
	s29 =	sadd.s32 $0x180, s25  }
0x44: {  	[tilespmem:s28], [sflag:$0x1] =	stream.strided.gather [hbm4b:s26+s10], $0x400, s11, s10, $0x38;
	[tilespmem:$0x1EC00] =	vst v63  }
0x45: {  	s22 =	simm.s32 $0x2000;
	s30 =	simm.s32 $0xAC00;
	s23 =	sadd.s32 $0x200, s25  }
0x46: {  	[tilespmem:s30], [sflag:$0x1] =	stream.strided.gather [hbm4b:s29+s10], $0x400, s11, s10, $0x38;
	[tilespmem:$0x1EC00] =	vst v63  }
0x47: {  	s24 =	simm.s32 $0xB000;
	s26 =	sadd.s32 $0x280, s25;
	s28 =	simm.s32 $0xB400  }
0x48: {  	[tilespmem:s24], [sflag:$0x1] =	stream.strided.gather [hbm4b:s23+s10], $0x400, s11, s10, $0x38;
	[tilespmem:$0x1EC00] =	vst v63  }
0x49: {  	s29 =	sadd.s32 $0x300, s25;
	s30 =	simm.s32 $0xB800;
	s25 =	sadd.s32 $0x380, s25  }
0x4a: {  	[tilespmem:s28], [sflag:$0x1] =	stream.strided.gather [hbm4b:s26+s10], $0x400, s11, s10, $0x38;
	[tilespmem:$0x1EC00] =	vst v63  }
0x4b: {  	s23 =	simm.s32 $0x8000;
	s24 =	simm.s32 $0x10000;
	s26 =	simm.s32 $0xBC00  }
0x4c: {  	[tilespmem:s30], [sflag:$0x1] =	stream.strided.gather [hbm4b:s29+s10], $0x400, s11, s10, $0x38;
	[tilespmem:$0x1EC00] =	vst v63  }
.LBB2_4:
0x4d: {  	[tilespmem:s26], [sflag:$0x1] =	stream.strided.gather [hbm4b:s25+s10], $0x400, s11, s10, $0x38;
	[tilespmem:$0x1EC00] =	vst v63  }
0x4e: {  	s25 =	smov.u32 s24  }
0x4f: {  	s28 =	sshra.s32 s24, $0x2;
	s26 =	sadd.s32 s23, s4;
	s23 =	sadd.s32 $0xA000, s22  }
0x50: {  	[tilespmem:s23], [sflag:$0x1] =	stream.strided.gather [hbm4b:s26+s10], $0x400, s11, s10, $0x38;
	[tilespmem:$0x1EC00] =	vst v63  }
0x51: {  	s29 =	sadd.s32 $0x8000, s24;
	s30 =	sadd.s32 $0xA400, s22;
	s23 =	sadd.s32 $0x80, s26  }
0x52: {  	[tilespmem:s30], [sflag:$0x1] =	stream.strided.gather [hbm4b:s23+s10], $0x400, s11, s10, $0x38;
	[tilespmem:$0x1EC00] =	vst v63  }
0x53: {  	p0 =	seq.s32 s24, $0x18000;
	s24 =	sadd.s32 $0xA800, s22;
	s23 =	sadd.s32 $0x100, s26  }
0x54: {  	[tilespmem:s24], [sflag:$0x1] =	stream.strided.gather [hbm4b:s23+s10], $0x400, s11, s10, $0x38;
	[tilespmem:$0x1EC00] =	vst v63  }
0x55: {  	s30 =	sadd.s32 $0xAC00, s22;
	s24 =	sadd.s32 $0x180, s26;
	s23 =	smov.u32 s25  }
0x56: {  	[tilespmem:s30], [sflag:$0x1] =	stream.strided.gather [hbm4b:s24+s10], $0x400, s11, s10, $0x38;
	[tilespmem:$0x1EC00] =	vst v63  }
0x57: {  	s25 =	sadd.s32 $0xB000, s22;
	s24 =	sadd.s32 $0x200, s26  }
0x58: {  	[tilespmem:s25], [sflag:$0x1] =	stream.strided.gather [hbm4b:s24+s10], $0x400, s11, s10, $0x38;
	[tilespmem:$0x1EC00] =	vst v63  }
0x59: {  	s24 =	sadd.s32 $0x280, s26;
	s25 =	sadd.s32 $0xB400, s22  }
0x5a: {  	[tilespmem:s25], [sflag:$0x1] =	stream.strided.gather [hbm4b:s24+s10], $0x400, s11, s10, $0x38;
	[tilespmem:$0x1EC00] =	vst v63  }
.Ltmp1:
0x5b: {  	_ = 	snop;
	(pc) =	sbr.rel @!p0 .LBB2_4-.Ltmp1, $4  }
0x5c: {  	s24 =	sadd.s32 $0x300, s26;
	s25 =	sadd.s32 $0xB800, s22  }
0x5d: {  	[tilespmem:s25], [sflag:$0x1] =	stream.strided.gather [hbm4b:s24+s10], $0x400, s11, s10, $0x38;
	[tilespmem:$0x1EC00] =	vst v63  }
0x5e: {  	s25 =	sadd.s32 $0x380, s26  }
0x5f: {  	s26 =	sadd.s32 $0xBC00, s22;
	s22 =	smov.u32 s28;
	s24 =	smov.u32 s29  }
0x60: {  	[tilespmem:s26], [sflag:$0x1] =	stream.strided.gather [hbm4b:s25+s10], $0x400, s11, s10, $0x38;
	[tilespmem:$0x1EC00] =	vst v63  }
0x61: {  	s23 =	sadd.s32 s23, s4;
	s24 =	sadd.s32 $0xA000, s22  }
0x62: {  	[tilespmem:s24], [sflag:$0x1] =	stream.strided.gather [hbm4b:s23+s10], $0x400, s11, s10, $0x38;
	[tilespmem:$0x1EC00] =	vst v63  }
0x63: {  	s28 =	sadd.s32 $0xA400, s22;
	s26 =	sadd.s32 $0x80, s23  }
0x64: {  	[tilespmem:s28], [sflag:$0x1] =	stream.strided.gather [hbm4b:s26+s10], $0x400, s11, s10, $0x38;
	[tilespmem:$0x1EC00] =	vst v63  }
0x65: {  	s30 =	sadd.s32 $0xA800, s22;
	s29 =	sadd.s32 $0x100, s23  }
0x66: {  	[tilespmem:s30], [sflag:$0x1] =	stream.strided.gather [hbm4b:s29+s10], $0x400, s11, s10, $0x38;
	[tilespmem:$0x1EC00] =	vst v63  }
0x67: {  	s26 =	sadd.s32 $0x180, s23;
	s28 =	sadd.s32 $0xAC00, s22  }
0x68: {  	[tilespmem:s28], [sflag:$0x1] =	stream.strided.gather [hbm4b:s26+s10], $0x400, s11, s10, $0x38;
	[tilespmem:$0x1EC00] =	vst v63  }
0x69: {  	s29 =	sadd.s32 $0x200, s23;
	s30 =	sadd.s32 $0xB000, s22  }
0x6a: {  	[tilespmem:s30], [sflag:$0x1] =	stream.strided.gather [hbm4b:s29+s10], $0x400, s11, s10, $0x38;
	[tilespmem:$0x1EC00] =	vst v63  }
0x6b: {  	s26 =	sadd.s32 $0x280, s23;
	s28 =	sadd.s32 $0xB400, s22  }
0x6c: {  	[tilespmem:s28], [sflag:$0x1] =	stream.strided.gather [hbm4b:s26+s10], $0x400, s11, s10, $0x38;
	[tilespmem:$0x1EC00] =	vst v63  }
0x6d: {  	s29 =	sadd.s32 $0x300, s23;
	s30 =	sadd.s32 $0xB800, s22  }
0x6e: {  	[tilespmem:s30], [sflag:$0x1] =	stream.strided.gather [hbm4b:s29+s10], $0x400, s11, s10, $0x38;
	[tilespmem:$0x1EC00] =	vst v63  }
0x6f: {  	s23 =	sadd.s32 $0x380, s23;
	s26 =	sadd.s32 $0xBC00, s22  }
0x70: {  	[tilespmem:s26], [sflag:$0x1] =	stream.strided.gather [hbm4b:s23+s10], $0x400, s11, s10, $0x38;
	[tilespmem:$0x1EC00] =	vst v63  }
0x71: {  	s22 =	sadd.s32 $0x20000, s4;
	s28 =	simm.s32 $0x12000;
	s23 =	simm.s32 $0x0  }
0x72: {  	[tilespmem:s28], [sflag:$0x1] =	stream.linear.gather [hbm4b:s22+s23], $0x80, $0x38;
	[tilespmem:$0x1EC00] =	vst v63  }
0x73: {  	s29 =	sadd.s32 $0x80, s22;
	s30 =	simm.s32 $0x12400  }
0x74: {  	[tilespmem:s30], [sflag:$0x1] =	stream.linear.gather [hbm4b:s29+s23], $0x80, $0x38;
	[tilespmem:$0x1EC00] =	vst v63  }
0x75: {  	s26 =	sadd.s32 $0x100, s22;
	s28 =	simm.s32 $0x12800  }
0x76: {  	[tilespmem:s28], [sflag:$0x1] =	stream.linear.gather [hbm4b:s26+s23], $0x80, $0x38;
	[tilespmem:$0x1EC00] =	vst v63  }
0x77: {  	s29 =	sadd.s32 $0x180, s22;
	s30 =	simm.s32 $0x12C00  }
0x78: {  	[tilespmem:s30], [sflag:$0x1] =	stream.linear.gather [hbm4b:s29+s23], $0x80, $0x38;
	[tilespmem:$0x1EC00] =	vst v63  }
0x79: {  	s26 =	sadd.s32 $0x200, s22;
	s28 =	simm.s32 $0x13000  }
0x7a: {  	[tilespmem:s28], [sflag:$0x1] =	stream.linear.gather [hbm4b:s26+s23], $0x80, $0x38;
	[tilespmem:$0x1EC00] =	vst v63  }
0x7b: {  	s29 =	sadd.s32 $0x280, s22;
	s30 =	simm.s32 $0x13400  }
0x7c: {  	[tilespmem:s30], [sflag:$0x1] =	stream.linear.gather [hbm4b:s29+s23], $0x80, $0x38;
	[tilespmem:$0x1EC00] =	vst v63  }
0x7d: {  	s26 =	sadd.s32 $0x300, s22;
	s28 =	simm.s32 $0x13800  }
0x7e: {  	[tilespmem:s28], [sflag:$0x1] =	stream.linear.gather [hbm4b:s26+s23], $0x80, $0x38;
	[tilespmem:$0x1EC00] =	vst v63  }
0x7f: {  	s22 =	sadd.s32 $0x380, s22;
	s29 =	simm.s32 $0x13C00  }
0x80: {  	[tilespmem:s29], [sflag:$0x1] =	stream.linear.gather [hbm4b:s22+s23], $0x80, $0x38;
	[tilespmem:$0x1EC00] =	vst v63  }
0x81: {  	s25 =	sadd.s32 $0x0, s5;
	s30 =	simm.s32 $0x14000  }
0x82: {  	[tilespmem:s30], [sflag:$0x1] =	stream.strided.gather [hbm4b:s25+s10], $0x400, s11, s10, $0x38;
	[tilespmem:$0x1EC00] =	vst v63  }
0x83: {  	s24 =	simm.s32 $0x14400;
	s23 =	sadd.s32 $0x80, s25  }
0x84: {  	[tilespmem:s24], [sflag:$0x1] =	stream.strided.gather [hbm4b:s23+s10], $0x400, s11, s10, $0x38;
	[tilespmem:$0x1EC00] =	vst v63  }
0x85: {  	s26 =	sadd.s32 $0x100, s25;
	s28 =	simm.s32 $0x14800;
	s29 =	sadd.s32 $0x180, s25  }
0x86: {  	[tilespmem:s28], [sflag:$0x1] =	stream.strided.gather [hbm4b:s26+s10], $0x400, s11, s10, $0x38;
	[tilespmem:$0x1EC00] =	vst v63  }
0x87: {  	s22 =	simm.s32 $0x2000;
	s30 =	simm.s32 $0x14C00;
	s23 =	sadd.s32 $0x200, s25  }
0x88: {  	[tilespmem:s30], [sflag:$0x1] =	stream.strided.gather [hbm4b:s29+s10], $0x400, s11, s10, $0x38;
	[tilespmem:$0x1EC00] =	vst v63  }
0x89: {  	s24 =	simm.s32 $0x15000;
	s26 =	sadd.s32 $0x280, s25;
	s28 =	simm.s32 $0x15400  }
0x8a: {  	[tilespmem:s24], [sflag:$0x1] =	stream.strided.gather [hbm4b:s23+s10], $0x400, s11, s10, $0x38;
	[tilespmem:$0x1EC00] =	vst v63  }
0x8b: {  	s29 =	sadd.s32 $0x300, s25;
	s30 =	simm.s32 $0x15800;
	s25 =	sadd.s32 $0x380, s25  }
0x8c: {  	[tilespmem:s28], [sflag:$0x1] =	stream.strided.gather [hbm4b:s26+s10], $0x400, s11, s10, $0x38;
	[tilespmem:$0x1EC00] =	vst v63  }
0x8d: {  	s23 =	simm.s32 $0x8000;
	s24 =	simm.s32 $0x10000;
	s26 =	simm.s32 $0x15C00  }
0x8e: {  	[tilespmem:s30], [sflag:$0x1] =	stream.strided.gather [hbm4b:s29+s10], $0x400, s11, s10, $0x38;
	[tilespmem:$0x1EC00] =	vst v63  }
.LBB2_6:
0x8f: {  	[tilespmem:s26], [sflag:$0x1] =	stream.strided.gather [hbm4b:s25+s10], $0x400, s11, s10, $0x38;
	[tilespmem:$0x1EC00] =	vst v63  }
0x90: {  	s25 =	smov.u32 s24  }
0x91: {  	s28 =	sshra.s32 s24, $0x2;
	s26 =	sadd.s32 s23, s5;
	s23 =	sadd.s32 $0x14000, s22  }
0x92: {  	[tilespmem:s23], [sflag:$0x1] =	stream.strided.gather [hbm4b:s26+s10], $0x400, s11, s10, $0x38;
	[tilespmem:$0x1EC00] =	vst v63  }
0x93: {  	s29 =	sadd.s32 $0x8000, s24;
	s30 =	sadd.s32 $0x14400, s22;
	s23 =	sadd.s32 $0x80, s26  }
0x94: {  	[tilespmem:s30], [sflag:$0x1] =	stream.strided.gather [hbm4b:s23+s10], $0x400, s11, s10, $0x38;
	[tilespmem:$0x1EC00] =	vst v63  }
0x95: {  	p0 =	seq.s32 s24, $0x18000;
	s24 =	sadd.s32 $0x14800, s22;
	s23 =	sadd.s32 $0x100, s26  }
0x96: {  	[tilespmem:s24], [sflag:$0x1] =	stream.strided.gather [hbm4b:s23+s10], $0x400, s11, s10, $0x38;
	[tilespmem:$0x1EC00] =	vst v63  }
0x97: {  	s30 =	sadd.s32 $0x14C00, s22;
	s24 =	sadd.s32 $0x180, s26;
	s23 =	smov.u32 s25  }
0x98: {  	[tilespmem:s30], [sflag:$0x1] =	stream.strided.gather [hbm4b:s24+s10], $0x400, s11, s10, $0x38;
	[tilespmem:$0x1EC00] =	vst v63  }
0x99: {  	s25 =	sadd.s32 $0x15000, s22;
	s24 =	sadd.s32 $0x200, s26  }
0x9a: {  	[tilespmem:s25], [sflag:$0x1] =	stream.strided.gather [hbm4b:s24+s10], $0x400, s11, s10, $0x38;
	[tilespmem:$0x1EC00] =	vst v63  }
0x9b: {  	s24 =	sadd.s32 $0x280, s26;
	s25 =	sadd.s32 $0x15400, s22  }
0x9c: {  	[tilespmem:s25], [sflag:$0x1] =	stream.strided.gather [hbm4b:s24+s10], $0x400, s11, s10, $0x38;
	[tilespmem:$0x1EC00] =	vst v63  }
.Ltmp2:
0x9d: {  	_ = 	snop;
	(pc) =	sbr.rel @!p0 .LBB2_6-.Ltmp2, $4  }
0x9e: {  	s24 =	sadd.s32 $0x300, s26;
	s25 =	sadd.s32 $0x15800, s22  }
0x9f: {  	[tilespmem:s25], [sflag:$0x1] =	stream.strided.gather [hbm4b:s24+s10], $0x400, s11, s10, $0x38;
	[tilespmem:$0x1EC00] =	vst v63  }
0xa0: {  	s25 =	sadd.s32 $0x380, s26  }
0xa1: {  	s26 =	sadd.s32 $0x15C00, s22;
	s22 =	smov.u32 s28;
	s24 =	smov.u32 s29  }
0xa2: {  	[tilespmem:s26], [sflag:$0x1] =	stream.strided.gather [hbm4b:s25+s10], $0x400, s11, s10, $0x38;
	[tilespmem:$0x1EC00] =	vst v63  }
0xa3: {  	s23 =	sadd.s32 s23, s5;
	s24 =	sadd.s32 $0x14000, s22  }
0xa4: {  	[tilespmem:s24], [sflag:$0x1] =	stream.strided.gather [hbm4b:s23+s10], $0x400, s11, s10, $0x38;
	[tilespmem:$0x1EC00] =	vst v63  }
0xa5: {  	s28 =	sadd.s32 $0x14400, s22;
	s26 =	sadd.s32 $0x80, s23  }
0xa6: {  	[tilespmem:s28], [sflag:$0x1] =	stream.strided.gather [hbm4b:s26+s10], $0x400, s11, s10, $0x38;
	[tilespmem:$0x1EC00] =	vst v63  }
0xa7: {  	s30 =	sadd.s32 $0x14800, s22;
	s29 =	sadd.s32 $0x100, s23  }
0xa8: {  	[tilespmem:s30], [sflag:$0x1] =	stream.strided.gather [hbm4b:s29+s10], $0x400, s11, s10, $0x38;
	[tilespmem:$0x1EC00] =	vst v63  }
0xa9: {  	s26 =	sadd.s32 $0x180, s23;
	s28 =	sadd.s32 $0x14C00, s22  }
0xaa: {  	[tilespmem:s28], [sflag:$0x1] =	stream.strided.gather [hbm4b:s26+s10], $0x400, s11, s10, $0x38;
	[tilespmem:$0x1EC00] =	vst v63  }
0xab: {  	s29 =	sadd.s32 $0x200, s23;
	s30 =	sadd.s32 $0x15000, s22  }
0xac: {  	[tilespmem:s30], [sflag:$0x1] =	stream.strided.gather [hbm4b:s29+s10], $0x400, s11, s10, $0x38;
	[tilespmem:$0x1EC00] =	vst v63  }
0xad: {  	s26 =	sadd.s32 $0x280, s23;
	s28 =	sadd.s32 $0x15400, s22  }
0xae: {  	[tilespmem:s28], [sflag:$0x1] =	stream.strided.gather [hbm4b:s26+s10], $0x400, s11, s10, $0x38;
	[tilespmem:$0x1EC00] =	vst v63  }
0xaf: {  	s29 =	sadd.s32 $0x300, s23;
	s30 =	sadd.s32 $0x15800, s22  }
0xb0: {  	[tilespmem:s30], [sflag:$0x1] =	stream.strided.gather [hbm4b:s29+s10], $0x400, s11, s10, $0x38;
	[tilespmem:$0x1EC00] =	vst v63  }
0xb1: {  	s23 =	sadd.s32 $0x380, s23;
	s26 =	sadd.s32 $0x15C00, s22  }
0xb2: {  	[tilespmem:s26], [sflag:$0x1] =	stream.strided.gather [hbm4b:s23+s10], $0x400, s11, s10, $0x38;
	[tilespmem:$0x1EC00] =	vst v63  }
0xb3: {  	s22 =	simm.s32 $0x0;
	s28 =	simm.s32 $0x1C000;
	s23 =	sadd.s32 $0x20000, s5  }
0xb4: {  	[tilespmem:s28], [sflag:$0x1] =	stream.linear.gather [hbm4b:s23+s22], $0x80, $0x38;
	[tilespmem:$0x1EC00] =	vst v63  }
0xb5: {  	s30 =	simm.s32 $0x1C400;
	s29 =	sadd.s32 $0x80, s23  }
0xb6: {  	[tilespmem:s30], [sflag:$0x1] =	stream.linear.gather [hbm4b:s29+s22], $0x80, $0x38;
	[tilespmem:$0x1EC00] =	vst v63  }
0xb7: {  	s26 =	sadd.s32 $0x100, s23;
	s28 =	simm.s32 $0x1C800  }
0xb8: {  	[tilespmem:s28], [sflag:$0x1] =	stream.linear.gather [hbm4b:s26+s22], $0x80, $0x38;
	[tilespmem:$0x1EC00] =	vst v63  }
0xb9: {  	s29 =	sadd.s32 $0x180, s23;
	s30 =	simm.s32 $0x1CC00  }
0xba: {  	[tilespmem:s30], [sflag:$0x1] =	stream.linear.gather [hbm4b:s29+s22], $0x80, $0x38;
	[tilespmem:$0x1EC00] =	vst v63  }
0xbb: {  	s26 =	sadd.s32 $0x200, s23;
	s28 =	simm.s32 $0x1D000  }
0xbc: {  	[tilespmem:s28], [sflag:$0x1] =	stream.linear.gather [hbm4b:s26+s22], $0x80, $0x38;
	[tilespmem:$0x1EC00] =	vst v63  }
0xbd: {  	s29 =	sadd.s32 $0x280, s23;
	s30 =	simm.s32 $0x1D400  }
0xbe: {  	[tilespmem:s30], [sflag:$0x1] =	stream.linear.gather [hbm4b:s29+s22], $0x80, $0x38;
	[tilespmem:$0x1EC00] =	vst v63  }
0xbf: {  	s26 =	sadd.s32 $0x300, s23;
	s28 =	simm.s32 $0x1D800  }
0xc0: {  	[tilespmem:s28], [sflag:$0x1] =	stream.linear.gather [hbm4b:s26+s22], $0x80, $0x38;
	[tilespmem:$0x1EC00] =	vst v63  }
0xc1: {  	s23 =	sadd.s32 $0x380, s23;
	s29 =	simm.s32 $0x1DC00  }
0xc2: {  	[tilespmem:s29], [sflag:$0x1] =	stream.linear.gather [hbm4b:s23+s22], $0x80, $0x38;
	[tilespmem:$0x1EC00] =	vst v63  }
0xc3: {  	s30 =	simm.s32 $0x1E000  }
0xc4: {  	[tilespmem:s30], [sflag:$0x1] =	stream.strided.gather [hbm4b:s6+s10], $0x100, s11, s10, $0x38;
	[tilespmem:$0x1EC00] =	vst v63  }
0xc5: {  	s25 =	simm.s32 $0x1E100;
	s24 =	sadd.s32 $0x80, s6  }
0xc6: {  	[tilespmem:s25], [sflag:$0x1] =	stream.strided.gather [hbm4b:s24+s10], $0x100, s11, s10, $0x38;
	[tilespmem:$0x1EC00] =	vst v63  }
0xc7: {  	s26 =	sadd.s32 $0x100, s6;
	s28 =	simm.s32 $0x1E200  }
0xc8: {  	[tilespmem:s28], [sflag:$0x1] =	stream.strided.gather [hbm4b:s26+s10], $0x100, s11, s10, $0x38;
	[tilespmem:$0x1EC00] =	vst v63  }
0xc9: {  	s29 =	sadd.s32 $0x180, s6;
	s30 =	simm.s32 $0x1E300  }
0xca: {  	[tilespmem:s30], [sflag:$0x1] =	stream.strided.gather [hbm4b:s29+s10], $0x100, s11, s10, $0x38;
	[tilespmem:$0x1EC00] =	vst v63  }
0xcb: {  	s24 =	sadd.s32 $0x200, s6;
	s25 =	simm.s32 $0x1E400  }
0xcc: {  	[tilespmem:s25], [sflag:$0x1] =	stream.strided.gather [hbm4b:s24+s10], $0x100, s11, s10, $0x38;
	[tilespmem:$0x1EC00] =	vst v63  }
0xcd: {  	s26 =	sadd.s32 $0x280, s6;
	s28 =	simm.s32 $0x1E500  }
0xce: {  	[tilespmem:s28], [sflag:$0x1] =	stream.strided.gather [hbm4b:s26+s10], $0x100, s11, s10, $0x38;
	[tilespmem:$0x1EC00] =	vst v63  }
0xcf: {  	s29 =	sadd.s32 $0x300, s6  }
0xd0: {  	[tilespmem:s31], [sflag:$0x1] =	stream.strided.gather [hbm4b:s29+s10], $0x100, s11, s10, $0x38;
	[tilespmem:$0x1EC00] =	vst v63  }
0xd1: {  	s30 =	sadd.s32 $0x380, s6  }
0xd2: {  	[tilespmem:s0], [sflag:$0x1] =	stream.strided.gather [hbm4b:s30+s10], $0x100, s11, s10, $0x38;
	[tilespmem:$0x1EC00] =	vst v63  }
0xd3: {  	_ =	swait.ge [sflag:s1], $0x8400  }
0xd4: {  	[sflag:s1] =	ssyncset.done $0x0  }
0xd5: {  	[sflag:s1] =	ssyncadd.s32 $0xFFFF7C00  }
0xd6: {  	_ =	swait.ge [sflag:s1], $0x8400  }
0xd7: {  	[sflag:s1] =	ssyncset.done $0x0  }
0xd8: {  	[sflag:s1] =	ssyncadd.s32 $0xFFFF7C00  }
0xd9: {  	_ =	swait.ge [sflag:s1], $0x8400  }
0xda: {  	[sflag:s1] =	ssyncset.done $0x0  }
0xdb: {  	[sflag:s1] =	ssyncadd.s32 $0xFFFF7C00  }
0xdc: {  	_ =	swait.ge [sflag:s1], $0x800  }
0xdd: {  	s23 =	simm.s32 $0x1E080;
	[sflag:s1] =	ssyncset.done $0x0  }
0xde: {  	s24 =	simm.s32 $0x1E840;
	s25 =	simm.s32 $0x0;
	[sflag:s1] =	ssyncadd.s32 $0xFFFFF800  }
.LBB2_8:
0xdf: {  	v25 =	vmov s22  }
0xe0: {  	v25 =	vshrl.u32 v25, $0x7  }
0xe1: {  	v25 =	vshll.u32 v25, $0xA  }
0xe2: {  	v25 =	vbroadcast v25, $0x0;
	_ =	sdelay $0x1  }
0xe3: {  	v34 =	vld [tilespmem:s23+$0xFFFFFF80];
	v26 =	vor.u32 v1, v25  }
0xe4: {  	v32 =	vld [tilespmem:s23+$0xFFFFFF90];
	v27 =	vadd.s32 v3, v25  }
0xe5: {  	v31 =	vld [tilespmem:s23+$0xFFFFFFA0]  }
0xe6: {  	v30 =	vld [tilespmem:s23+$0xFFFFFFB0];
	v35 =	vadd.s32 v4, v25  }
0xe7: {  	v29 =	vld [tilespmem:s23+$0xFFFFFFC0];
	v36 =	vadd.s32 v5, v25  }
0xe8: {  	v38 =	vadd.s32 v6, v25;
	v26 =	vld.idx.msk [tilespmem:v26+s2+$0x0], $0xffff  }
0xe9: {  	v41 =	vadd.s32 v8, v25;
	v33 =	vld.idx.msk [tilespmem:v27+s2+$0x0], $0xffff  }
0xea: {  	v27 =	vld [tilespmem:s23+$0xFFFFFFE0]  }
0xeb: {  	v35 =	vld.idx.msk [tilespmem:v35+s2+$0x0], $0xffff  }
0xec: {  	v36 =	vld.idx.msk [tilespmem:v36+s2+$0x0], $0xffff  }
0xed: {  	v38 =	vld.idx.msk [tilespmem:v38+s2+$0x0], $0xffff  }
0xee: {  	v43 =	vadd.s32 v9, v25;
	v41 =	vld.idx.msk [tilespmem:v41+s2+$0x0], $0xffff  }
0xef: {  	v55 =	vadd.s32 v7, v25;
	_ =	sdelay $0x1  }
0xf0: {  	vm0 =	vle.f32 v26, v34;
	vm15 =	vle.f32 v33, v32  }
0xf1: {  	v28 =	vld [tilespmem:s23+$0xFFFFFFD0];
	vm4 =	vle.f32 v35, v31;
	vm5 =	vle.f32 v36, v30;
	vm6 =	vle.f32 v38, v29  }
0xf2: {  	v43 =	vld.idx.msk [tilespmem:v43+s2+$0x0], $0xffff;
	vm7 =	vle.f32 v41, v27;
	v37 =	vsel vm0, $0x10, v2;
	v40 =	vsel vm15, $0x10, v2  }
0xf3: {  	v33 =	vld.idx.msk [tilespmem:v55+s2+$0x0], $0xffff;
	v35 =	vsel vm4, $0x10, v2;
	v41 =	vsel vm7, $0x10, v2;
	v39 =	vor.u32 $0x8, v37  }
0xf4: {  	v26 =	vld [tilespmem:s23+$0xFFFFFFF0];
	v44 =	vor.u32 $0x8, v40;
	v58 =	vor.u32 $0x8, v35;
	v51 =	vor.u32 $0x8, v41  }
0xf5: {  	v42 =	vshll.u32 v39, $0xA;
	v45 =	vshll.u32 v44, $0xA;
	v59 =	vshll.u32 v58, $0xA  }
0xf6: {  	v52 =	vshll.u32 v51, $0xA;
	v42 =	vadd.s32 v25, v42;
	v45 =	vadd.s32 v25, v45  }
0xf7: {  	v36 =	vadd.s32 v25, v59;
	v52 =	vadd.s32 v25, v52;
	v42 =	vor.u32 v0, v42  }
0xf8: {  	v45 =	vor.u32 v10, v45;
	vm1 =	vle.f32 v33, v28;
	v33 =	vsel vm6, $0x10, v2  }
0xf9: {  	vm8 =	vle.f32 v43, v26;
	v36 =	vor.u32 v11, v36;
	v52 =	vor.u32 v15, v52  }
0xfa: {  	v38 =	vsel vm1, $0x10, v2;
	v57 =	vsel vm8, $0x10, v2;
	v47 =	vor.u32 $0x8, v33  }
0xfb: {  	v48 =	vshll.u32 v47, $0xA;
	v49 =	vor.u32 $0x8, v38;
	v53 =	vor.u32 $0x8, v57  }
0xfc: {  	v48 =	vadd.s32 v25, v48;
	v50 =	vshll.u32 v49, $0xA;
	v54 =	vshll.u32 v53, $0xA;
	v42 =	vld.idx.msk [tilespmem:v42+s2+$0x0], $0xffff  }
0xfd: {  	v48 =	vor.u32 v13, v48;
	v50 =	vadd.s32 v25, v50;
	v56 =	vld.idx.msk [tilespmem:v45+s2+$0x0], $0xffff;
	v45 =	vsel vm5, $0x10, v2  }
0xfe: {  	v54 =	vadd.s32 v25, v54;
	v50 =	vor.u32 v14, v50;
	v60 =	vor.u32 $0x8, v45  }
0xff: {  	v61 =	vor.u32 v16, v54;
	v46 =	vshll.u32 v60, $0xA  }
0x100: {  	v36 =	vld.idx.msk [tilespmem:v36+s2+$0x0], $0xffff;
	v46 =	vadd.s32 v25, v46  }
0x101: {  	v52 =	vld.idx.msk [tilespmem:v52+s2+$0x0], $0xffff;
	v46 =	vor.u32 v12, v46;
	vm9 =	vle.f32 v42, v34  }
0x102: {  	v48 =	vld.idx.msk [tilespmem:v48+s2+$0x0], $0xffff;
	vm10 =	vle.f32 v56, v32;
	v37 =	vsel vm9, v39, v37  }
0x103: {  	v50 =	vld.idx.msk [tilespmem:v50+s2+$0x0], $0xffff;
	v40 =	vsel vm10, v44, v40;
	v55 =	vshll.u32 v37, $0xA  }
0x104: {  	v44 =	vld.idx.msk [tilespmem:v61+s2+$0x0], $0xffff;
	v63 =	vshll.u32 v40, $0xA;
	v62 =	vadd.s32 v25, v55  }
0x105: {  	v55 =	vadd.s32 v25, v63;
	v54 =	vor.u32 v17, v62  }
0x106: {  	vm11 =	vle.f32 v36, v31;
	vm2 =	vle.f32 v52, v27;
	v46 =	vld.idx.msk [tilespmem:v46+s2+$0x0], $0xffff;
	v55 =	vor.u32 v18, v55  }
0x107: {  	v35 =	vsel vm11, v58, v35;
	v41 =	vsel vm2, v51, v41;
	v51 =	vor.u32 $0x4, v37  }
0x108: {  	v52 =	vor.u32 $0x4, v40;
	v58 =	vshll.u32 v41, $0xA;
	vm13 =	vle.f32 v48, v29  }
0x109: {  	vm14 =	vle.f32 v50, v28;
	v33 =	vsel vm13, v47, v33;
	vm15 =	vle.f32 v44, v26  }
0x10a: {  	v38 =	vsel vm14, v49, v38;
	v56 =	vshll.u32 v33, $0xA;
	v42 =	vsel vm15, v53, v57;
	v54 =	vld.idx.msk [tilespmem:v54+s2+$0x0], $0xffff  }
0x10b: {  	v53 =	vshll.u32 v35, $0xA;
	v44 =	vadd.s32 v25, v56;
	vm12 =	vle.f32 v46, v30;
	v46 =	vld.idx.msk [tilespmem:v55+s2+$0x0], $0xffff  }
0x10c: {  	v57 =	vshll.u32 v38, $0xA;
	v39 =	vadd.s32 v25, v53;
	v44 =	vor.u32 v21, v44  }
0x10d: {  	v59 =	vshll.u32 v42, $0xA;
	v53 =	vor.u32 v0, v25;
	v39 =	vor.u32 v19, v39  }
0x10e: {  	v47 =	vadd.s32 v25, v59;
	v36 =	vsel vm12, v60, v45;
	v45 =	vadd.s32 v25, v57  }
0x10f: {  	v47 =	vor.u32 v24, v47;
	v45 =	vor.u32 v22, v45;
	vm4 =	vle.f32 v54, v34  }
0x110: {  	vm5 =	vle.f32 v46, v32;
	v54 =	vshll.u32 v36, $0xA;
	v46 =	vadd.s32 v25, v58  }
0x111: {  	v37 =	vsel vm4, v51, v37;
	v40 =	vsel vm5, v52, v40;
	v55 =	vadd.s32 v25, v54  }
0x112: {  	v46 =	vor.u32 v23, v46;
	v43 =	vor.u32 v20, v55;
	v48 =	vor.u32 $0x2, v37  }
0x113: {  	v60 =	vshll.u32 v37, $0xA;
	v51 =	vor.u32 $0x2, v40;
	v61 =	vshll.u32 v48, $0x7  }
0x114: {  	v62 =	vshll.u32 v40, $0xA;
	v49 =	vand.u32 $0x7FFFE000, v60;
	v50 =	vand.u32 $0x380, v61  }
0x115: {  	v44 =	vld.idx.msk [tilespmem:v44+s2+$0x0], $0xffff;
	v52 =	vand.u32 $0x7FFFE000, v62;
	v63 =	vshll.u32 v51, $0x7;
	v49 =	vor.u32 v50, v49  }
0x116: {  	v39 =	vld.idx.msk [tilespmem:v39+s2+$0x0], $0xffff;
	v56 =	vadd.s32 v25, v52;
	v57 =	vand.u32 $0x380, v63;
	v49 =	vor.u32 v53, v49  }
0x117: {  	v45 =	vld.idx.msk [tilespmem:v45+s2+$0x0], $0xffff;
	v50 =	vor.u32 v57, v56  }
0x118: {  	v47 =	vld.idx.msk [tilespmem:v47+s2+$0x0], $0xffff;
	v50 =	vor.u32 v10, v50  }
0x119: {  	v46 =	vld.idx.msk [tilespmem:v46+s2+$0x0], $0xffff  }
0x11a: {  	v58 =	vor.u32 $0x4, v35;
	v60 =	vor.u32 $0x4, v36;
	v43 =	vld.idx.msk [tilespmem:v43+s2+$0x0], $0xffff  }
0x11b: {  	v62 =	vor.u32 $0x4, v38;
	v61 =	vor.u32 $0x4, v33;
	vm8 =	vle.f32 v44, v29;
	v59 =	vld.idx.msk [tilespmem:v49+s2+$0x0], $0xffff  }
0x11c: {  	v63 =	vor.u32 $0x4, v41;
	vm6 =	vle.f32 v39, v31;
	vm9 =	vle.f32 v45, v28  }
0x11d: {  	v33 =	vsel vm8, v61, v33;
	v35 =	vsel vm6, v58, v35;
	v38 =	vsel vm9, v62, v38;
	v50 =	vld.idx.msk [tilespmem:v50+s2+$0x0], $0xffff  }
0x11e: {  	vm11 =	vle.f32 v47, v26;
	v61 =	vshll.u32 v38, $0xA;
	vm10 =	vle.f32 v46, v27  }
0x11f: {  	v49 =	vor.u32 $0x4, v42;
	vm7 =	vle.f32 v43, v30;
	v41 =	vsel vm10, v63, v41  }
0x120: {  	v39 =	vsel vm11, v49, v42;
	v36 =	vsel vm7, v60, v36;
	vm12 =	vle.f32 v59, v34  }
0x121: {  	v63 =	vshll.u32 v41, $0xA;
	v56 =	vshll.u32 v36, $0xA;
	v37 =	vsel vm12, v48, v37  }
0x122: {  	v57 =	vand.u32 $0x7FFFE000, v56;
	vm13 =	vle.f32 v50, v32;
	v44 =	vadd.s32 $0x1, v37  }
0x123: {  	v59 =	vshll.u32 v33, $0xA;
	v52 =	vshll.u32 v44, $0xA;
	v54 =	vshll.u32 v44, $0x7  }
0x124: {  	v42 =	vsel vm13, v51, v40;
	v45 =	vand.u32 $0x7FFFE000, v52;
	v46 =	vand.u32 $0x380, v54  }
0x125: {  	v40 =	vor.u32 $0x2, v35;
	v51 =	vshll.u32 v35, $0xA;
	v45 =	vor.u32 v45, v46  }
0x126: {  	v49 =	vand.u32 $0x7FFFE000, v59;
	v43 =	vand.u32 $0x7FFFE000, v51;
	v45 =	vor.u32 v53, v45  }
0x127: {  	v55 =	vshll.u32 v40, $0x7;
	v49 =	vadd.s32 v25, v49;
	v46 =	vor.u32 $0x2, v36  }
0x128: {  	v43 =	vadd.s32 v25, v43;
	v47 =	vand.u32 $0x380, v55;
	v58 =	vshll.u32 v46, $0x7  }
0x129: {  	v43 =	vor.u32 v47, v43;
	v47 =	vadd.s32 v25, v57;
	v48 =	vand.u32 $0x380, v58  }
0x12a: {  	v51 =	vand.u32 $0x7FFFE000, v61;
	v47 =	vor.u32 v48, v47;
	v48 =	vor.u32 $0x2, v33  }
0x12b: {  	v51 =	vadd.s32 v25, v51;
	v54 =	vor.u32 $0x2, v41;
	v60 =	vshll.u32 v48, $0x7;
	v45 =	vld.idx.msk [tilespmem:v45+s2+$0x0], $0xffff  }
0x12c: {  	v57 =	vand.u32 $0x7FFFE000, v63;
	v63 =	vshll.u32 v39, $0xA;
	v50 =	vand.u32 $0x380, v60  }
0x12d: {  	v58 =	vshll.u32 v54, $0x7;
	v49 =	vor.u32 v50, v49;
	v50 =	vor.u32 $0x2, v38  }
0x12e: {  	v43 =	vor.u32 v11, v43;
	v55 =	vand.u32 $0x380, v58;
	v62 =	vshll.u32 v50, $0x7  }
0x12f: {  	v47 =	vor.u32 v12, v47;
	v49 =	vor.u32 v13, v49;
	v52 =	vand.u32 $0x380, v62  }
0x130: {  	v51 =	vor.u32 v52, v51;
	v52 =	vadd.s32 v25, v57;
	vm14 =	vle.f32 v45, v34  }
0x131: {  	v59 =	vor.u32 v55, v52;
	v45 =	vor.u32 v14, v51;
	v37 =	vsel vm14, v44, v37  }
0x132: {  	v51 =	vor.u32 $0x2, v39;
	v44 =	vor.u32 v15, v59;
	v60 =	vshll.u32 v37, $0xA  }
0x133: {  	v61 =	vadd.s32 $0x1, v37;
	v37 =	vshll.u32 v37, $0x7;
	v52 =	vand.u32 $0x7FFFE000, v60  }
0x134: {  	v37 =	vand.u32 $0x380, v37;
	v56 =	vshll.u32 v61, $0xA;
	v55 =	vshll.u32 v61, $0x7  }
0x135: {  	v37 =	vor.u32 v52, v37;
	v62 =	vand.u32 $0x7FFFE000, v56;
	v55 =	vand.u32 $0x380, v55  }
0x136: {  	v47 =	vld.idx.msk [tilespmem:v47+s2+$0x0], $0xffff;
	v61 =	vand.u32 $0x7FFFE000, v63;
	v57 =	vor.u32 v53, v37;
	v60 =	vor.u32 v62, v55  }
0x137: {  	v49 =	vld.idx.msk [tilespmem:v49+s2+$0x0], $0xffff;
	v63 =	vshll.u32 v51, $0x7;
	v55 =	vadd.s32 $0x1, v42;
	v53 =	vor.u32 v53, v60  }
0x138: {  	v52 =	vand.u32 $0x380, v63;
	v37 =	vld.idx.msk [tilespmem:v43+s2+$0x0], $0xffff;
	v62 =	vadd.s32 v25, v61;
	v60 =	vshll.u32 v55, $0xA  }
0x139: {  	v45 =	vld.idx.msk [tilespmem:v45+s2+$0x0], $0xffff;
	v58 =	vshll.u32 v55, $0x7;
	v43 =	vor.u32 v52, v62;
	v56 =	vand.u32 $0x7FFFE000, v60  }
0x13a: {  	v44 =	vld.idx.msk [tilespmem:v44+s2+$0x0], $0xffff;
	v62 =	vand.u32 $0x380, v58;
	v43 =	vor.u32 v16, v43;
	v61 =	vadd.s32 v25, v56  }
0x13b: {  	v52 =	vor.u32 v62, v61;
	v56 =	vld.idx.msk [tilespmem:v57+s2+$0x0], $0xffff  }
0x13c: {  	v52 =	vor.u32 v10, v52;
	v58 =	vld.idx.msk [tilespmem:v53+s2+$0x0], $0xffff;
	_ =	sdelay $0x1  }
0x13d: {  	v59 =	vld [tilespmem:s23+$0x0]  }
0x13e: {  	vm4 =	vle.f32 v47, v30;
	vm6 =	vle.f32 v45, v28;
	v60 =	vld.idx.msk [tilespmem:v43+s2+$0x0], $0xffff  }
0x13f: {  	vm5 =	vle.f32 v49, v29;
	vm15 =	vle.f32 v37, v31;
	v37 =	vsel vm6, v50, v38  }
0x140: {  	vm7 =	vle.f32 v44, v27;
	v43 =	vsel vm4, v46, v36;
	v63 =	vld.idx.msk [tilespmem:v52+s2+$0x0], $0xffff;
	v52 =	vsub.f32 v58, v56  }
0x141: {  	v45 =	vadd.s32 $0x1, v43;
	v34 =	vsub.f32 v34, v56;
	v58 =	vsel vm15, v40, v35  }
0x142: {  	v40 =	vsel vm5, v48, v33;
	v35 =	vsel vm7, v54, v41;
	v49 =	vadd.f32 v52, v59  }
0x143: {  	v46 =	vadd.s32 $0x1, v58;
	vm8 =	vle.f32 v60, v26;
	v60 =	vshll.u32 v45, $0xA  }
0x144: {  	v54 =	vshll.u32 v46, $0xA;
	v33 =	vsel vm8, v51, v39;
	(erf) = vrcp.f32 v49  }
0x145: {  	v59 =	vshll.u32 v46, $0x7;
	v61 =	vand.u32 $0x7FFFE000, v60;
	v36 =	vand.u32 $0x7FFFE000, v54  }
0x146: {  	v39 =	vand.u32 $0x380, v59;
	vm9 =	vle.f32 v63, v32;
	v36 =	vadd.s32 v25, v36  }
0x147: {  	v63 =	vld.idx.msk [tilespmem:v53+s13+$0x0], $0xffff;
	v53 =	vshll.u32 v45, $0x7;
	v38 =	vsel vm9, v55, v42;
	v42 =	vadd.s32 $0x1, v40  }
0x148: {  	v44 =	vld.idx.msk [tilespmem:v57+s13+$0x0], $0xffff;
	v47 =	vor.u32 v39, v36;
	v36 =	vadd.s32 v25, v61;
	v62 =	vshll.u32 v42, $0xA  }
0x149: {  	v48 =	vand.u32 $0x380, v53;
	v55 =	vshll.u32 v42, $0x7;
	v39 =	vand.u32 $0x7FFFE000, v62  }
0x14a: {  	v48 =	vor.u32 v48, v36;
	v54 =	vadd.s32 v25, v39;
	v39 =	vadd.s32 $0x1, v37  }
0x14b: {  	s26 =	sshra.s32 s25, $0x2;
	v47 =	vor.u32 v11, v47;
	v59 =	vand.u32 $0x380, v55;
	v60 =	vshll.u32 v39, $0xA  }
0x14c: {  	v48 =	vor.u32 v12, v48;
	v56 =	vshll.u32 v39, $0x7;
	v36 =	vand.u32 $0x7FFFE000, v60;
	v60 =	vld [tilespmem:s26+$0x1C000]  }
0x14d: {  	v49 =	vor.u32 v59, v54;
	v62 =	vsub.f32 v63, v44;
	v51 =	vand.u32 $0x380, v56;
	v61 =	vpop (erf)  }
0x14e: {  	v63 =	vadd.s32 v25, v36;
	v36 =	vadd.s32 $0x1, v35;
	v50 =	vmul.f32 v61, v34  }
0x14f: {  	v49 =	vor.u32 v13, v49;
	v59 =	vshll.u32 v36, $0xA;
	v41 =	vor.u32 v51, v63  }
0x150: {  	v41 =	vor.u32 v14, v41;
	v61 =	vand.u32 $0x7FFFE000, v59;
	v34 =	vmul.f32 v50, v62  }
0x151: {  	v51 =	vadd.s32 v25, v61;
	(erf) = vrcp.f32 v60;
	v62 =	vshll.u32 v36, $0x7  }
0x152: {  	v53 =	vand.u32 $0x380, v62;
	v63 =	vadd.f32 v34, v44;
	v34 =	vadd.s32 $0x1, v33  }
0x153: {  	v62 =	vshll.u32 v38, $0xA;
	v51 =	vor.u32 v53, v51;
	v59 =	vshll.u32 v34, $0xA  }
0x154: {  	v60 =	vshll.u32 v34, $0x7;
	v44 =	vadd.f32 v63, v44;
	v53 =	vand.u32 $0x7FFFE000, v59  }
0x155: {  	v54 =	vand.u32 $0x380, v60;
	v63 =	vadd.s32 $0x1, v38;
	v38 =	vshll.u32 v38, $0x7  }
0x156: {  	v61 =	vld.idx.msk [tilespmem:v57+s15+$0x0], $0xffff;
	v53 =	vadd.s32 v25, v53;
	v57 =	vshll.u32 v63, $0xA;
	v38 =	vand.u32 $0x380, v38  }
0x157: {  	v53 =	vor.u32 v54, v53;
	v44 =	vmul.f32 v44, v50;
	v50 =	vor.u32 v15, v51  }
0x158: {  	v54 =	vand.u32 $0x7FFFE000, v62;
	v55 =	vand.u32 $0x7FFFE000, v57;
	v51 =	vor.u32 v16, v53  }
0x159: {  	v54 =	vadd.s32 v25, v54;
	v44 =	vmul.f32 v44, v52;
	v52 =	vshll.u32 v63, $0x7  }
0x15a: {  	v47 =	vld.idx.msk [tilespmem:v47+s2+$0x0], $0xffff;
	v59 =	vadd.s32 v25, v55;
	v38 =	vor.u32 v38, v54;
	v52 =	vand.u32 $0x380, v52  }
0x15b: {  	v48 =	vld.idx.msk [tilespmem:v48+s2+$0x0], $0xffff;
	v55 =	vor.u32 v10, v38;
	v53 =	vadd.f32 v44, v61;
	v60 =	vor.u32 v52, v59  }
0x15c: {  	v49 =	vld.idx.msk [tilespmem:v49+s2+$0x0], $0xffff;
	v61 =	vpop (erf);
	v54 =	vor.u32 v10, v60  }
0x15d: {  	v44 =	vld.idx.msk [tilespmem:v41+s2+$0x0], $0xffff;
	v62 =	vmul.f32 v53, v61  }
0x15e: {  	v41 =	vld.idx.msk [tilespmem:v50+s2+$0x0], $0xffff  }
0x15f: {  	v38 =	vld.idx.msk [tilespmem:v51+s2+$0x0], $0xffff;
	[tilespmem:s24+$0xFFFFFFC0] =	vst v62  }
0x160: {  	v50 =	vld.idx.msk [tilespmem:v55+s2+$0x0], $0xffff  }
0x161: {  	v63 =	vld.idx.msk [tilespmem:v54+s2+$0x0], $0xffff;
	_ =	sdelay $0x1  }
0x162: {  	v56 =	vld [tilespmem:s23+$0x10];
	_ =	sdelay $0x2  }
0x163: {  	v51 =	vsub.f32 v63, v50;
	_ =	sdelay $0x1  }
0x164: {  	v52 =	vadd.f32 v51, v56;
	_ =	sdelay $0x1  }
0x165: {  	(erf) = vrcp.f32 v52;
	_ =	sdelay $0x3  }
0x166: {  	v57 =	vld.idx.msk [tilespmem:v55+s13+$0x0], $0xffff  }
0x167: {  	v59 =	vld.idx.msk [tilespmem:v54+s13+$0x0], $0xffff;
	_ =	sdelay $0x2  }
0x168: {  	v32 =	vsub.f32 v32, v50  }
0x169: {  	v62 =	vld [tilespmem:s26+$0x1C010];
	v60 =	vpop (erf)  }
0x16a: {  	v61 =	vsub.f32 v59, v57;
	v32 =	vmul.f32 v60, v32;
	_ =	sdelay $0x1  }
0x16b: {  	v50 =	vmul.f32 v32, v61;
	_ =	sdelay $0x1  }
0x16c: {  	(erf) = vrcp.f32 v62;
	v50 =	vadd.f32 v50, v57  }
0x16d: {  	vm10 =	vle.f32 v47, v31  }
0x16e: {  	v46 =	vsel vm10, v46, v58;
	v50 =	vadd.f32 v50, v57  }
0x16f: {  	v63 =	vld.idx.msk [tilespmem:v55+s15+$0x0], $0xffff;
	v56 =	vshll.u32 v46, $0xA;
	v57 =	vadd.s32 $0x1, v46  }
0x170: {  	v46 =	vshll.u32 v46, $0x7;
	v58 =	vshll.u32 v57, $0xA;
	v32 =	vmul.f32 v50, v32  }
0x171: {  	v46 =	vand.u32 $0x380, v46;
	v50 =	vand.u32 $0x7FFFE000, v56;
	v52 =	vand.u32 $0x7FFFE000, v58  }
0x172: {  	v50 =	vadd.s32 v25, v50;
	v32 =	vmul.f32 v32, v51;
	v51 =	vshll.u32 v57, $0x7  }
0x173: {  	v59 =	vadd.s32 v25, v52;
	v46 =	vor.u32 v46, v50;
	v51 =	vand.u32 $0x380, v51  }
0x174: {  	v46 =	vor.u32 v11, v46;
	v32 =	vadd.f32 v32, v63;
	v60 =	vor.u32 v51, v59  }
0x175: {  	v61 =	vpop (erf);
	v47 =	vor.u32 v11, v60  }
0x176: {  	v32 =	vmul.f32 v32, v61;
	_ =	sdelay $0x1  }
0x177: {  	[tilespmem:s24+$0xFFFFFFD0] =	vst v32  }
0x178: {  	v32 =	vld.idx.msk [tilespmem:v46+s2+$0x0], $0xffff  }
0x179: {  	v62 =	vld.idx.msk [tilespmem:v47+s2+$0x0], $0xffff;
	_ =	sdelay $0x1  }
0x17a: {  	v63 =	vld [tilespmem:s23+$0x20];
	_ =	sdelay $0x2  }
0x17b: {  	v50 =	vsub.f32 v62, v32;
	_ =	sdelay $0x1  }
0x17c: {  	v51 =	vadd.f32 v50, v63;
	_ =	sdelay $0x1  }
0x17d: {  	(erf) = vrcp.f32 v51;
	_ =	sdelay $0x3  }
0x17e: {  	v54 =	vld.idx.msk [tilespmem:v46+s13+$0x0], $0xffff  }
0x17f: {  	v47 =	vld.idx.msk [tilespmem:v47+s13+$0x0], $0xffff;
	_ =	sdelay $0x2  }
0x180: {  	v31 =	vsub.f32 v31, v32  }
0x181: {  	v57 =	vld [tilespmem:s26+$0x1C020];
	v55 =	vpop (erf)  }
0x182: {  	v56 =	vsub.f32 v47, v54;
	v31 =	vmul.f32 v55, v31;
	_ =	sdelay $0x1  }
0x183: {  	v32 =	vmul.f32 v31, v56;
	_ =	sdelay $0x1  }
0x184: {  	vm11 =	vle.f32 v48, v30;
	(erf) = vrcp.f32 v57;
	v32 =	vadd.f32 v32, v54  }
0x185: {  	v43 =	vsel vm11, v45, v43  }
0x186: {  	v45 =	vshll.u32 v43, $0xA;
	v32 =	vadd.f32 v32, v54  }
0x187: {  	v45 =	vand.u32 $0x7FFFE000, v45;
	v58 =	vld.idx.msk [tilespmem:v46+s15+$0x0], $0xffff  }
0x188: {  	v59 =	vadd.s32 $0x1, v43;
	v43 =	vshll.u32 v43, $0x7;
	v31 =	vmul.f32 v32, v31  }
0x189: {  	v45 =	vadd.s32 v25, v45;
	v60 =	vshll.u32 v59, $0xA;
	v43 =	vand.u32 $0x380, v43  }
0x18a: {  	v46 =	vshll.u32 v59, $0x7;
	v47 =	vand.u32 $0x7FFFE000, v60;
	v31 =	vmul.f32 v31, v50  }
0x18b: {  	v43 =	vor.u32 v43, v45;
	v46 =	vand.u32 $0x380, v46;
	v61 =	vadd.s32 v25, v47  }
0x18c: {  	v62 =	vor.u32 v12, v43;
	v63 =	vor.u32 v46, v61;
	v31 =	vadd.f32 v31, v58  }
0x18d: {  	v43 =	vor.u32 v12, v63;
	v48 =	vpop (erf)  }
0x18e: {  	v31 =	vmul.f32 v31, v48;
	_ =	sdelay $0x1  }
0x18f: {  	[tilespmem:s24+$0xFFFFFFE0] =	vst v31  }
0x190: {  	v31 =	vld.idx.msk [tilespmem:v62+s2+$0x0], $0xffff  }
0x191: {  	v50 =	vld.idx.msk [tilespmem:v43+s2+$0x0], $0xffff;
	_ =	sdelay $0x1  }
0x192: {  	v51 =	vld [tilespmem:s23+$0x30];
	_ =	sdelay $0x2  }
0x193: {  	v45 =	vsub.f32 v50, v31;
	_ =	sdelay $0x1  }
0x194: {  	v46 =	vadd.f32 v45, v51;
	_ =	sdelay $0x1  }
0x195: {  	(erf) = vrcp.f32 v46;
	_ =	sdelay $0x3  }
0x196: {  	v52 =	vld.idx.msk [tilespmem:v62+s13+$0x0], $0xffff  }
0x197: {  	v43 =	vld.idx.msk [tilespmem:v43+s13+$0x0], $0xffff;
	_ =	sdelay $0x2  }
0x198: {  	v30 =	vsub.f32 v30, v31  }
0x199: {  	v55 =	vld [tilespmem:s26+$0x1C030];
	v53 =	vpop (erf)  }
0x19a: {  	v54 =	vsub.f32 v43, v52;
	v30 =	vmul.f32 v53, v30;
	_ =	sdelay $0x1  }
0x19b: {  	v31 =	vmul.f32 v30, v54;
	_ =	sdelay $0x1  }
0x19c: {  	(erf) = vrcp.f32 v55;
	v31 =	vadd.f32 v31, v52  }
0x19d: {  	vm12 =	vle.f32 v49, v29  }
0x19e: {  	v40 =	vsel vm12, v42, v40;
	v31 =	vadd.f32 v31, v52  }
0x19f: {  	v42 =	vadd.s32 $0x1, v40;
	v57 =	vshll.u32 v40, $0xA;
	v56 =	vld.idx.msk [tilespmem:v62+s15+$0x0], $0xffff  }
0x1a0: {  	v40 =	vshll.u32 v40, $0x7;
	v32 =	vand.u32 $0x7FFFE000, v57;
	v30 =	vmul.f32 v31, v30  }
0x1a1: {  	v40 =	vand.u32 $0x380, v40;
	v32 =	vadd.s32 v25, v32;
	v58 =	vshll.u32 v42, $0xA  }
0x1a2: {  	v42 =	vshll.u32 v42, $0x7;
	v43 =	vand.u32 $0x7FFFE000, v58;
	v30 =	vmul.f32 v30, v45  }
0x1a3: {  	v32 =	vor.u32 v40, v32;
	v42 =	vand.u32 $0x380, v42;
	v59 =	vadd.s32 v25, v43  }
0x1a4: {  	v60 =	vor.u32 v13, v32;
	v61 =	vor.u32 v42, v59;
	v30 =	vadd.f32 v30, v56  }
0x1a5: {  	v32 =	vor.u32 v13, v61;
	v62 =	vpop (erf)  }
0x1a6: {  	v30 =	vmul.f32 v30, v62;
	_ =	sdelay $0x1  }
0x1a7: {  	[tilespmem:s24+$0xFFFFFFF0] =	vst v30  }
0x1a8: {  	v30 =	vld.idx.msk [tilespmem:v60+s2+$0x0], $0xffff  }
0x1a9: {  	v63 =	vld.idx.msk [tilespmem:v32+s2+$0x0], $0xffff;
	_ =	sdelay $0x1  }
0x1aa: {  	v45 =	vld [tilespmem:s23+$0x40];
	_ =	sdelay $0x2  }
0x1ab: {  	v40 =	vsub.f32 v63, v30;
	_ =	sdelay $0x1  }
0x1ac: {  	v42 =	vadd.f32 v40, v45;
	_ =	sdelay $0x1  }
0x1ad: {  	(erf) = vrcp.f32 v42;
	_ =	sdelay $0x3  }
0x1ae: {  	v46 =	vld.idx.msk [tilespmem:v60+s13+$0x0], $0xffff  }
0x1af: {  	v32 =	vld.idx.msk [tilespmem:v32+s13+$0x0], $0xffff;
	_ =	sdelay $0x2  }
0x1b0: {  	v29 =	vsub.f32 v29, v30  }
0x1b1: {  	v49 =	vld [tilespmem:s26+$0x1C040];
	v47 =	vpop (erf)  }
0x1b2: {  	v48 =	vsub.f32 v32, v46;
	v29 =	vmul.f32 v47, v29;
	_ =	sdelay $0x1  }
0x1b3: {  	v30 =	vmul.f32 v29, v48;
	_ =	sdelay $0x1  }
0x1b4: {  	vm13 =	vle.f32 v44, v28;
	(erf) = vrcp.f32 v49;
	v30 =	vadd.f32 v30, v46  }
0x1b5: {  	v50 =	vsel vm13, v39, v37  }
0x1b6: {  	v37 =	vadd.s32 $0x1, v50;
	v30 =	vadd.f32 v30, v46  }
0x1b7: {  	v53 =	vshll.u32 v37, $0xA;
	v51 =	vld.idx.msk [tilespmem:v60+s15+$0x0], $0xffff  }
0x1b8: {  	v37 =	vshll.u32 v37, $0x7;
	v52 =	vshll.u32 v50, $0xA;
	v29 =	vmul.f32 v30, v29  }
0x1b9: {  	v39 =	vand.u32 $0x7FFFE000, v53;
	v31 =	vand.u32 $0x7FFFE000, v52;
	v32 =	vshll.u32 v50, $0x7  }
0x1ba: {  	v31 =	vadd.s32 v25, v31;
	v32 =	vand.u32 $0x380, v32;
	v29 =	vmul.f32 v29, v40  }
0x1bb: {  	v37 =	vand.u32 $0x380, v37;
	v54 =	vadd.s32 v25, v39;
	v31 =	vor.u32 v32, v31  }
0x1bc: {  	v56 =	vor.u32 v37, v54;
	v55 =	vor.u32 v14, v31;
	v29 =	vadd.f32 v29, v51  }
0x1bd: {  	v31 =	vor.u32 v14, v56;
	v57 =	vpop (erf)  }
0x1be: {  	v29 =	vmul.f32 v29, v57;
	_ =	sdelay $0x1  }
0x1bf: {  	[tilespmem:s24+$0x0] =	vst v29  }
0x1c0: {  	v29 =	vld.idx.msk [tilespmem:v55+s2+$0x0], $0xffff  }
0x1c1: {  	v58 =	vld.idx.msk [tilespmem:v31+s2+$0x0], $0xffff;
	_ =	sdelay $0x1  }
0x1c2: {  	v59 =	vld [tilespmem:s23+$0x50];
	_ =	sdelay $0x2  }
0x1c3: {  	v32 =	vsub.f32 v58, v29;
	_ =	sdelay $0x1  }
0x1c4: {  	v37 =	vadd.f32 v32, v59;
	_ =	sdelay $0x1  }
0x1c5: {  	(erf) = vrcp.f32 v37;
	_ =	sdelay $0x3  }
0x1c6: {  	v60 =	vld.idx.msk [tilespmem:v55+s13+$0x0], $0xffff  }
0x1c7: {  	v31 =	vld.idx.msk [tilespmem:v31+s13+$0x0], $0xffff;
	_ =	sdelay $0x2  }
0x1c8: {  	v28 =	vsub.f32 v28, v29  }
0x1c9: {  	v63 =	vld [tilespmem:s26+$0x1C050];
	v61 =	vpop (erf)  }
0x1ca: {  	v62 =	vsub.f32 v31, v60;
	v28 =	vmul.f32 v61, v28;
	_ =	sdelay $0x1  }
0x1cb: {  	v29 =	vmul.f32 v28, v62;
	_ =	sdelay $0x1  }
0x1cc: {  	(erf) = vrcp.f32 v63;
	v29 =	vadd.f32 v29, v60  }
0x1cd: {  	vm14 =	vle.f32 v41, v27  }
0x1ce: {  	v36 =	vsel vm14, v36, v35;
	v29 =	vadd.f32 v29, v60  }
0x1cf: {  	v39 =	vshll.u32 v36, $0xA;
	v40 =	vadd.s32 $0x1, v36;
	v37 =	vld.idx.msk [tilespmem:v55+s15+$0x0], $0xffff  }
0x1d0: {  	v30 =	vand.u32 $0x7FFFE000, v39;
	v41 =	vshll.u32 v40, $0xA;
	v28 =	vmul.f32 v29, v28  }
0x1d1: {  	v30 =	vadd.s32 v25, v30;
	v35 =	vand.u32 $0x7FFFE000, v41;
	v31 =	vshll.u32 v36, $0x7  }
0x1d2: {  	v31 =	vand.u32 $0x380, v31;
	v28 =	vmul.f32 v28, v32;
	v32 =	vshll.u32 v40, $0x7  }
0x1d3: {  	v42 =	vadd.s32 v25, v35;
	v30 =	vor.u32 v31, v30;
	v32 =	vand.u32 $0x380, v32  }
0x1d4: {  	v43 =	vor.u32 v15, v30;
	v28 =	vadd.f32 v28, v37;
	v44 =	vor.u32 v32, v42  }
0x1d5: {  	v45 =	vpop (erf);
	v30 =	vor.u32 v15, v44  }
0x1d6: {  	v28 =	vmul.f32 v28, v45;
	_ =	sdelay $0x1  }
0x1d7: {  	[tilespmem:s24+$0x10] =	vst v28  }
0x1d8: {  	v28 =	vld.idx.msk [tilespmem:v43+s2+$0x0], $0xffff  }
0x1d9: {  	v46 =	vld.idx.msk [tilespmem:v30+s2+$0x0], $0xffff;
	_ =	sdelay $0x1  }
0x1da: {  	v47 =	vld [tilespmem:s23+$0x60];
	_ =	sdelay $0x2  }
0x1db: {  	v31 =	vsub.f32 v46, v28;
	_ =	sdelay $0x1  }
0x1dc: {  	v32 =	vadd.f32 v31, v47;
	_ =	sdelay $0x1  }
0x1dd: {  	(erf) = vrcp.f32 v32;
	_ =	sdelay $0x3  }
0x1de: {  	v48 =	vld.idx.msk [tilespmem:v43+s13+$0x0], $0xffff  }
0x1df: {  	v30 =	vld.idx.msk [tilespmem:v30+s13+$0x0], $0xffff;
	_ =	sdelay $0x2  }
0x1e0: {  	v27 =	vsub.f32 v27, v28  }
0x1e1: {  	v51 =	vld [tilespmem:s26+$0x1C060];
	v49 =	vpop (erf)  }
0x1e2: {  	v50 =	vsub.f32 v30, v48;
	v27 =	vmul.f32 v49, v27;
	_ =	sdelay $0x1  }
0x1e3: {  	v28 =	vmul.f32 v27, v50;
	_ =	sdelay $0x1  }
0x1e4: {  	(erf) = vrcp.f32 v51;
	v28 =	vadd.f32 v28, v48  }
0x1e5: {  	vm15 =	vle.f32 v38, v26  }
0x1e6: {  	v52 =	vsel vm15, v34, v33;
	v28 =	vadd.f32 v28, v48  }
0x1e7: {  	v54 =	vshll.u32 v52, $0xA;
	v55 =	vadd.s32 $0x1, v52;
	v53 =	vld.idx.msk [tilespmem:v43+s15+$0x0], $0xffff  }
0x1e8: {  	v29 =	vand.u32 $0x7FFFE000, v54;
	v30 =	vshll.u32 v52, $0x7;
	v27 =	vmul.f32 v28, v27  }
0x1e9: {  	v56 =	vshll.u32 v55, $0xA;
	v29 =	vadd.s32 v25, v29;
	v30 =	vand.u32 $0x380, v30  }
0x1ea: {  	v32 =	vand.u32 $0x7FFFE000, v56;
	v27 =	vmul.f32 v27, v31;
	v31 =	vshll.u32 v55, $0x7  }
0x1eb: {  	v29 =	vor.u32 v30, v29;
	v25 =	vadd.s32 v25, v32;
	v57 =	vand.u32 $0x380, v31  }
0x1ec: {  	v58 =	vor.u32 v16, v29;
	v27 =	vadd.f32 v27, v53;
	v25 =	vor.u32 v57, v25  }
0x1ed: {  	v59 =	vpop (erf);
	v25 =	vor.u32 v16, v25  }
0x1ee: {  	v27 =	vmul.f32 v27, v59;
	_ =	sdelay $0x1  }
0x1ef: {  	[tilespmem:s24+$0x20] =	vst v27  }
0x1f0: {  	v27 =	vld.idx.msk [tilespmem:v58+s2+$0x0], $0xffff  }
0x1f1: {  	v60 =	vld.idx.msk [tilespmem:v25+s2+$0x0], $0xffff;
	_ =	sdelay $0x1  }
0x1f2: {  	v61 =	vld [tilespmem:s23+$0x70];
	_ =	sdelay $0x2  }
0x1f3: {  	v29 =	vsub.f32 v60, v27;
	_ =	sdelay $0x1  }
0x1f4: {  	v30 =	vadd.f32 v29, v61;
	_ =	sdelay $0x1  }
0x1f5: {  	(erf) = vrcp.f32 v30;
	_ =	sdelay $0x3  }
0x1f6: {  	v62 =	vld.idx.msk [tilespmem:v58+s13+$0x0], $0xffff  }
0x1f7: {  	v25 =	vld.idx.msk [tilespmem:v25+s13+$0x0], $0xffff;
	_ =	sdelay $0x2  }
0x1f8: {  	v26 =	vsub.f32 v26, v27  }
0x1f9: {  	v27 =	vld [tilespmem:s26+$0x1C070];
	v63 =	vpop (erf)  }
0x1fa: {  	v25 =	vsub.f32 v25, v62;
	v26 =	vmul.f32 v63, v26;
	_ =	sdelay $0x1  }
0x1fb: {  	v25 =	vmul.f32 v26, v25;
	_ =	sdelay $0x1  }
0x1fc: {  	(erf) = vrcp.f32 v27;
	v25 =	vadd.f32 v25, v62;
	_ =	sdelay $0x1  }
0x1fd: {  	v25 =	vadd.f32 v25, v62  }
0x1fe: {  	v27 =	vld.idx.msk [tilespmem:v58+s15+$0x0], $0xffff  }
0x1ff: {  	v25 =	vmul.f32 v25, v26;
	_ =	sdelay $0x1  }
0x200: {  	v25 =	vmul.f32 v25, v29  }
0x201: {  	p0 =	sne.s32 s25, $0x7000  }
.Ltmp3:
0x202: {  	v25 =	vadd.f32 v25, v27;
	(pc) =	sbr.rel @p0 .LBB2_8-.Ltmp3, $4  }
0x203: {  	v26 =	vpop (erf)  }
0x204: {  	v25 =	vmul.f32 v25, v26  }
0x205: {  	s22 =	sadd.s32 $0x80, s22  }
0x206: {  	s25 =	sadd.s32 $0x1000, s25;
	s23 =	sadd.s32 $0x100, s23;
	[tilespmem:s24+$0x30] =	vst v25;
	s24 =	sadd.s32 $0x80, s24  }
0x207: {  	s21 =	sadd.s32 $0x1, s21  }
0x208: {  	p0 =	sne.s32 s21, s8  }
.Ltmp4:
0x209: {  	_ = 	snop;
	(pc) =	sbr.rel @p0 .LBB2_1-.Ltmp4, $4  }
0x20a: {  	[hbm4b:s7+s10] =	stream.strided.scatter [tilespmem:s19], [sflag:$0x1], $0x400, s17, s10, $0x38;
	[tilespmem:$0x1EC00] =	vst v63  }
0x20b: {  	_ =	swait.ge [sflag:s1], $0x400  }
0x20c: {  	[sflag:s1] =	ssyncset.done $0x0  }
0x20d: {  	[sflag:s1] =	ssyncadd.s32 $0xFFFFFC00  }
0x20e: {  	_ =	sfence.sel $0x180000  }
0x20f: {  	[bflag:$0x0] =	sbarrier.arrive $0xFFFF  }
0x210: {  	_ =	strace $0x90000047  }
0x211: {  	s0 =	stileid.u32;
	[bflag:$0x2] =	sbarrier.arrive $0xFFFF  }
0x212: {  	p0 =	sne.s32 s0, $0x0;
	s0 =	rddreg [dreg:$0x2]  }
0x213: {  	s0 =	sadd.s32 @!p0 $0x100000, s0  }
0x214: {  	[sflag:s0] =	ssyncadd.tile.s32 @!p0 $0x1;
	_ =	shalt  }
.Lfunc_end2:
_tile_overlayer_lowered:
.L_overlay_start_2:
0x215: {  	(tag) =	ssettag $0x2  }
0x216: {  	s0 =	rddreg [dreg:$0x0];
	s2 =	stileid.u32  }
0x217: {  	s1 =	rddreg [dreg:$0x1];
	p0 =	sne.s32 s2, $0x0  }
0x218: {  	s3 =	rddreg [dreg:$0x2];
	[bflag:$0x3] =	sbarrier.arrive $0xFFFF;
	s2 =	simm.s32 @!p0 $0x1C02  }
0x219: {  	[timem:s3], [sflag:s2] =	dma.local @!p0 [hbm:s0], s1  }
0x21a: {  	s0 =	simm.s32 @!p0 $0x2  }
0x21b: {  	_ =	swait.ge @!p0 [sflag:s0], s1  }
0x21c: {  	s1 =	ssub.s32 @!p0 $0x0, s1;
	[sflag:s0] =	ssyncset.done @!p0 $0x0  }
0x21d: {  	[sflag:s0] =	ssyncadd.s32 @!p0 s1  }
0x21e: {  	[bflag:$0x3] =	sbarrier.arrive $0xFFFF  }
0x21f: {  	_ =	shalt  }

</sc_bundles>
